<compile_context>
chip_gen: v7x
topology: tpu7x:2x2x1
jax: 0.10.2.dev20260603
libtpu: 0.0.44.dev20260713+nightly
codegen_flags: <defaults>
</compile_context>

<pallas_src>
import functools

import jax
import jax.numpy as jnp
from jax import lax
from jax.experimental import pallas as pl
from jax.experimental.pallas import tpu as pltpu
from jax.experimental.pallas import tpu_sc as plsc

N = 10000
E = 320000
F = 128

NCORES = 2
NSUB = 16
NW = NCORES * NSUB
CHUNK = 128
KCH = 80
RING = 16
KFAST = 144
KSLOW = 2 * KCH - KFAST
EPAD = NW * KCH * CHUNK
NPAD = 10112
ROWS_PER_TILE = NPAD // NSUB


def _sc_segment_sum(feats_pad, src3, dst3):
    mesh = plsc.VectorSubcoreMesh(core_axis_name="c", subcore_axis_name="s")

    @functools.partial(
        pl.kernel,
        mesh=mesh,
        out_type=[
            jax.ShapeDtypeStruct((NCORES, NPAD, F), jnp.float32),
            jax.ShapeDtypeStruct((NCORES, NPAD, F), jnp.float32),
        ],
        scratch_types=[
            pltpu.VMEM((RING, CHUNK), jnp.int32),
            pltpu.VMEM((RING, CHUNK), jnp.int32),
            pltpu.VMEM((CHUNK, F), jnp.float32),
            pltpu.VMEM((CHUNK, F), jnp.float32),
            pltpu.MemorySpace.VMEM_SHARED((NPAD, F), jnp.float32),
            pltpu.SemaphoreType.DMA,
            pltpu.SemaphoreType.DMA,
        ],
    )
    def k(feats_hbm, src_hbm, dst_hbm, psum_hbm, pcnt_hbm,
          src_v, dst_v, gbuf, gbuf2, acc_sh, sem, sem2):
        cid = lax.axis_index("c")
        sid = lax.axis_index("s")
        wid = cid * NSUB + sid
        kch = jnp.where(cid == 0, KFAST, KSLOW)
        r0 = sid * ROWS_PER_TILE
        nfull = ROWS_PER_TILE // CHUNK
        rem = ROWS_PER_TILE % CHUNK

        def fill(val16):
            def body(i, _):
                for c in range(F // 16):
                    gbuf[i, pl.ds(c * 16, 16)] = val16
                return 0
            lax.fori_loop(0, CHUNK, body, 0)

        def zero_acc():
            for t in range(nfull):
                pltpu.sync_copy(gbuf, acc_sh.at[pl.ds(r0 + t * CHUNK, CHUNK)])
            pltpu.sync_copy(gbuf.at[pl.ds(0, rem)],
                            acc_sh.at[pl.ds(r0 + nfull * CHUNK, rem)])

        def stage(g0):
            g0 = pl.multiple_of(g0, RING)
            pltpu.sync_copy(src_hbm.at[wid, pl.ds(g0, RING)], src_v)
            pltpu.sync_copy(dst_hbm.at[wid, pl.ds(g0, RING)], dst_v)

        def gather_sweep():
            stage(0)
            pltpu.async_copy(feats_hbm.at[dst_v.at[0]], gbuf, sem)

            def body(p, _):
                ja = 2 * p
                jb = ja + 1
                pltpu.make_async_copy(feats_hbm.at[pl.ds(0, CHUNK)], gbuf,
                                      sem).wait()
                pltpu.async_copy(feats_hbm.at[dst_v.at[jb % RING]], gbuf2,
                                 sem2)
                pltpu.sync_copy(gbuf, acc_sh.at[src_v.at[ja % RING]],
                                add=True)
                pltpu.make_async_copy(feats_hbm.at[pl.ds(0, CHUNK)], gbuf2,
                                      sem2).wait()

                boundary = (jb + 1) % RING == 0

                @pl.when(jnp.logical_and(jnp.logical_not(boundary),
                                         jb + 1 < kch))
                def _():
                    pltpu.async_copy(feats_hbm.at[dst_v.at[(jb + 1) % RING]],
                                     gbuf, sem)
                pltpu.sync_copy(gbuf2, acc_sh.at[src_v.at[jb % RING]],
                                add=True)

                @pl.when(jnp.logical_and(boundary, jb + 1 < kch))
                def _():
                    stage(jb + 1)
                    pltpu.async_copy(feats_hbm.at[dst_v.at[(jb + 1) % RING]],
                                     gbuf, sem)
                return 0
            lax.fori_loop(0, kch // 2, body, 0)

        def ones_sweep():
            def outer(g, _):
                pltpu.sync_copy(src_hbm.at[wid, pl.ds(g * RING, RING)], src_v)
                descs = [
                    pltpu.async_copy(gbuf, acc_sh.at[src_v.at[j]], sem,
                                     add=True)
                    for j in range(RING)
                ]
                for d in descs:
                    d.wait()
                return 0
            lax.fori_loop(0, kch // RING, outer, 0)

        def writeout(out_hbm):
            pltpu.sync_copy(acc_sh.at[pl.ds(r0, ROWS_PER_TILE)],
                            out_hbm.at[cid, pl.ds(r0, ROWS_PER_TILE)])

        fill(jnp.zeros((16,), jnp.float32))
        zero_acc()
        plsc.subcore_barrier()
        gather_sweep()
        plsc.subcore_barrier()
        writeout(psum_hbm)
        plsc.subcore_barrier()

        fill(jnp.zeros((16,), jnp.float32))
        zero_acc()
        fill(jnp.ones((16,), jnp.float32))
        plsc.subcore_barrier()
        ones_sweep()
        plsc.subcore_barrier()
        writeout(pcnt_hbm)

    return k(feats_pad, src3, dst3)


BLK = 2528


def _tc_finish(feats_pad, W, psum, pcnt):
    def body(x_ref, w_ref, s_ref, c_ref, o_ref):
        x = x_ref[...]
        w = w_ref[...]
        s = s_ref[0] + s_ref[1]
        c = c_ref[0][:, 0:1] + c_ref[1][:, 0:1]
        mean = jnp.where(c > 0, s / jnp.maximum(c, 1.0), 0.0)
        nodes = jnp.dot(x, w, preferred_element_type=jnp.float32)
        agg = jnp.dot(mean, w, preferred_element_type=jnp.float32)
        o_ref[...] = jnp.maximum(jnp.concatenate([nodes, agg], axis=-1), 0.0)

    return pl.pallas_call(
        body,
        grid=(NPAD // BLK,),
        in_specs=[
            pl.BlockSpec((BLK, F), lambda i: (i, 0)),
            pl.BlockSpec((F, F), lambda i: (0, 0)),
            pl.BlockSpec((NCORES, BLK, F), lambda i: (0, i, 0)),
            pl.BlockSpec((NCORES, BLK, F), lambda i: (0, i, 0)),
        ],
        out_specs=pl.BlockSpec((BLK, 2 * F), lambda i: (i, 0)),
        out_shape=jax.ShapeDtypeStruct((NPAD, 2 * F), jnp.float32),
    )(feats_pad, W, psum, pcnt)


@jax.jit
def kernel(features, edge_src, edge_dst, W):
    feats2d = features.reshape(N, F)
    feats_pad = jnp.pad(feats2d, ((0, NPAD - N), (0, 0)))
    src_pad = jnp.full((EPAD,), N, jnp.int32).at[:E].set(edge_src)
    dst_pad = jnp.zeros((EPAD,), jnp.int32).at[:E].set(edge_dst)

    def split(flat, pad_val):
        nfast = NSUB * KFAST * CHUNK
        a = flat[:nfast].reshape(NSUB, KFAST, CHUNK)
        b = flat[nfast:].reshape(NSUB, KSLOW, CHUNK)
        b = jnp.pad(b, ((0, 0), (0, KFAST - KSLOW), (0, 0)),
                    constant_values=pad_val)
        return jnp.concatenate([a, b], axis=0)

    src3 = split(src_pad, N)
    dst3 = split(dst_pad, 0)
    psum, pcnt = _sc_segment_sum(feats_pad, src3, dst3)
    out = _tc_finish(feats_pad, W, psum, pcnt)
    return out[:N].reshape(N, 1, 1, 2 * F)

# --- scband reference (transcript-rebuilt; emitter-appended) ---
"""Pipeline reference for scband-graph-conv-12421045420338 (READ-ONLY COPY).

The authoritative reference and input builder live on the scoring server;
editing this copy changes nothing except your own understanding.
"""

import jax, jax.numpy as jnp
import numpy as np

N = 10000
E = 320000
IN_FEAT = 128
OUT_FEAT = 128


def setup_inputs(seed: int = 0) -> dict:
    key = jax.random.key(seed)
    k1, k2, k3, k4 = jax.random.split(key, 4)
    features = jax.random.normal(k1, (N, 1, 1, IN_FEAT), dtype=jnp.float32)
    # graph_info.edges = (edges[0]=segment/target ids, edges[1]=gather/source ids)
    edge_src = jax.random.randint(k2, (E,), 0, N, dtype=jnp.int32)
    edge_dst = jax.random.randint(k3, (E,), 0, N, dtype=jnp.int32)
    # glorot_uniform for weight (in_feat, out_feat)
    limit = float(np.sqrt(6.0 / (IN_FEAT + OUT_FEAT)))
    W = jax.random.uniform(k4, (IN_FEAT, OUT_FEAT), minval=-limit, maxval=limit, dtype=jnp.float32)
    return {"features": features, "edge_src": edge_src, "edge_dst": edge_dst, "W": W}


def reference(features, edge_src, edge_dst, W):
    # nodes_representation = features @ W
    nodes_representation = jnp.matmul(features, W)
    # neighbour_representations = gather(features, edges[1]) along axis 0
    neighbour = jnp.take(features, edge_dst, axis=0)  # (E, 1, 1, IN_FEAT)
    # unsorted_segment_mean over edges[0]
    seg_sum = jax.ops.segment_sum(neighbour, edge_src, num_segments=N)
    counts = jax.ops.segment_sum(jnp.ones((E,), dtype=jnp.float32), edge_src, num_segments=N)
    counts = counts.reshape(N, 1, 1, 1)
    aggregated = jnp.where(counts > 0, seg_sum / jnp.maximum(counts, 1.0), 0.0)
    aggregated_messages = jnp.matmul(aggregated, W)
    # combination_type == 'concat'
    h = jnp.concatenate([nodes_representation, aggregated_messages], axis=-1)
    # activation == 'relu'
    return jax.nn.relu(h)

if __name__ == "__main__":
    import jax
    _d = setup_inputs()
    print(jax.jit(kernel)(*tuple(_d.values())))

</pallas_src>

<mosaic_0001>
#map = affine_map<(d0, d1) -> (0, 0)>
#map1 = affine_map<(d0, d1) -> (0, 0, 0)>
module attributes {stable_mosaic.version = 14 : i64} {
  func.func @k(%arg0: i32, %arg1: i32, %arg2: memref<10112x128xf32, #tpu.memory_space<hbm>>, %arg3: memref<32x144x128xi32, #tpu.memory_space<hbm>>, %arg4: memref<32x144x128xi32, #tpu.memory_space<hbm>>, %arg5: memref<2x10112x128xf32, #tpu.memory_space<hbm>>, %arg6: memref<2x10112x128xf32, #tpu.memory_space<hbm>>, %arg7: memref<16x128xi32, #tpu.memory_space<vmem>>, %arg8: memref<16x128xi32, #tpu.memory_space<vmem>>, %arg9: memref<128x128xf32, #tpu.memory_space<vmem>>, %arg10: memref<128x128xf32, #tpu.memory_space<vmem>>, %arg11: memref<10112x128xf32, #tpu.memory_space<vmem_shared>>, %arg12: memref<!tpu.dma_semaphore, #tpu.memory_space<semaphore_mem>>, %arg13: memref<!tpu.dma_semaphore, #tpu.memory_space<semaphore_mem>>) attributes {dimension_semantics = [#tpu.dimension_semantics<core_parallel>, #tpu.dimension_semantics<subcore_parallel>], iteration_bounds = array<i64: 2, 16>, scalar_prefetch = 0 : i64, scratch_operands = 7 : i64, tpu.core_type = #tpu.core_type<sc_vector_subcore>, window_params = [{transform_indices = #map}, {transform_indices = #map1}, {transform_indices = #map1}, {transform_indices = #map1}, {transform_indices = #map1}]} {
    %mul3A = arith.constant 16 : i32
    %mul3A_0 = arith.muli %arg0, %mul3A : i32
    %add3A = arith.addi %mul3A_0, %arg1 : i32
    %eq3A = arith.constant 0 : i32
    %eq3A_1 = arith.cmpi eq, %arg0, %eq3A : i32
    %jit3A = arith.constant 144 : i32
    %jit3A_2 = arith.constant 16 : i32
    %select_n3A = arith.select %eq3A_1, %jit3A, %jit3A_2 : i32
    %mul3A_3 = arith.constant 632 : i32
    %mul3A_4 = arith.muli %arg1, %mul3A_3 : i32
    %broadcast_in_dim3A = arith.constant 0.000000e+00 : f32
    %broadcast_in_dim3A_5 = vector.broadcast %broadcast_in_dim3A : f32 to vector<16xf32>
    %scan3A = arith.constant 0 : i32
    %scan3A_6 = arith.constant 0 : i32
    %scan3A_7 = arith.constant 128 : i32
    %scan3A_8 = arith.addi %scan3A_6, %scan3A_7 : i32
    %scan3A_9 = arith.constant 1 : i32
    %scan3A_10 = scf.for %scan3A_126 = %scan3A_6 to %scan3A_8 step %scan3A_9 iter_args(%scan3A_127 = %scan3A) -> (i32)  : i32 {
      %swap3A = arith.index_cast %scan3A_126 : i32 to index
      %swap3A_128 = arith.constant 0 : index
      %swap3A_129 = tpu.vector_load %arg9[%swap3A, %swap3A_128] {strides = array<i32>} : memref<128x128xf32, #tpu.memory_space<vmem>>, vector<1x16xf32>,
      %swap3A_130 = vector.shape_cast %swap3A_129 : vector<1x16xf32> to vector<16xf32>
      %swap3A_131 = vector.shape_cast %broadcast_in_dim3A_5 : vector<16xf32> to vector<1x16xf32>
      tpu.vector_store %arg9[%swap3A, %swap3A_128], %swap3A_131 {strides = array<i32>} : memref<128x128xf32, #tpu.memory_space<vmem>>, vector<1x16xf32>,
      %swap3A_132 = arith.index_cast %scan3A_126 : i32 to index
      %swap3A_133 = arith.constant 16 : index
      %swap3A_134 = tpu.vector_load %arg9[%swap3A_132, %swap3A_133] {strides = array<i32>} : memref<128x128xf32, #tpu.memory_space<vmem>>, vector<1x16xf32>,
      %swap3A_135 = vector.shape_cast %swap3A_134 : vector<1x16xf32> to vector<16xf32>
      %swap3A_136 = vector.shape_cast %broadcast_in_dim3A_5 : vector<16xf32> to vector<1x16xf32>
      tpu.vector_store %arg9[%swap3A_132, %swap3A_133], %swap3A_136 {strides = array<i32>} : memref<128x128xf32, #tpu.memory_space<vmem>>, vector<1x16xf32>,
      %swap3A_137 = arith.index_cast %scan3A_126 : i32 to index
      %swap3A_138 = arith.constant 32 : index
      %swap3A_139 = tpu.vector_load %arg9[%swap3A_137, %swap3A_138] {strides = array<i32>} : memref<128x128xf32, #tpu.memory_space<vmem>>, vector<1x16xf32>,
      %swap3A_140 = vector.shape_cast %swap3A_139 : vector<1x16xf32> to vector<16xf32>
      %swap3A_141 = vector.shape_cast %broadcast_in_dim3A_5 : vector<16xf32> to vector<1x16xf32>
      tpu.vector_store %arg9[%swap3A_137, %swap3A_138], %swap3A_141 {strides = array<i32>} : memref<128x128xf32, #tpu.memory_space<vmem>>, vector<1x16xf32>,
      %swap3A_142 = arith.index_cast %scan3A_126 : i32 to index
      %swap3A_143 = arith.constant 48 : index
      %swap3A_144 = tpu.vector_load %arg9[%swap3A_142, %swap3A_143] {strides = array<i32>} : memref<128x128xf32, #tpu.memory_space<vmem>>, vector<1x16xf32>,
      %swap3A_145 = vector.shape_cast %swap3A_144 : vector<1x16xf32> to vector<16xf32>
      %swap3A_146 = vector.shape_cast %broadcast_in_dim3A_5 : vector<16xf32> to vector<1x16xf32>
      tpu.vector_store %arg9[%swap3A_142, %swap3A_143], %swap3A_146 {strides = array<i32>} : memref<128x128xf32, #tpu.memory_space<vmem>>, vector<1x16xf32>,
      %swap3A_147 = arith.index_cast %scan3A_126 : i32 to index
      %swap3A_148 = arith.constant 64 : index
      %swap3A_149 = tpu.vector_load %arg9[%swap3A_147, %swap3A_148] {strides = array<i32>} : memref<128x128xf32, #tpu.memory_space<vmem>>, vector<1x16xf32>,
      %swap3A_150 = vector.shape_cast %swap3A_149 : vector<1x16xf32> to vector<16xf32>
      %swap3A_151 = vector.shape_cast %broadcast_in_dim3A_5 : vector<16xf32> to vector<1x16xf32>
      tpu.vector_store %arg9[%swap3A_147, %swap3A_148], %swap3A_151 {strides = array<i32>} : memref<128x128xf32, #tpu.memory_space<vmem>>, vector<1x16xf32>,
      %swap3A_152 = arith.index_cast %scan3A_126 : i32 to index
      %swap3A_153 = arith.constant 80 : index
      %swap3A_154 = tpu.vector_load %arg9[%swap3A_152, %swap3A_153] {strides = array<i32>} : memref<128x128xf32, #tpu.memory_space<vmem>>, vector<1x16xf32>,
      %swap3A_155 = vector.shape_cast %swap3A_154 : vector<1x16xf32> to vector<16xf32>
      %swap3A_156 = vector.shape_cast %broadcast_in_dim3A_5 : vector<16xf32> to vector<1x16xf32>
      tpu.vector_store %arg9[%swap3A_152, %swap3A_153], %swap3A_156 {strides = array<i32>} : memref<128x128xf32, #tpu.memory_space<vmem>>, vector<1x16xf32>,
      %swap3A_157 = arith.index_cast %scan3A_126 : i32 to index
      %swap3A_158 = arith.constant 96 : index
      %swap3A_159 = tpu.vector_load %arg9[%swap3A_157, %swap3A_158] {strides = array<i32>} : memref<128x128xf32, #tpu.memory_space<vmem>>, vector<1x16xf32>,
      %swap3A_160 = vector.shape_cast %swap3A_159 : vector<1x16xf32> to vector<16xf32>
      %swap3A_161 = vector.shape_cast %broadcast_in_dim3A_5 : vector<16xf32> to vector<1x16xf32>
      tpu.vector_store %arg9[%swap3A_157, %swap3A_158], %swap3A_161 {strides = array<i32>} : memref<128x128xf32, #tpu.memory_space<vmem>>, vector<1x16xf32>,
      %swap3A_162 = arith.index_cast %scan3A_126 : i32 to index
      %swap3A_163 = arith.constant 112 : index
      %swap3A_164 = tpu.vector_load %arg9[%swap3A_162, %swap3A_163] {strides = array<i32>} : memref<128x128xf32, #tpu.memory_space<vmem>>, vector<1x16xf32>,
      %swap3A_165 = vector.shape_cast %swap3A_164 : vector<1x16xf32> to vector<16xf32>
      %swap3A_166 = vector.shape_cast %broadcast_in_dim3A_5 : vector<16xf32> to vector<1x16xf32>
      tpu.vector_store %arg9[%swap3A_162, %swap3A_163], %swap3A_166 {strides = array<i32>} : memref<128x128xf32, #tpu.memory_space<vmem>>, vector<1x16xf32>,
      %scan3A_167 = arith.constant 0 : i32
      scf.yield %scan3A_167 : i32
    }
    %scan3A_11 = arith.constant 128 : i32
    %add3A_12 = arith.constant 0 : i32
    %add3A_13 = arith.addi %mul3A_4, %add3A_12 : i32
    "tpu.region"() ({
      %run_scoped3A = tpu.sem_alloc : memref<!tpu.dma_semaphore, #tpu.memory_space<semaphore_mem>>
      %dma_start3A_126 = arith.constant 0 : i32
      %dma_start3A_127 = tpu.memref_slice %arg11[%add3A_13, %dma_start3A_126] : memref<10112x128xf32, #tpu.memory_space<vmem_shared>> -> memref<128x128xf32, #tpu.memory_space<vmem_shared>>
      %dma_start3A_128 = arith.constant 0 : i32
      %dma_start3A_129 = tpu.memref_slice %arg11[%add3A_13, %dma_start3A_128] : memref<10112x128xf32, #tpu.memory_space<vmem_shared>> -> memref<128x128xf32, #tpu.memory_space<vmem_shared>>
      tpu.enqueue_dma source(%arg9 : memref<128x128xf32, #tpu.memory_space<vmem>>) target(%dma_start3A_129 : memref<128x128xf32, #tpu.memory_space<vmem_shared>>) target_semaphore(%run_scoped3A : memref<!tpu.dma_semaphore, #tpu.memory_space<semaphore_mem>>)
      %dma_wait3A = arith.constant 0 : i32
      %dma_wait3A_130 = tpu.memref_slice %arg11[%add3A_13, %dma_wait3A] : memref<10112x128xf32, #tpu.memory_space<vmem_shared>> -> memref<128x128xf32, #tpu.memory_space<vmem_shared>>
      %dma_wait3A_131 = arith.constant 0 : i32
      %dma_wait3A_132 = tpu.memref_slice %arg11[%add3A_13, %dma_wait3A_131] : memref<10112x128xf32, #tpu.memory_space<vmem_shared>> -> memref<128x128xf32, #tpu.memory_space<vmem_shared>>
      tpu.wait_dma2 semaphore(%run_scoped3A : memref<!tpu.dma_semaphore, #tpu.memory_space<semaphore_mem>>) src(%arg9 : memref<128x128xf32, #tpu.memory_space<vmem>>) dst(%dma_wait3A_132 : memref<128x128xf32, #tpu.memory_space<vmem_shared>>)
      tpu.yield
    }) : () -> ()
    %add3A_14 = arith.constant 128 : i32
    %add3A_15 = arith.addi %mul3A_4, %add3A_14 : i32
    "tpu.region"() ({
      %run_scoped3A = tpu.sem_alloc : memref<!tpu.dma_semaphore, #tpu.memory_space<semaphore_mem>>
      %dma_start3A_126 = arith.constant 0 : i32
      %dma_start3A_127 = tpu.memref_slice %arg11[%add3A_15, %dma_start3A_126] : memref<10112x128xf32, #tpu.memory_space<vmem_shared>> -> memref<128x128xf32, #tpu.memory_space<vmem_shared>>
      %dma_start3A_128 = arith.constant 0 : i32
      %dma_start3A_129 = tpu.memref_slice %arg11[%add3A_15, %dma_start3A_128] : memref<10112x128xf32, #tpu.memory_space<vmem_shared>> -> memref<128x128xf32, #tpu.memory_space<vmem_shared>>
      tpu.enqueue_dma source(%arg9 : memref<128x128xf32, #tpu.memory_space<vmem>>) target(%dma_start3A_129 : memref<128x128xf32, #tpu.memory_space<vmem_shared>>) target_semaphore(%run_scoped3A : memref<!tpu.dma_semaphore, #tpu.memory_space<semaphore_mem>>)
      %dma_wait3A = arith.constant 0 : i32
      %dma_wait3A_130 = tpu.memref_slice %arg11[%add3A_15, %dma_wait3A] : memref<10112x128xf32, #tpu.memory_space<vmem_shared>> -> memref<128x128xf32, #tpu.memory_space<vmem_shared>>
      %dma_wait3A_131 = arith.constant 0 : i32
      %dma_wait3A_132 = tpu.memref_slice %arg11[%add3A_15, %dma_wait3A_131] : memref<10112x128xf32, #tpu.memory_space<vmem_shared>> -> memref<128x128xf32, #tpu.memory_space<vmem_shared>>
      tpu.wait_dma2 semaphore(%run_scoped3A : memref<!tpu.dma_semaphore, #tpu.memory_space<semaphore_mem>>) src(%arg9 : memref<128x128xf32, #tpu.memory_space<vmem>>) dst(%dma_wait3A_132 : memref<128x128xf32, #tpu.memory_space<vmem_shared>>)
      tpu.yield
    }) : () -> ()
    %add3A_16 = arith.constant 256 : i32
    %add3A_17 = arith.addi %mul3A_4, %add3A_16 : i32
    "tpu.region"() ({
      %run_scoped3A = tpu.sem_alloc : memref<!tpu.dma_semaphore, #tpu.memory_space<semaphore_mem>>
      %dma_start3A_126 = arith.constant 0 : i32
      %dma_start3A_127 = tpu.memref_slice %arg11[%add3A_17, %dma_start3A_126] : memref<10112x128xf32, #tpu.memory_space<vmem_shared>> -> memref<128x128xf32, #tpu.memory_space<vmem_shared>>
      %dma_start3A_128 = arith.constant 0 : i32
      %dma_start3A_129 = tpu.memref_slice %arg11[%add3A_17, %dma_start3A_128] : memref<10112x128xf32, #tpu.memory_space<vmem_shared>> -> memref<128x128xf32, #tpu.memory_space<vmem_shared>>
      tpu.enqueue_dma source(%arg9 : memref<128x128xf32, #tpu.memory_space<vmem>>) target(%dma_start3A_129 : memref<128x128xf32, #tpu.memory_space<vmem_shared>>) target_semaphore(%run_scoped3A : memref<!tpu.dma_semaphore, #tpu.memory_space<semaphore_mem>>)
      %dma_wait3A = arith.constant 0 : i32
      %dma_wait3A_130 = tpu.memref_slice %arg11[%add3A_17, %dma_wait3A] : memref<10112x128xf32, #tpu.memory_space<vmem_shared>> -> memref<128x128xf32, #tpu.memory_space<vmem_shared>>
      %dma_wait3A_131 = arith.constant 0 : i32
      %dma_wait3A_132 = tpu.memref_slice %arg11[%add3A_17, %dma_wait3A_131] : memref<10112x128xf32, #tpu.memory_space<vmem_shared>> -> memref<128x128xf32, #tpu.memory_space<vmem_shared>>
      tpu.wait_dma2 semaphore(%run_scoped3A : memref<!tpu.dma_semaphore, #tpu.memory_space<semaphore_mem>>) src(%arg9 : memref<128x128xf32, #tpu.memory_space<vmem>>) dst(%dma_wait3A_132 : memref<128x128xf32, #tpu.memory_space<vmem_shared>>)
      tpu.yield
    }) : () -> ()
    %add3A_18 = arith.constant 384 : i32
    %add3A_19 = arith.addi %mul3A_4, %add3A_18 : i32
    "tpu.region"() ({
      %run_scoped3A = tpu.sem_alloc : memref<!tpu.dma_semaphore, #tpu.memory_space<semaphore_mem>>
      %dma_start3A_126 = arith.constant 0 : i32
      %dma_start3A_127 = tpu.memref_slice %arg11[%add3A_19, %dma_start3A_126] : memref<10112x128xf32, #tpu.memory_space<vmem_shared>> -> memref<128x128xf32, #tpu.memory_space<vmem_shared>>
      %dma_start3A_128 = arith.constant 0 : i32
      %dma_start3A_129 = tpu.memref_slice %arg11[%add3A_19, %dma_start3A_128] : memref<10112x128xf32, #tpu.memory_space<vmem_shared>> -> memref<128x128xf32, #tpu.memory_space<vmem_shared>>
      tpu.enqueue_dma source(%arg9 : memref<128x128xf32, #tpu.memory_space<vmem>>) target(%dma_start3A_129 : memref<128x128xf32, #tpu.memory_space<vmem_shared>>) target_semaphore(%run_scoped3A : memref<!tpu.dma_semaphore, #tpu.memory_space<semaphore_mem>>)
      %dma_wait3A = arith.constant 0 : i32
      %dma_wait3A_130 = tpu.memref_slice %arg11[%add3A_19, %dma_wait3A] : memref<10112x128xf32, #tpu.memory_space<vmem_shared>> -> memref<128x128xf32, #tpu.memory_space<vmem_shared>>
      %dma_wait3A_131 = arith.constant 0 : i32
      %dma_wait3A_132 = tpu.memref_slice %arg11[%add3A_19, %dma_wait3A_131] : memref<10112x128xf32, #tpu.memory_space<vmem_shared>> -> memref<128x128xf32, #tpu.memory_space<vmem_shared>>
      tpu.wait_dma2 semaphore(%run_scoped3A : memref<!tpu.dma_semaphore, #tpu.memory_space<semaphore_mem>>) src(%arg9 : memref<128x128xf32, #tpu.memory_space<vmem>>) dst(%dma_wait3A_132 : memref<128x128xf32, #tpu.memory_space<vmem_shared>>)
      tpu.yield
    }) : () -> ()
    %add3A_20 = arith.constant 512 : i32
    %add3A_21 = arith.addi %mul3A_4, %add3A_20 : i32
    "tpu.region"() ({
      %run_scoped3A = tpu.sem_alloc : memref<!tpu.dma_semaphore, #tpu.memory_space<semaphore_mem>>
      %dma_start3A_126 = arith.constant 0 : i32
      %dma_start3A_127 = arith.constant 0 : i32
      %dma_start3A_128 = tpu.memref_slice %arg9[%dma_start3A_126, %dma_start3A_127] : memref<128x128xf32, #tpu.memory_space<vmem>> -> memref<120x128xf32, #tpu.memory_space<vmem>>
      %dma_start3A_129 = arith.constant 0 : i32
      %dma_start3A_130 = tpu.memref_slice %arg11[%add3A_21, %dma_start3A_129] : memref<10112x128xf32, #tpu.memory_space<vmem_shared>> -> memref<120x128xf32, #tpu.memory_space<vmem_shared>>
      %dma_start3A_131 = arith.constant 0 : i32
      %dma_start3A_132 = tpu.memref_slice %arg11[%add3A_21, %dma_start3A_131] : memref<10112x128xf32, #tpu.memory_space<vmem_shared>> -> memref<120x128xf32, #tpu.memory_space<vmem_shared>>
      %dma_start3A_133 = arith.constant 0 : i32
      %dma_start3A_134 = arith.constant 0 : i32
      %dma_start3A_135 = tpu.memref_slice %arg9[%dma_start3A_133, %dma_start3A_134] : memref<128x128xf32, #tpu.memory_space<vmem>> -> memref<120x128xf32, #tpu.memory_space<vmem>>
      tpu.enqueue_dma source(%dma_start3A_135 : memref<120x128xf32, #tpu.memory_space<vmem>>) target(%dma_start3A_132 : memref<120x128xf32, #tpu.memory_space<vmem_shared>>) target_semaphore(%run_scoped3A : memref<!tpu.dma_semaphore, #tpu.memory_space<semaphore_mem>>)
      %dma_wait3A = arith.constant 0 : i32
      %dma_wait3A_136 = arith.constant 0 : i32
      %dma_wait3A_137 = tpu.memref_slice %arg9[%dma_wait3A, %dma_wait3A_136] : memref<128x128xf32, #tpu.memory_space<vmem>> -> memref<120x128xf32, #tpu.memory_space<vmem>>
      %dma_wait3A_138 = arith.constant 0 : i32
      %dma_wait3A_139 = tpu.memref_slice %arg11[%add3A_21, %dma_wait3A_138] : memref<10112x128xf32, #tpu.memory_space<vmem_shared>> -> memref<120x128xf32, #tpu.memory_space<vmem_shared>>
      %dma_wait3A_140 = arith.constant 0 : i32
      %dma_wait3A_141 = tpu.memref_slice %arg11[%add3A_21, %dma_wait3A_140] : memref<10112x128xf32, #tpu.memory_space<vmem_shared>> -> memref<120x128xf32, #tpu.memory_space<vmem_shared>>
      %dma_wait3A_142 = arith.constant 0 : i32
      %dma_wait3A_143 = arith.constant 0 : i32
      %dma_wait3A_144 = tpu.memref_slice %arg9[%dma_wait3A_142, %dma_wait3A_143] : memref<128x128xf32, #tpu.memory_space<vmem>> -> memref<120x128xf32, #tpu.memory_space<vmem>>
      tpu.wait_dma2 semaphore(%run_scoped3A : memref<!tpu.dma_semaphore, #tpu.memory_space<semaphore_mem>>) src(%dma_wait3A_144 : memref<120x128xf32, #tpu.memory_space<vmem>>) dst(%dma_wait3A_141 : memref<120x128xf32, #tpu.memory_space<vmem_shared>>)
      tpu.yield
    }) : () -> ()
    %barrier3A = arith.constant 0 : index
    tpu.barrier barrier_id(%barrier3A)
    %multiple_of3A = arith.constant 0 : i32
    %multiple_of3A_22 = tpu.assume_multiple %multiple_of3A, 16 : i32
    "tpu.region"() ({
      %run_scoped3A = tpu.sem_alloc : memref<!tpu.dma_semaphore, #tpu.memory_space<semaphore_mem>>
      %dma_start3A_126 = arith.constant 0 : i32
      %dma_start3A_127 = tpu.memref_slice %arg3[%add3A, %multiple_of3A_22, %dma_start3A_126] : memref<32x144x128xi32, #tpu.memory_space<hbm>> -> memref<1x16x128xi32, #tpu.memory_space<hbm>>
      %dma_start3A_128 = tpu.memref_squeeze %dma_start3A_127 : memref<1x16x128xi32, #tpu.memory_space<hbm>> -> memref<16x128xi32, #tpu.memory_space<hbm>>
      %dma_start3A_129 = arith.constant 0 : i32
      %dma_start3A_130 = tpu.memref_slice %arg3[%add3A, %multiple_of3A_22, %dma_start3A_129] : memref<32x144x128xi32, #tpu.memory_space<hbm>> -> memref<1x16x128xi32, #tpu.memory_space<hbm>>
      %dma_start3A_131 = tpu.memref_squeeze %dma_start3A_130 : memref<1x16x128xi32, #tpu.memory_space<hbm>> -> memref<16x128xi32, #tpu.memory_space<hbm>>
      tpu.enqueue_dma source(%dma_start3A_131 : memref<16x128xi32, #tpu.memory_space<hbm>>) target(%arg7 : memref<16x128xi32, #tpu.memory_space<vmem>>) target_semaphore(%run_scoped3A : memref<!tpu.dma_semaphore, #tpu.memory_space<semaphore_mem>>)
      %dma_wait3A = arith.constant 0 : i32
      %dma_wait3A_132 = tpu.memref_slice %arg3[%add3A, %multiple_of3A_22, %dma_wait3A] : memref<32x144x128xi32, #tpu.memory_space<hbm>> -> memref<1x16x128xi32, #tpu.memory_space<hbm>>
      %dma_wait3A_133 = tpu.memref_squeeze %dma_wait3A_132 : memref<1x16x128xi32, #tpu.memory_space<hbm>> -> memref<16x128xi32, #tpu.memory_space<hbm>>
      %dma_wait3A_134 = arith.constant 0 : i32
      %dma_wait3A_135 = tpu.memref_slice %arg3[%add3A, %multiple_of3A_22, %dma_wait3A_134] : memref<32x144x128xi32, #tpu.memory_space<hbm>> -> memref<1x16x128xi32, #tpu.memory_space<hbm>>
      %dma_wait3A_136 = tpu.memref_squeeze %dma_wait3A_135 : memref<1x16x128xi32, #tpu.memory_space<hbm>> -> memref<16x128xi32, #tpu.memory_space<hbm>>
      tpu.wait_dma2 semaphore(%run_scoped3A : memref<!tpu.dma_semaphore, #tpu.memory_space<semaphore_mem>>) src(%dma_wait3A_136 : memref<16x128xi32, #tpu.memory_space<hbm>>) dst(%arg7 : memref<16x128xi32, #tpu.memory_space<vmem>>)
      tpu.yield
    }) : () -> ()
    "tpu.region"() ({
      %run_scoped3A = tpu.sem_alloc : memref<!tpu.dma_semaphore, #tpu.memory_space<semaphore_mem>>
      %dma_start3A_126 = arith.constant 0 : i32
      %dma_start3A_127 = tpu.memref_slice %arg4[%add3A, %multiple_of3A_22, %dma_start3A_126] : memref<32x144x128xi32, #tpu.memory_space<hbm>> -> memref<1x16x128xi32, #tpu.memory_space<hbm>>
      %dma_start3A_128 = tpu.memref_squeeze %dma_start3A_127 : memref<1x16x128xi32, #tpu.memory_space<hbm>> -> memref<16x128xi32, #tpu.memory_space<hbm>>
      %dma_start3A_129 = arith.constant 0 : i32
      %dma_start3A_130 = tpu.memref_slice %arg4[%add3A, %multiple_of3A_22, %dma_start3A_129] : memref<32x144x128xi32, #tpu.memory_space<hbm>> -> memref<1x16x128xi32, #tpu.memory_space<hbm>>
      %dma_start3A_131 = tpu.memref_squeeze %dma_start3A_130 : memref<1x16x128xi32, #tpu.memory_space<hbm>> -> memref<16x128xi32, #tpu.memory_space<hbm>>
      tpu.enqueue_dma source(%dma_start3A_131 : memref<16x128xi32, #tpu.memory_space<hbm>>) target(%arg8 : memref<16x128xi32, #tpu.memory_space<vmem>>) target_semaphore(%run_scoped3A : memref<!tpu.dma_semaphore, #tpu.memory_space<semaphore_mem>>)
      %dma_wait3A = arith.constant 0 : i32
      %dma_wait3A_132 = tpu.memref_slice %arg4[%add3A, %multiple_of3A_22, %dma_wait3A] : memref<32x144x128xi32, #tpu.memory_space<hbm>> -> memref<1x16x128xi32, #tpu.memory_space<hbm>>
      %dma_wait3A_133 = tpu.memref_squeeze %dma_wait3A_132 : memref<1x16x128xi32, #tpu.memory_space<hbm>> -> memref<16x128xi32, #tpu.memory_space<hbm>>
      %dma_wait3A_134 = arith.constant 0 : i32
      %dma_wait3A_135 = tpu.memref_slice %arg4[%add3A, %multiple_of3A_22, %dma_wait3A_134] : memref<32x144x128xi32, #tpu.memory_space<hbm>> -> memref<1x16x128xi32, #tpu.memory_space<hbm>>
      %dma_wait3A_136 = tpu.memref_squeeze %dma_wait3A_135 : memref<1x16x128xi32, #tpu.memory_space<hbm>> -> memref<16x128xi32, #tpu.memory_space<hbm>>
      tpu.wait_dma2 semaphore(%run_scoped3A : memref<!tpu.dma_semaphore, #tpu.memory_space<semaphore_mem>>) src(%dma_wait3A_136 : memref<16x128xi32, #tpu.memory_space<hbm>>) dst(%arg8 : memref<16x128xi32, #tpu.memory_space<vmem>>)
      tpu.yield
    }) : () -> ()
    %dma_start3A = arith.constant 0 : i32
    %dma_start3A_23 = arith.constant 0 : i32
    %dma_start3A_24 = tpu.memref_slice %arg8[%dma_start3A, %dma_start3A_23] : memref<16x128xi32, #tpu.memory_space<vmem>> -> memref<1x128xi32, #tpu.memory_space<vmem>>
    %dma_start3A_25 = tpu.memref_squeeze %dma_start3A_24 : memref<1x128xi32, #tpu.memory_space<vmem>> -> memref<128xi32, #tpu.memory_space<vmem>>
    %dma_start3A_26 = arith.constant 0 : i32
    %dma_start3A_27 = arith.constant 0 : i32
    %dma_start3A_28 = tpu.memref_slice %arg2[%dma_start3A_26, %dma_start3A_27] : memref<10112x128xf32, #tpu.memory_space<hbm>> -> memref<10112x128xf32, #tpu.memory_space<hbm>>
    tpu.enqueue_indirect_dma source(%dma_start3A_28 : memref<10112x128xf32, #tpu.memory_space<hbm>>) target(%arg9 : memref<128x128xf32, #tpu.memory_space<vmem>>) offsets(%dma_start3A_25 : memref<128xi32, #tpu.memory_space<vmem>>) semaphore(%arg12 : memref<!tpu.dma_semaphore, #tpu.memory_space<semaphore_mem>>)
    %jit3A_29 = arith.constant 2 : i32
    %div3A = arith.divsi %select_n3A, %jit3A_29 : i32
    %sign3A = arith.constant 0 : i32
    %sign3A_30 = arith.cmpi sgt, %select_n3A, %sign3A : i32
    %sign3A_31 = arith.extui %sign3A_30 : i1 to i32
    %sign3A_32 = arith.constant 0 : i32
    %sign3A_33 = arith.cmpi slt, %select_n3A, %sign3A_32 : i32
    %sign3A_34 = arith.extui %sign3A_33 : i1 to i32
    %sign3A_35 = arith.subi %sign3A_31, %sign3A_34 : i32
    %sign3A_36 = arith.constant 0 : i32
    %sign3A_37 = arith.cmpi sgt, %jit3A_29, %sign3A_36 : i32
    %sign3A_38 = arith.extui %sign3A_37 : i1 to i32
    %sign3A_39 = arith.constant 0 : i32
    %sign3A_40 = arith.cmpi slt, %jit3A_29, %sign3A_39 : i32
    %sign3A_41 = arith.extui %sign3A_40 : i1 to i32
    %sign3A_42 = arith.subi %sign3A_38, %sign3A_41 : i32
    %ne3A = arith.cmpi ne, %sign3A_35, %sign3A_42 : i32
    %rem3A = arith.remsi %select_n3A, %jit3A_29 : i32
    %ne3A_43 = arith.constant 0 : i32
    %ne3A_44 = arith.cmpi ne, %rem3A, %ne3A_43 : i32
    %and3A = arith.andi %ne3A, %ne3A_44 : i1
    %sub3A = arith.constant 1 : i32
    %sub3A_45 = arith.subi %div3A, %sub3A : i32
    %select_n3A_46 = arith.select %and3A, %sub3A_45, %div3A : i32
    %while3A = arith.constant 0 : i32
    %while3A_47 = arith.constant 0 : i32
    %while3A_48 = arith.subi %select_n3A_46, %while3A : i32
    %while3A_49 = arith.addi %while3A, %while3A_48 : i32
    %while3A_50 = arith.constant 1 : i32
    %while3A_51 = arith.divsi %while3A_48, %while3A_50 : i32
    %while3A_52 = arith.muli %while3A_51, %while3A_50 : i32
    %while3A_53 = arith.addi %while3A, %while3A_52 : i32
    %while3A_54 = arith.constant 1 : i32
    %while3A_55 = scf.for %while3A_126 = %while3A to %while3A_53 step %while3A_54 iter_args(%while3A_127 = %while3A_47) -> (i32)  : i32 {
      %mul3A_128 = arith.constant 2 : i32
      %mul3A_129 = arith.muli %mul3A_128, %while3A_126 : i32
      %add3A_130 = arith.constant 1 : i32
      %add3A_131 = arith.addi %mul3A_129, %add3A_130 : i32
      %dma_wait3A = arith.constant 0 : i32
      %dma_wait3A_132 = arith.constant 0 : i32
      %dma_wait3A_133 = tpu.memref_slice %arg2[%dma_wait3A, %dma_wait3A_132] : memref<10112x128xf32, #tpu.memory_space<hbm>> -> memref<128x128xf32, #tpu.memory_space<hbm>>
      %dma_wait3A_134 = arith.constant 0 : i32
      %dma_wait3A_135 = arith.constant 0 : i32
      %dma_wait3A_136 = tpu.memref_slice %arg2[%dma_wait3A_134, %dma_wait3A_135] : memref<10112x128xf32, #tpu.memory_space<hbm>> -> memref<128x128xf32, #tpu.memory_space<hbm>>
      tpu.wait_dma2 semaphore(%arg12 : memref<!tpu.dma_semaphore, #tpu.memory_space<semaphore_mem>>) src(%dma_wait3A_136 : memref<128x128xf32, #tpu.memory_space<hbm>>) dst(%arg9 : memref<128x128xf32, #tpu.memory_space<vmem>>)
      %jit3A_137 = arith.constant 16 : i32
      %eq3A_138 = arith.constant 0 : i32
      %eq3A_139 = arith.cmpi eq, %jit3A_137, %eq3A_138 : i32
      %jit3A_140 = arith.constant 1 : i32
      %select_n3A_141 = arith.select %eq3A_139, %jit3A_140, %jit3A_137 : i32
      %rem3A_142 = arith.remsi %add3A_131, %select_n3A_141 : i32
      %ne3A_143 = arith.constant 0 : i32
      %ne3A_144 = arith.cmpi ne, %rem3A_142, %ne3A_143 : i32
      %lt3A = arith.constant 0 : i32
      %lt3A_145 = arith.cmpi slt, %rem3A_142, %lt3A : i32
      %lt3A_146 = arith.constant 0 : i32
      %lt3A_147 = arith.cmpi slt, %select_n3A_141, %lt3A_146 : i32
      %ne3A_148 = arith.xori %lt3A_145, %lt3A_147 : i1
      %and3A_149 = arith.andi %ne3A_148, %ne3A_144 : i1
      %add3A_150 = arith.addi %rem3A_142, %select_n3A_141 : i32
      %select_n3A_151 = arith.select %and3A_149, %add3A_150, %rem3A_142 : i32
      %dma_start3A_152 = arith.constant 0 : i32
      %dma_start3A_153 = tpu.memref_slice %arg8[%select_n3A_151, %dma_start3A_152] : memref<16x128xi32, #tpu.memory_space<vmem>> -> memref<1x128xi32, #tpu.memory_space<vmem>>
      %dma_start3A_154 = tpu.memref_squeeze %dma_start3A_153 : memref<1x128xi32, #tpu.memory_space<vmem>> -> memref<128xi32, #tpu.memory_space<vmem>>
      %dma_start3A_155 = arith.constant 0 : i32
      %dma_start3A_156 = arith.constant 0 : i32
      %dma_start3A_157 = tpu.memref_slice %arg2[%dma_start3A_155, %dma_start3A_156] : memref<10112x128xf32, #tpu.memory_space<hbm>> -> memref<10112x128xf32, #tpu.memory_space<hbm>>
      tpu.enqueue_indirect_dma source(%dma_start3A_157 : memref<10112x128xf32, #tpu.memory_space<hbm>>) target(%arg10 : memref<128x128xf32, #tpu.memory_space<vmem>>) offsets(%dma_start3A_154 : memref<128xi32, #tpu.memory_space<vmem>>) semaphore(%arg13 : memref<!tpu.dma_semaphore, #tpu.memory_space<semaphore_mem>>)
      %jit3A_158 = arith.constant 16 : i32
      %eq3A_159 = arith.constant 0 : i32
      %eq3A_160 = arith.cmpi eq, %jit3A_158, %eq3A_159 : i32
      %jit3A_161 = arith.constant 1 : i32
      %select_n3A_162 = arith.select %eq3A_160, %jit3A_161, %jit3A_158 : i32
      %rem3A_163 = arith.remsi %mul3A_129, %select_n3A_162 : i32
      %ne3A_164 = arith.constant 0 : i32
      %ne3A_165 = arith.cmpi ne, %rem3A_163, %ne3A_164 : i32
      %lt3A_166 = arith.constant 0 : i32
      %lt3A_167 = arith.cmpi slt, %rem3A_163, %lt3A_166 : i32
      %lt3A_168 = arith.constant 0 : i32
      %lt3A_169 = arith.cmpi slt, %select_n3A_162, %lt3A_168 : i32
      %ne3A_170 = arith.xori %lt3A_167, %lt3A_169 : i1
      %and3A_171 = arith.andi %ne3A_170, %ne3A_165 : i1
      %add3A_172 = arith.addi %rem3A_163, %select_n3A_162 : i32
      %select_n3A_173 = arith.select %and3A_171, %add3A_172, %rem3A_163 : i32
      "tpu.region"() ({
        %run_scoped3A = tpu.sem_alloc : memref<!tpu.dma_semaphore, #tpu.memory_space<semaphore_mem>>
        %dma_start3A_230 = arith.constant 0 : i32
        %dma_start3A_231 = tpu.memref_slice %arg7[%select_n3A_173, %dma_start3A_230] : memref<16x128xi32, #tpu.memory_space<vmem>> -> memref<1x128xi32, #tpu.memory_space<vmem>>
        %dma_start3A_232 = tpu.memref_squeeze %dma_start3A_231 : memref<1x128xi32, #tpu.memory_space<vmem>> -> memref<128xi32, #tpu.memory_space<vmem>>
        %dma_start3A_233 = arith.constant 0 : i32
        %dma_start3A_234 = arith.constant 0 : i32
        %dma_start3A_235 = tpu.memref_slice %arg11[%dma_start3A_233, %dma_start3A_234] : memref<10112x128xf32, #tpu.memory_space<vmem_shared>> -> memref<10112x128xf32, #tpu.memory_space<vmem_shared>>
        tpu.enqueue_indirect_dma source(%arg9 : memref<128x128xf32, #tpu.memory_space<vmem>>) target(%dma_start3A_235 : memref<10112x128xf32, #tpu.memory_space<vmem_shared>>) offsets(%dma_start3A_232 : memref<128xi32, #tpu.memory_space<vmem>>) semaphore(%run_scoped3A : memref<!tpu.dma_semaphore, #tpu.memory_space<semaphore_mem>>) {add = true}
        %dma_wait3A_236 = arith.constant 0 : i32
        %dma_wait3A_237 = tpu.memref_slice %arg7[%select_n3A_173, %dma_wait3A_236] : memref<16x128xi32, #tpu.memory_space<vmem>> -> memref<1x128xi32, #tpu.memory_space<vmem>>
        %dma_wait3A_238 = tpu.memref_squeeze %dma_wait3A_237 : memref<1x128xi32, #tpu.memory_space<vmem>> -> memref<128xi32, #tpu.memory_space<vmem>>
        %dma_wait3A_239 = arith.constant 0 : i32
        %dma_wait3A_240 = arith.constant 0 : i32
        %dma_wait3A_241 = tpu.memref_slice %arg11[%dma_wait3A_239, %dma_wait3A_240] : memref<10112x128xf32, #tpu.memory_space<vmem_shared>> -> memref<10112x128xf32, #tpu.memory_space<vmem_shared>>
        tpu.wait_indirect_dma semaphore(%run_scoped3A : memref<!tpu.dma_semaphore, #tpu.memory_space<semaphore_mem>>) src(%arg9 : memref<128x128xf32, #tpu.memory_space<vmem>>) dst(%dma_wait3A_241 : memref<10112x128xf32, #tpu.memory_space<vmem_shared>>)
        tpu.yield
      }) : () -> ()
      %dma_wait3A_174 = arith.constant 0 : i32
      %dma_wait3A_175 = arith.constant 0 : i32
      %dma_wait3A_176 = tpu.memref_slice %arg2[%dma_wait3A_174, %dma_wait3A_175] : memref<10112x128xf32, #tpu.memory_space<hbm>> -> memref<128x128xf32, #tpu.memory_space<hbm>>
      %dma_wait3A_177 = arith.constant 0 : i32
      %dma_wait3A_178 = arith.constant 0 : i32
      %dma_wait3A_179 = tpu.memref_slice %arg2[%dma_wait3A_177, %dma_wait3A_178] : memref<10112x128xf32, #tpu.memory_space<hbm>> -> memref<128x128xf32, #tpu.memory_space<hbm>>
      tpu.wait_dma2 semaphore(%arg13 : memref<!tpu.dma_semaphore, #tpu.memory_space<semaphore_mem>>) src(%dma_wait3A_179 : memref<128x128xf32, #tpu.memory_space<hbm>>) dst(%arg10 : memref<128x128xf32, #tpu.memory_space<vmem>>)
      %add3A_180 = arith.constant 1 : i32
      %add3A_181 = arith.addi %add3A_131, %add3A_180 : i32
      %jit3A_182 = arith.constant 16 : i32
      %eq3A_183 = arith.constant 0 : i32
      %eq3A_184 = arith.cmpi eq, %jit3A_182, %eq3A_183 : i32
      %jit3A_185 = arith.constant 1 : i32
      %select_n3A_186 = arith.select %eq3A_184, %jit3A_185, %jit3A_182 : i32
      %rem3A_187 = arith.remsi %add3A_181, %select_n3A_186 : i32
      %ne3A_188 = arith.constant 0 : i32
      %ne3A_189 = arith.cmpi ne, %rem3A_187, %ne3A_188 : i32
      %lt3A_190 = arith.constant 0 : i32
      %lt3A_191 = arith.cmpi slt, %rem3A_187, %lt3A_190 : i32
      %lt3A_192 = arith.constant 0 : i32
      %lt3A_193 = arith.cmpi slt, %select_n3A_186, %lt3A_192 : i32
      %ne3A_194 = arith.xori %lt3A_191, %lt3A_193 : i1
      %and3A_195 = arith.andi %ne3A_194, %ne3A_189 : i1
      %add3A_196 = arith.addi %rem3A_187, %select_n3A_186 : i32
      %select_n3A_197 = arith.select %and3A_195, %add3A_196, %rem3A_187 : i32
      %eq3A_198 = arith.constant 0 : i32
      %eq3A_199 = arith.cmpi eq, %select_n3A_197, %eq3A_198 : i32
      %not3A = arith.constant true
      %not3A_200 = arith.xori %eq3A_199, %not3A : i1
      %add3A_201 = arith.constant 1 : i32
      %add3A_202 = arith.addi %add3A_131, %add3A_201 : i32
      %lt3A_203 = arith.cmpi slt, %add3A_202, %select_n3A : i32
      %and3A_204 = arith.andi %not3A_200, %lt3A_203 : i1
      %convert_element_type3A = arith.extui %and3A_204 : i1 to i32
      %cond3A = arith.constant 0 : i32
      %cond3A_205 = arith.cmpi ne, %convert_element_type3A, %cond3A : i32
      scf.if %cond3A_205 {
        %add3A_230 = arith.constant 1 : i32
        %add3A_231 = arith.addi %add3A_131, %add3A_230 : i32
        %jit3A_232 = arith.constant 16 : i32
        %eq3A_233 = arith.constant 0 : i32
        %eq3A_234 = arith.cmpi eq, %jit3A_232, %eq3A_233 : i32
        %jit3A_235 = arith.constant 1 : i32
        %select_n3A_236 = arith.select %eq3A_234, %jit3A_235, %jit3A_232 : i32
        %rem3A_237 = arith.remsi %add3A_231, %select_n3A_236 : i32
        %ne3A_238 = arith.constant 0 : i32
        %ne3A_239 = arith.cmpi ne, %rem3A_237, %ne3A_238 : i32
        %lt3A_240 = arith.constant 0 : i32
        %lt3A_241 = arith.cmpi slt, %rem3A_237, %lt3A_240 : i32
        %lt3A_242 = arith.constant 0 : i32
        %lt3A_243 = arith.cmpi slt, %select_n3A_236, %lt3A_242 : i32
        %ne3A_244 = arith.xori %lt3A_241, %lt3A_243 : i1
        %and3A_245 = arith.andi %ne3A_244, %ne3A_239 : i1
        %add3A_246 = arith.addi %rem3A_237, %select_n3A_236 : i32
        %select_n3A_247 = arith.select %and3A_245, %add3A_246, %rem3A_237 : i32
        %dma_start3A_248 = arith.constant 0 : i32
        %dma_start3A_249 = tpu.memref_slice %arg8[%select_n3A_247, %dma_start3A_248] : memref<16x128xi32, #tpu.memory_space<vmem>> -> memref<1x128xi32, #tpu.memory_space<vmem>>
        %dma_start3A_250 = tpu.memref_squeeze %dma_start3A_249 : memref<1x128xi32, #tpu.memory_space<vmem>> -> memref<128xi32, #tpu.memory_space<vmem>>
        %dma_start3A_251 = arith.constant 0 : i32
        %dma_start3A_252 = arith.constant 0 : i32
        %dma_start3A_253 = tpu.memref_slice %arg2[%dma_start3A_251, %dma_start3A_252] : memref<10112x128xf32, #tpu.memory_space<hbm>> -> memref<10112x128xf32, #tpu.memory_space<hbm>>
        tpu.enqueue_indirect_dma source(%dma_start3A_253 : memref<10112x128xf32, #tpu.memory_space<hbm>>) target(%arg9 : memref<128x128xf32, #tpu.memory_space<vmem>>) offsets(%dma_start3A_250 : memref<128xi32, #tpu.memory_space<vmem>>) semaphore(%arg12 : memref<!tpu.dma_semaphore, #tpu.memory_space<semaphore_mem>>)
      } else {
      }
      %jit3A_206 = arith.constant 16 : i32
      %eq3A_207 = arith.constant 0 : i32
      %eq3A_208 = arith.cmpi eq, %jit3A_206, %eq3A_207 : i32
      %jit3A_209 = arith.constant 1 : i32
      %select_n3A_210 = arith.select %eq3A_208, %jit3A_209, %jit3A_206 : i32
      %rem3A_211 = arith.remsi %add3A_131, %select_n3A_210 : i32
      %ne3A_212 = arith.constant 0 : i32
      %ne3A_213 = arith.cmpi ne, %rem3A_211, %ne3A_212 : i32
      %lt3A_214 = arith.constant 0 : i32
      %lt3A_215 = arith.cmpi slt, %rem3A_211, %lt3A_214 : i32
      %lt3A_216 = arith.constant 0 : i32
      %lt3A_217 = arith.cmpi slt, %select_n3A_210, %lt3A_216 : i32
      %ne3A_218 = arith.xori %lt3A_215, %lt3A_217 : i1
      %and3A_219 = arith.andi %ne3A_218, %ne3A_213 : i1
      %add3A_220 = arith.addi %rem3A_211, %select_n3A_210 : i32
      %select_n3A_221 = arith.select %and3A_219, %add3A_220, %rem3A_211 : i32
      "tpu.region"() ({
        %run_scoped3A = tpu.sem_alloc : memref<!tpu.dma_semaphore, #tpu.memory_space<semaphore_mem>>
        %dma_start3A_230 = arith.constant 0 : i32
        %dma_start3A_231 = tpu.memref_slice %arg7[%select_n3A_221, %dma_start3A_230] : memref<16x128xi32, #tpu.memory_space<vmem>> -> memref<1x128xi32, #tpu.memory_space<vmem>>
        %dma_start3A_232 = tpu.memref_squeeze %dma_start3A_231 : memref<1x128xi32, #tpu.memory_space<vmem>> -> memref<128xi32, #tpu.memory_space<vmem>>
        %dma_start3A_233 = arith.constant 0 : i32
        %dma_start3A_234 = arith.constant 0 : i32
        %dma_start3A_235 = tpu.memref_slice %arg11[%dma_start3A_233, %dma_start3A_234] : memref<10112x128xf32, #tpu.memory_space<vmem_shared>> -> memref<10112x128xf32, #tpu.memory_space<vmem_shared>>
        tpu.enqueue_indirect_dma source(%arg10 : memref<128x128xf32, #tpu.memory_space<vmem>>) target(%dma_start3A_235 : memref<10112x128xf32, #tpu.memory_space<vmem_shared>>) offsets(%dma_start3A_232 : memref<128xi32, #tpu.memory_space<vmem>>) semaphore(%run_scoped3A : memref<!tpu.dma_semaphore, #tpu.memory_space<semaphore_mem>>) {add = true}
        %dma_wait3A_236 = arith.constant 0 : i32
        %dma_wait3A_237 = tpu.memref_slice %arg7[%select_n3A_221, %dma_wait3A_236] : memref<16x128xi32, #tpu.memory_space<vmem>> -> memref<1x128xi32, #tpu.memory_space<vmem>>
        %dma_wait3A_238 = tpu.memref_squeeze %dma_wait3A_237 : memref<1x128xi32, #tpu.memory_space<vmem>> -> memref<128xi32, #tpu.memory_space<vmem>>
        %dma_wait3A_239 = arith.constant 0 : i32
        %dma_wait3A_240 = arith.constant 0 : i32
        %dma_wait3A_241 = tpu.memref_slice %arg11[%dma_wait3A_239, %dma_wait3A_240] : memref<10112x128xf32, #tpu.memory_space<vmem_shared>> -> memref<10112x128xf32, #tpu.memory_space<vmem_shared>>
        tpu.wait_indirect_dma semaphore(%run_scoped3A : memref<!tpu.dma_semaphore, #tpu.memory_space<semaphore_mem>>) src(%arg10 : memref<128x128xf32, #tpu.memory_space<vmem>>) dst(%dma_wait3A_241 : memref<10112x128xf32, #tpu.memory_space<vmem_shared>>)
        tpu.yield
      }) : () -> ()
      %add3A_222 = arith.constant 1 : i32
      %add3A_223 = arith.addi %add3A_131, %add3A_222 : i32
      %lt3A_224 = arith.cmpi slt, %add3A_223, %select_n3A : i32
      %and3A_225 = arith.andi %eq3A_199, %lt3A_224 : i1
      %convert_element_type3A_226 = arith.extui %and3A_225 : i1 to i32
      %cond3A_227 = arith.constant 0 : i32
      %cond3A_228 = arith.cmpi ne, %convert_element_type3A_226, %cond3A_227 : i32
      scf.if %cond3A_228 {
        %add3A_230 = arith.constant 1 : i32
        %add3A_231 = arith.addi %add3A_131, %add3A_230 : i32
        %multiple_of3A_232 = tpu.assume_multiple %add3A_231, 16 : i32
        "tpu.region"() ({
          %run_scoped3A = tpu.sem_alloc : memref<!tpu.dma_semaphore, #tpu.memory_space<semaphore_mem>>
          %dma_start3A_257 = arith.constant 0 : i32
          %dma_start3A_258 = tpu.memref_slice %arg3[%add3A, %multiple_of3A_232, %dma_start3A_257] : memref<32x144x128xi32, #tpu.memory_space<hbm>> -> memref<1x16x128xi32, #tpu.memory_space<hbm>>
          %dma_start3A_259 = tpu.memref_squeeze %dma_start3A_258 : memref<1x16x128xi32, #tpu.memory_space<hbm>> -> memref<16x128xi32, #tpu.memory_space<hbm>>
          %dma_start3A_260 = arith.constant 0 : i32
          %dma_start3A_261 = tpu.memref_slice %arg3[%add3A, %multiple_of3A_232, %dma_start3A_260] : memref<32x144x128xi32, #tpu.memory_space<hbm>> -> memref<1x16x128xi32, #tpu.memory_space<hbm>>
          %dma_start3A_262 = tpu.memref_squeeze %dma_start3A_261 : memref<1x16x128xi32, #tpu.memory_space<hbm>> -> memref<16x128xi32, #tpu.memory_space<hbm>>
          tpu.enqueue_dma source(%dma_start3A_262 : memref<16x128xi32, #tpu.memory_space<hbm>>) target(%arg7 : memref<16x128xi32, #tpu.memory_space<vmem>>) target_semaphore(%run_scoped3A : memref<!tpu.dma_semaphore, #tpu.memory_space<semaphore_mem>>)
          %dma_wait3A_263 = arith.constant 0 : i32
          %dma_wait3A_264 = tpu.memref_slice %arg3[%add3A, %multiple_of3A_232, %dma_wait3A_263] : memref<32x144x128xi32, #tpu.memory_space<hbm>> -> memref<1x16x128xi32, #tpu.memory_space<hbm>>
          %dma_wait3A_265 = tpu.memref_squeeze %dma_wait3A_264 : memref<1x16x128xi32, #tpu.memory_space<hbm>> -> memref<16x128xi32, #tpu.memory_space<hbm>>
          %dma_wait3A_266 = arith.constant 0 : i32
          %dma_wait3A_267 = tpu.memref_slice %arg3[%add3A, %multiple_of3A_232, %dma_wait3A_266] : memref<32x144x128xi32, #tpu.memory_space<hbm>> -> memref<1x16x128xi32, #tpu.memory_space<hbm>>
          %dma_wait3A_268 = tpu.memref_squeeze %dma_wait3A_267 : memref<1x16x128xi32, #tpu.memory_space<hbm>> -> memref<16x128xi32, #tpu.memory_space<hbm>>
          tpu.wait_dma2 semaphore(%run_scoped3A : memref<!tpu.dma_semaphore, #tpu.memory_space<semaphore_mem>>) src(%dma_wait3A_268 : memref<16x128xi32, #tpu.memory_space<hbm>>) dst(%arg7 : memref<16x128xi32, #tpu.memory_space<vmem>>)
          tpu.yield
        }) : () -> ()
        "tpu.region"() ({
          %run_scoped3A = tpu.sem_alloc : memref<!tpu.dma_semaphore, #tpu.memory_space<semaphore_mem>>
          %dma_start3A_257 = arith.constant 0 : i32
          %dma_start3A_258 = tpu.memref_slice %arg4[%add3A, %multiple_of3A_232, %dma_start3A_257] : memref<32x144x128xi32, #tpu.memory_space<hbm>> -> memref<1x16x128xi32, #tpu.memory_space<hbm>>
          %dma_start3A_259 = tpu.memref_squeeze %dma_start3A_258 : memref<1x16x128xi32, #tpu.memory_space<hbm>> -> memref<16x128xi32, #tpu.memory_space<hbm>>
          %dma_start3A_260 = arith.constant 0 : i32
          %dma_start3A_261 = tpu.memref_slice %arg4[%add3A, %multiple_of3A_232, %dma_start3A_260] : memref<32x144x128xi32, #tpu.memory_space<hbm>> -> memref<1x16x128xi32, #tpu.memory_space<hbm>>
          %dma_start3A_262 = tpu.memref_squeeze %dma_start3A_261 : memref<1x16x128xi32, #tpu.memory_space<hbm>> -> memref<16x128xi32, #tpu.memory_space<hbm>>
          tpu.enqueue_dma source(%dma_start3A_262 : memref<16x128xi32, #tpu.memory_space<hbm>>) target(%arg8 : memref<16x128xi32, #tpu.memory_space<vmem>>) target_semaphore(%run_scoped3A : memref<!tpu.dma_semaphore, #tpu.memory_space<semaphore_mem>>)
          %dma_wait3A_263 = arith.constant 0 : i32
          %dma_wait3A_264 = tpu.memref_slice %arg4[%add3A, %multiple_of3A_232, %dma_wait3A_263] : memref<32x144x128xi32, #tpu.memory_space<hbm>> -> memref<1x16x128xi32, #tpu.memory_space<hbm>>
          %dma_wait3A_265 = tpu.memref_squeeze %dma_wait3A_264 : memref<1x16x128xi32, #tpu.memory_space<hbm>> -> memref<16x128xi32, #tpu.memory_space<hbm>>
          %dma_wait3A_266 = arith.constant 0 : i32
          %dma_wait3A_267 = tpu.memref_slice %arg4[%add3A, %multiple_of3A_232, %dma_wait3A_266] : memref<32x144x128xi32, #tpu.memory_space<hbm>> -> memref<1x16x128xi32, #tpu.memory_space<hbm>>
          %dma_wait3A_268 = tpu.memref_squeeze %dma_wait3A_267 : memref<1x16x128xi32, #tpu.memory_space<hbm>> -> memref<16x128xi32, #tpu.memory_space<hbm>>
          tpu.wait_dma2 semaphore(%run_scoped3A : memref<!tpu.dma_semaphore, #tpu.memory_space<semaphore_mem>>) src(%dma_wait3A_268 : memref<16x128xi32, #tpu.memory_space<hbm>>) dst(%arg8 : memref<16x128xi32, #tpu.memory_space<vmem>>)
          tpu.yield
        }) : () -> ()
        %add3A_233 = arith.constant 1 : i32
        %add3A_234 = arith.addi %add3A_131, %add3A_233 : i32
        %jit3A_235 = arith.constant 16 : i32
        %eq3A_236 = arith.constant 0 : i32
        %eq3A_237 = arith.cmpi eq, %jit3A_235, %eq3A_236 : i32
        %jit3A_238 = arith.constant 1 : i32
        %select_n3A_239 = arith.select %eq3A_237, %jit3A_238, %jit3A_235 : i32
        %rem3A_240 = arith.remsi %add3A_234, %select_n3A_239 : i32
        %ne3A_241 = arith.constant 0 : i32
        %ne3A_242 = arith.cmpi ne, %rem3A_240, %ne3A_241 : i32
        %lt3A_243 = arith.constant 0 : i32
        %lt3A_244 = arith.cmpi slt, %rem3A_240, %lt3A_243 : i32
        %lt3A_245 = arith.constant 0 : i32
        %lt3A_246 = arith.cmpi slt, %select_n3A_239, %lt3A_245 : i32
        %ne3A_247 = arith.xori %lt3A_244, %lt3A_246 : i1
        %and3A_248 = arith.andi %ne3A_247, %ne3A_242 : i1
        %add3A_249 = arith.addi %rem3A_240, %select_n3A_239 : i32
        %select_n3A_250 = arith.select %and3A_248, %add3A_249, %rem3A_240 : i32
        %dma_start3A_251 = arith.constant 0 : i32
        %dma_start3A_252 = tpu.memref_slice %arg8[%select_n3A_250, %dma_start3A_251] : memref<16x128xi32, #tpu.memory_space<vmem>> -> memref<1x128xi32, #tpu.memory_space<vmem>>
        %dma_start3A_253 = tpu.memref_squeeze %dma_start3A_252 : memref<1x128xi32, #tpu.memory_space<vmem>> -> memref<128xi32, #tpu.memory_space<vmem>>
        %dma_start3A_254 = arith.constant 0 : i32
        %dma_start3A_255 = arith.constant 0 : i32
        %dma_start3A_256 = tpu.memref_slice %arg2[%dma_start3A_254, %dma_start3A_255] : memref<10112x128xf32, #tpu.memory_space<hbm>> -> memref<10112x128xf32, #tpu.memory_space<hbm>>
        tpu.enqueue_indirect_dma source(%dma_start3A_256 : memref<10112x128xf32, #tpu.memory_space<hbm>>) target(%arg9 : memref<128x128xf32, #tpu.memory_space<vmem>>) offsets(%dma_start3A_253 : memref<128xi32, #tpu.memory_space<vmem>>) semaphore(%arg12 : memref<!tpu.dma_semaphore, #tpu.memory_space<semaphore_mem>>)
      } else {
      }
      %while3A_229 = arith.constant 0 : i32
      scf.yield %while3A_229 : i32
    }
    %while3A_56 = arith.constant 1 : i32
    %while3A_57 = scf.for %while3A_126 = %while3A_53 to %while3A_49 step %while3A_56 iter_args(%while3A_127 = %while3A_55) -> (i32)  : i32 {
      %mul3A_128 = arith.constant 2 : i32
      %mul3A_129 = arith.muli %mul3A_128, %while3A_126 : i32
      %add3A_130 = arith.constant 1 : i32
      %add3A_131 = arith.addi %mul3A_129, %add3A_130 : i32
      %dma_wait3A = arith.constant 0 : i32
      %dma_wait3A_132 = arith.constant 0 : i32
      %dma_wait3A_133 = tpu.memref_slice %arg2[%dma_wait3A, %dma_wait3A_132] : memref<10112x128xf32, #tpu.memory_space<hbm>> -> memref<128x128xf32, #tpu.memory_space<hbm>>
      %dma_wait3A_134 = arith.constant 0 : i32
      %dma_wait3A_135 = arith.constant 0 : i32
      %dma_wait3A_136 = tpu.memref_slice %arg2[%dma_wait3A_134, %dma_wait3A_135] : memref<10112x128xf32, #tpu.memory_space<hbm>> -> memref<128x128xf32, #tpu.memory_space<hbm>>
      tpu.wait_dma2 semaphore(%arg12 : memref<!tpu.dma_semaphore, #tpu.memory_space<semaphore_mem>>) src(%dma_wait3A_136 : memref<128x128xf32, #tpu.memory_space<hbm>>) dst(%arg9 : memref<128x128xf32, #tpu.memory_space<vmem>>)
      %jit3A_137 = arith.constant 16 : i32
      %eq3A_138 = arith.constant 0 : i32
      %eq3A_139 = arith.cmpi eq, %jit3A_137, %eq3A_138 : i32
      %jit3A_140 = arith.constant 1 : i32
      %select_n3A_141 = arith.select %eq3A_139, %jit3A_140, %jit3A_137 : i32
      %rem3A_142 = arith.remsi %add3A_131, %select_n3A_141 : i32
      %ne3A_143 = arith.constant 0 : i32
      %ne3A_144 = arith.cmpi ne, %rem3A_142, %ne3A_143 : i32
      %lt3A = arith.constant 0 : i32
      %lt3A_145 = arith.cmpi slt, %rem3A_142, %lt3A : i32
      %lt3A_146 = arith.constant 0 : i32
      %lt3A_147 = arith.cmpi slt, %select_n3A_141, %lt3A_146 : i32
      %ne3A_148 = arith.xori %lt3A_145, %lt3A_147 : i1
      %and3A_149 = arith.andi %ne3A_148, %ne3A_144 : i1
      %add3A_150 = arith.addi %rem3A_142, %select_n3A_141 : i32
      %select_n3A_151 = arith.select %and3A_149, %add3A_150, %rem3A_142 : i32
      %dma_start3A_152 = arith.constant 0 : i32
      %dma_start3A_153 = tpu.memref_slice %arg8[%select_n3A_151, %dma_start3A_152] : memref<16x128xi32, #tpu.memory_space<vmem>> -> memref<1x128xi32, #tpu.memory_space<vmem>>
      %dma_start3A_154 = tpu.memref_squeeze %dma_start3A_153 : memref<1x128xi32, #tpu.memory_space<vmem>> -> memref<128xi32, #tpu.memory_space<vmem>>
      %dma_start3A_155 = arith.constant 0 : i32
      %dma_start3A_156 = arith.constant 0 : i32
      %dma_start3A_157 = tpu.memref_slice %arg2[%dma_start3A_155, %dma_start3A_156] : memref<10112x128xf32, #tpu.memory_space<hbm>> -> memref<10112x128xf32, #tpu.memory_space<hbm>>
      tpu.enqueue_indirect_dma source(%dma_start3A_157 : memref<10112x128xf32, #tpu.memory_space<hbm>>) target(%arg10 : memref<128x128xf32, #tpu.memory_space<vmem>>) offsets(%dma_start3A_154 : memref<128xi32, #tpu.memory_space<vmem>>) semaphore(%arg13 : memref<!tpu.dma_semaphore, #tpu.memory_space<semaphore_mem>>)
      %jit3A_158 = arith.constant 16 : i32
      %eq3A_159 = arith.constant 0 : i32
      %eq3A_160 = arith.cmpi eq, %jit3A_158, %eq3A_159 : i32
      %jit3A_161 = arith.constant 1 : i32
      %select_n3A_162 = arith.select %eq3A_160, %jit3A_161, %jit3A_158 : i32
      %rem3A_163 = arith.remsi %mul3A_129, %select_n3A_162 : i32
      %ne3A_164 = arith.constant 0 : i32
      %ne3A_165 = arith.cmpi ne, %rem3A_163, %ne3A_164 : i32
      %lt3A_166 = arith.constant 0 : i32
      %lt3A_167 = arith.cmpi slt, %rem3A_163, %lt3A_166 : i32
      %lt3A_168 = arith.constant 0 : i32
      %lt3A_169 = arith.cmpi slt, %select_n3A_162, %lt3A_168 : i32
      %ne3A_170 = arith.xori %lt3A_167, %lt3A_169 : i1
      %and3A_171 = arith.andi %ne3A_170, %ne3A_165 : i1
      %add3A_172 = arith.addi %rem3A_163, %select_n3A_162 : i32
      %select_n3A_173 = arith.select %and3A_171, %add3A_172, %rem3A_163 : i32
      "tpu.region"() ({
        %run_scoped3A = tpu.sem_alloc : memref<!tpu.dma_semaphore, #tpu.memory_space<semaphore_mem>>
        %dma_start3A_230 = arith.constant 0 : i32
        %dma_start3A_231 = tpu.memref_slice %arg7[%select_n3A_173, %dma_start3A_230] : memref<16x128xi32, #tpu.memory_space<vmem>> -> memref<1x128xi32, #tpu.memory_space<vmem>>
        %dma_start3A_232 = tpu.memref_squeeze %dma_start3A_231 : memref<1x128xi32, #tpu.memory_space<vmem>> -> memref<128xi32, #tpu.memory_space<vmem>>
        %dma_start3A_233 = arith.constant 0 : i32
        %dma_start3A_234 = arith.constant 0 : i32
        %dma_start3A_235 = tpu.memref_slice %arg11[%dma_start3A_233, %dma_start3A_234] : memref<10112x128xf32, #tpu.memory_space<vmem_shared>> -> memref<10112x128xf32, #tpu.memory_space<vmem_shared>>
        tpu.enqueue_indirect_dma source(%arg9 : memref<128x128xf32, #tpu.memory_space<vmem>>) target(%dma_start3A_235 : memref<10112x128xf32, #tpu.memory_space<vmem_shared>>) offsets(%dma_start3A_232 : memref<128xi32, #tpu.memory_space<vmem>>) semaphore(%run_scoped3A : memref<!tpu.dma_semaphore, #tpu.memory_space<semaphore_mem>>) {add = true}
        %dma_wait3A_236 = arith.constant 0 : i32
        %dma_wait3A_237 = tpu.memref_slice %arg7[%select_n3A_173, %dma_wait3A_236] : memref<16x128xi32, #tpu.memory_space<vmem>> -> memref<1x128xi32, #tpu.memory_space<vmem>>
        %dma_wait3A_238 = tpu.memref_squeeze %dma_wait3A_237 : memref<1x128xi32, #tpu.memory_space<vmem>> -> memref<128xi32, #tpu.memory_space<vmem>>
        %dma_wait3A_239 = arith.constant 0 : i32
        %dma_wait3A_240 = arith.constant 0 : i32
        %dma_wait3A_241 = tpu.memref_slice %arg11[%dma_wait3A_239, %dma_wait3A_240] : memref<10112x128xf32, #tpu.memory_space<vmem_shared>> -> memref<10112x128xf32, #tpu.memory_space<vmem_shared>>
        tpu.wait_indirect_dma semaphore(%run_scoped3A : memref<!tpu.dma_semaphore, #tpu.memory_space<semaphore_mem>>) src(%arg9 : memref<128x128xf32, #tpu.memory_space<vmem>>) dst(%dma_wait3A_241 : memref<10112x128xf32, #tpu.memory_space<vmem_shared>>)
        tpu.yield
      }) : () -> ()
      %dma_wait3A_174 = arith.constant 0 : i32
      %dma_wait3A_175 = arith.constant 0 : i32
      %dma_wait3A_176 = tpu.memref_slice %arg2[%dma_wait3A_174, %dma_wait3A_175] : memref<10112x128xf32, #tpu.memory_space<hbm>> -> memref<128x128xf32, #tpu.memory_space<hbm>>
      %dma_wait3A_177 = arith.constant 0 : i32
      %dma_wait3A_178 = arith.constant 0 : i32
      %dma_wait3A_179 = tpu.memref_slice %arg2[%dma_wait3A_177, %dma_wait3A_178] : memref<10112x128xf32, #tpu.memory_space<hbm>> -> memref<128x128xf32, #tpu.memory_space<hbm>>
      tpu.wait_dma2 semaphore(%arg13 : memref<!tpu.dma_semaphore, #tpu.memory_space<semaphore_mem>>) src(%dma_wait3A_179 : memref<128x128xf32, #tpu.memory_space<hbm>>) dst(%arg10 : memref<128x128xf32, #tpu.memory_space<vmem>>)
      %add3A_180 = arith.constant 1 : i32
      %add3A_181 = arith.addi %add3A_131, %add3A_180 : i32
      %jit3A_182 = arith.constant 16 : i32
      %eq3A_183 = arith.constant 0 : i32
      %eq3A_184 = arith.cmpi eq, %jit3A_182, %eq3A_183 : i32
      %jit3A_185 = arith.constant 1 : i32
      %select_n3A_186 = arith.select %eq3A_184, %jit3A_185, %jit3A_182 : i32
      %rem3A_187 = arith.remsi %add3A_181, %select_n3A_186 : i32
      %ne3A_188 = arith.constant 0 : i32
      %ne3A_189 = arith.cmpi ne, %rem3A_187, %ne3A_188 : i32
      %lt3A_190 = arith.constant 0 : i32
      %lt3A_191 = arith.cmpi slt, %rem3A_187, %lt3A_190 : i32
      %lt3A_192 = arith.constant 0 : i32
      %lt3A_193 = arith.cmpi slt, %select_n3A_186, %lt3A_192 : i32
      %ne3A_194 = arith.xori %lt3A_191, %lt3A_193 : i1
      %and3A_195 = arith.andi %ne3A_194, %ne3A_189 : i1
      %add3A_196 = arith.addi %rem3A_187, %select_n3A_186 : i32
      %select_n3A_197 = arith.select %and3A_195, %add3A_196, %rem3A_187 : i32
      %eq3A_198 = arith.constant 0 : i32
      %eq3A_199 = arith.cmpi eq, %select_n3A_197, %eq3A_198 : i32
      %not3A = arith.constant true
      %not3A_200 = arith.xori %eq3A_199, %not3A : i1
      %add3A_201 = arith.constant 1 : i32
      %add3A_202 = arith.addi %add3A_131, %add3A_201 : i32
      %lt3A_203 = arith.cmpi slt, %add3A_202, %select_n3A : i32
      %and3A_204 = arith.andi %not3A_200, %lt3A_203 : i1
      %convert_element_type3A = arith.extui %and3A_204 : i1 to i32
      %cond3A = arith.constant 0 : i32
      %cond3A_205 = arith.cmpi ne, %convert_element_type3A, %cond3A : i32
      scf.if %cond3A_205 {
        %add3A_230 = arith.constant 1 : i32
        %add3A_231 = arith.addi %add3A_131, %add3A_230 : i32
        %jit3A_232 = arith.constant 16 : i32
        %eq3A_233 = arith.constant 0 : i32
        %eq3A_234 = arith.cmpi eq, %jit3A_232, %eq3A_233 : i32
        %jit3A_235 = arith.constant 1 : i32
        %select_n3A_236 = arith.select %eq3A_234, %jit3A_235, %jit3A_232 : i32
        %rem3A_237 = arith.remsi %add3A_231, %select_n3A_236 : i32
        %ne3A_238 = arith.constant 0 : i32
        %ne3A_239 = arith.cmpi ne, %rem3A_237, %ne3A_238 : i32
        %lt3A_240 = arith.constant 0 : i32
        %lt3A_241 = arith.cmpi slt, %rem3A_237, %lt3A_240 : i32
        %lt3A_242 = arith.constant 0 : i32
        %lt3A_243 = arith.cmpi slt, %select_n3A_236, %lt3A_242 : i32
        %ne3A_244 = arith.xori %lt3A_241, %lt3A_243 : i1
        %and3A_245 = arith.andi %ne3A_244, %ne3A_239 : i1
        %add3A_246 = arith.addi %rem3A_237, %select_n3A_236 : i32
        %select_n3A_247 = arith.select %and3A_245, %add3A_246, %rem3A_237 : i32
        %dma_start3A_248 = arith.constant 0 : i32
        %dma_start3A_249 = tpu.memref_slice %arg8[%select_n3A_247, %dma_start3A_248] : memref<16x128xi32, #tpu.memory_space<vmem>> -> memref<1x128xi32, #tpu.memory_space<vmem>>
        %dma_start3A_250 = tpu.memref_squeeze %dma_start3A_249 : memref<1x128xi32, #tpu.memory_space<vmem>> -> memref<128xi32, #tpu.memory_space<vmem>>
        %dma_start3A_251 = arith.constant 0 : i32
        %dma_start3A_252 = arith.constant 0 : i32
        %dma_start3A_253 = tpu.memref_slice %arg2[%dma_start3A_251, %dma_start3A_252] : memref<10112x128xf32, #tpu.memory_space<hbm>> -> memref<10112x128xf32, #tpu.memory_space<hbm>>
        tpu.enqueue_indirect_dma source(%dma_start3A_253 : memref<10112x128xf32, #tpu.memory_space<hbm>>) target(%arg9 : memref<128x128xf32, #tpu.memory_space<vmem>>) offsets(%dma_start3A_250 : memref<128xi32, #tpu.memory_space<vmem>>) semaphore(%arg12 : memref<!tpu.dma_semaphore, #tpu.memory_space<semaphore_mem>>)
      } else {
      }
      %jit3A_206 = arith.constant 16 : i32
      %eq3A_207 = arith.constant 0 : i32
      %eq3A_208 = arith.cmpi eq, %jit3A_206, %eq3A_207 : i32
      %jit3A_209 = arith.constant 1 : i32
      %select_n3A_210 = arith.select %eq3A_208, %jit3A_209, %jit3A_206 : i32
      %rem3A_211 = arith.remsi %add3A_131, %select_n3A_210 : i32
      %ne3A_212 = arith.constant 0 : i32
      %ne3A_213 = arith.cmpi ne, %rem3A_211, %ne3A_212 : i32
      %lt3A_214 = arith.constant 0 : i32
      %lt3A_215 = arith.cmpi slt, %rem3A_211, %lt3A_214 : i32
      %lt3A_216 = arith.constant 0 : i32
      %lt3A_217 = arith.cmpi slt, %select_n3A_210, %lt3A_216 : i32
      %ne3A_218 = arith.xori %lt3A_215, %lt3A_217 : i1
      %and3A_219 = arith.andi %ne3A_218, %ne3A_213 : i1
      %add3A_220 = arith.addi %rem3A_211, %select_n3A_210 : i32
      %select_n3A_221 = arith.select %and3A_219, %add3A_220, %rem3A_211 : i32
      "tpu.region"() ({
        %run_scoped3A = tpu.sem_alloc : memref<!tpu.dma_semaphore, #tpu.memory_space<semaphore_mem>>
        %dma_start3A_230 = arith.constant 0 : i32
        %dma_start3A_231 = tpu.memref_slice %arg7[%select_n3A_221, %dma_start3A_230] : memref<16x128xi32, #tpu.memory_space<vmem>> -> memref<1x128xi32, #tpu.memory_space<vmem>>
        %dma_start3A_232 = tpu.memref_squeeze %dma_start3A_231 : memref<1x128xi32, #tpu.memory_space<vmem>> -> memref<128xi32, #tpu.memory_space<vmem>>
        %dma_start3A_233 = arith.constant 0 : i32
        %dma_start3A_234 = arith.constant 0 : i32
        %dma_start3A_235 = tpu.memref_slice %arg11[%dma_start3A_233, %dma_start3A_234] : memref<10112x128xf32, #tpu.memory_space<vmem_shared>> -> memref<10112x128xf32, #tpu.memory_space<vmem_shared>>
        tpu.enqueue_indirect_dma source(%arg10 : memref<128x128xf32, #tpu.memory_space<vmem>>) target(%dma_start3A_235 : memref<10112x128xf32, #tpu.memory_space<vmem_shared>>) offsets(%dma_start3A_232 : memref<128xi32, #tpu.memory_space<vmem>>) semaphore(%run_scoped3A : memref<!tpu.dma_semaphore, #tpu.memory_space<semaphore_mem>>) {add = true}
        %dma_wait3A_236 = arith.constant 0 : i32
        %dma_wait3A_237 = tpu.memref_slice %arg7[%select_n3A_221, %dma_wait3A_236] : memref<16x128xi32, #tpu.memory_space<vmem>> -> memref<1x128xi32, #tpu.memory_space<vmem>>
        %dma_wait3A_238 = tpu.memref_squeeze %dma_wait3A_237 : memref<1x128xi32, #tpu.memory_space<vmem>> -> memref<128xi32, #tpu.memory_space<vmem>>
        %dma_wait3A_239 = arith.constant 0 : i32
        %dma_wait3A_240 = arith.constant 0 : i32
        %dma_wait3A_241 = tpu.memref_slice %arg11[%dma_wait3A_239, %dma_wait3A_240] : memref<10112x128xf32, #tpu.memory_space<vmem_shared>> -> memref<10112x128xf32, #tpu.memory_space<vmem_shared>>
        tpu.wait_indirect_dma semaphore(%run_scoped3A : memref<!tpu.dma_semaphore, #tpu.memory_space<semaphore_mem>>) src(%arg10 : memref<128x128xf32, #tpu.memory_space<vmem>>) dst(%dma_wait3A_241 : memref<10112x128xf32, #tpu.memory_space<vmem_shared>>)
        tpu.yield
      }) : () -> ()
      %add3A_222 = arith.constant 1 : i32
      %add3A_223 = arith.addi %add3A_131, %add3A_222 : i32
      %lt3A_224 = arith.cmpi slt, %add3A_223, %select_n3A : i32
      %and3A_225 = arith.andi %eq3A_199, %lt3A_224 : i1
      %convert_element_type3A_226 = arith.extui %and3A_225 : i1 to i32
      %cond3A_227 = arith.constant 0 : i32
      %cond3A_228 = arith.cmpi ne, %convert_element_type3A_226, %cond3A_227 : i32
      scf.if %cond3A_228 {
        %add3A_230 = arith.constant 1 : i32
        %add3A_231 = arith.addi %add3A_131, %add3A_230 : i32
        %multiple_of3A_232 = tpu.assume_multiple %add3A_231, 16 : i32
        "tpu.region"() ({
          %run_scoped3A = tpu.sem_alloc : memref<!tpu.dma_semaphore, #tpu.memory_space<semaphore_mem>>
          %dma_start3A_257 = arith.constant 0 : i32
          %dma_start3A_258 = tpu.memref_slice %arg3[%add3A, %multiple_of3A_232, %dma_start3A_257] : memref<32x144x128xi32, #tpu.memory_space<hbm>> -> memref<1x16x128xi32, #tpu.memory_space<hbm>>
          %dma_start3A_259 = tpu.memref_squeeze %dma_start3A_258 : memref<1x16x128xi32, #tpu.memory_space<hbm>> -> memref<16x128xi32, #tpu.memory_space<hbm>>
          %dma_start3A_260 = arith.constant 0 : i32
          %dma_start3A_261 = tpu.memref_slice %arg3[%add3A, %multiple_of3A_232, %dma_start3A_260] : memref<32x144x128xi32, #tpu.memory_space<hbm>> -> memref<1x16x128xi32, #tpu.memory_space<hbm>>
          %dma_start3A_262 = tpu.memref_squeeze %dma_start3A_261 : memref<1x16x128xi32, #tpu.memory_space<hbm>> -> memref<16x128xi32, #tpu.memory_space<hbm>>
          tpu.enqueue_dma source(%dma_start3A_262 : memref<16x128xi32, #tpu.memory_space<hbm>>) target(%arg7 : memref<16x128xi32, #tpu.memory_space<vmem>>) target_semaphore(%run_scoped3A : memref<!tpu.dma_semaphore, #tpu.memory_space<semaphore_mem>>)
          %dma_wait3A_263 = arith.constant 0 : i32
          %dma_wait3A_264 = tpu.memref_slice %arg3[%add3A, %multiple_of3A_232, %dma_wait3A_263] : memref<32x144x128xi32, #tpu.memory_space<hbm>> -> memref<1x16x128xi32, #tpu.memory_space<hbm>>
          %dma_wait3A_265 = tpu.memref_squeeze %dma_wait3A_264 : memref<1x16x128xi32, #tpu.memory_space<hbm>> -> memref<16x128xi32, #tpu.memory_space<hbm>>
          %dma_wait3A_266 = arith.constant 0 : i32
          %dma_wait3A_267 = tpu.memref_slice %arg3[%add3A, %multiple_of3A_232, %dma_wait3A_266] : memref<32x144x128xi32, #tpu.memory_space<hbm>> -> memref<1x16x128xi32, #tpu.memory_space<hbm>>
          %dma_wait3A_268 = tpu.memref_squeeze %dma_wait3A_267 : memref<1x16x128xi32, #tpu.memory_space<hbm>> -> memref<16x128xi32, #tpu.memory_space<hbm>>
          tpu.wait_dma2 semaphore(%run_scoped3A : memref<!tpu.dma_semaphore, #tpu.memory_space<semaphore_mem>>) src(%dma_wait3A_268 : memref<16x128xi32, #tpu.memory_space<hbm>>) dst(%arg7 : memref<16x128xi32, #tpu.memory_space<vmem>>)
          tpu.yield
        }) : () -> ()
        "tpu.region"() ({
          %run_scoped3A = tpu.sem_alloc : memref<!tpu.dma_semaphore, #tpu.memory_space<semaphore_mem>>
          %dma_start3A_257 = arith.constant 0 : i32
          %dma_start3A_258 = tpu.memref_slice %arg4[%add3A, %multiple_of3A_232, %dma_start3A_257] : memref<32x144x128xi32, #tpu.memory_space<hbm>> -> memref<1x16x128xi32, #tpu.memory_space<hbm>>
          %dma_start3A_259 = tpu.memref_squeeze %dma_start3A_258 : memref<1x16x128xi32, #tpu.memory_space<hbm>> -> memref<16x128xi32, #tpu.memory_space<hbm>>
          %dma_start3A_260 = arith.constant 0 : i32
          %dma_start3A_261 = tpu.memref_slice %arg4[%add3A, %multiple_of3A_232, %dma_start3A_260] : memref<32x144x128xi32, #tpu.memory_space<hbm>> -> memref<1x16x128xi32, #tpu.memory_space<hbm>>
          %dma_start3A_262 = tpu.memref_squeeze %dma_start3A_261 : memref<1x16x128xi32, #tpu.memory_space<hbm>> -> memref<16x128xi32, #tpu.memory_space<hbm>>
          tpu.enqueue_dma source(%dma_start3A_262 : memref<16x128xi32, #tpu.memory_space<hbm>>) target(%arg8 : memref<16x128xi32, #tpu.memory_space<vmem>>) target_semaphore(%run_scoped3A : memref<!tpu.dma_semaphore, #tpu.memory_space<semaphore_mem>>)
          %dma_wait3A_263 = arith.constant 0 : i32
          %dma_wait3A_264 = tpu.memref_slice %arg4[%add3A, %multiple_of3A_232, %dma_wait3A_263] : memref<32x144x128xi32, #tpu.memory_space<hbm>> -> memref<1x16x128xi32, #tpu.memory_space<hbm>>
          %dma_wait3A_265 = tpu.memref_squeeze %dma_wait3A_264 : memref<1x16x128xi32, #tpu.memory_space<hbm>> -> memref<16x128xi32, #tpu.memory_space<hbm>>
          %dma_wait3A_266 = arith.constant 0 : i32
          %dma_wait3A_267 = tpu.memref_slice %arg4[%add3A, %multiple_of3A_232, %dma_wait3A_266] : memref<32x144x128xi32, #tpu.memory_space<hbm>> -> memref<1x16x128xi32, #tpu.memory_space<hbm>>
          %dma_wait3A_268 = tpu.memref_squeeze %dma_wait3A_267 : memref<1x16x128xi32, #tpu.memory_space<hbm>> -> memref<16x128xi32, #tpu.memory_space<hbm>>
          tpu.wait_dma2 semaphore(%run_scoped3A : memref<!tpu.dma_semaphore, #tpu.memory_space<semaphore_mem>>) src(%dma_wait3A_268 : memref<16x128xi32, #tpu.memory_space<hbm>>) dst(%arg8 : memref<16x128xi32, #tpu.memory_space<vmem>>)
          tpu.yield
        }) : () -> ()
        %add3A_233 = arith.constant 1 : i32
        %add3A_234 = arith.addi %add3A_131, %add3A_233 : i32
        %jit3A_235 = arith.constant 16 : i32
        %eq3A_236 = arith.constant 0 : i32
        %eq3A_237 = arith.cmpi eq, %jit3A_235, %eq3A_236 : i32
        %jit3A_238 = arith.constant 1 : i32
        %select_n3A_239 = arith.select %eq3A_237, %jit3A_238, %jit3A_235 : i32
        %rem3A_240 = arith.remsi %add3A_234, %select_n3A_239 : i32
        %ne3A_241 = arith.constant 0 : i32
        %ne3A_242 = arith.cmpi ne, %rem3A_240, %ne3A_241 : i32
        %lt3A_243 = arith.constant 0 : i32
        %lt3A_244 = arith.cmpi slt, %rem3A_240, %lt3A_243 : i32
        %lt3A_245 = arith.constant 0 : i32
        %lt3A_246 = arith.cmpi slt, %select_n3A_239, %lt3A_245 : i32
        %ne3A_247 = arith.xori %lt3A_244, %lt3A_246 : i1
        %and3A_248 = arith.andi %ne3A_247, %ne3A_242 : i1
        %add3A_249 = arith.addi %rem3A_240, %select_n3A_239 : i32
        %select_n3A_250 = arith.select %and3A_248, %add3A_249, %rem3A_240 : i32
        %dma_start3A_251 = arith.constant 0 : i32
        %dma_start3A_252 = tpu.memref_slice %arg8[%select_n3A_250, %dma_start3A_251] : memref<16x128xi32, #tpu.memory_space<vmem>> -> memref<1x128xi32, #tpu.memory_space<vmem>>
        %dma_start3A_253 = tpu.memref_squeeze %dma_start3A_252 : memref<1x128xi32, #tpu.memory_space<vmem>> -> memref<128xi32, #tpu.memory_space<vmem>>
        %dma_start3A_254 = arith.constant 0 : i32
        %dma_start3A_255 = arith.constant 0 : i32
        %dma_start3A_256 = tpu.memref_slice %arg2[%dma_start3A_254, %dma_start3A_255] : memref<10112x128xf32, #tpu.memory_space<hbm>> -> memref<10112x128xf32, #tpu.memory_space<hbm>>
        tpu.enqueue_indirect_dma source(%dma_start3A_256 : memref<10112x128xf32, #tpu.memory_space<hbm>>) target(%arg9 : memref<128x128xf32, #tpu.memory_space<vmem>>) offsets(%dma_start3A_253 : memref<128xi32, #tpu.memory_space<vmem>>) semaphore(%arg12 : memref<!tpu.dma_semaphore, #tpu.memory_space<semaphore_mem>>)
      } else {
      }
      %while3A_229 = arith.constant 0 : i32
      scf.yield %while3A_229 : i32
    }
    %barrier3A_58 = arith.constant 0 : index
    tpu.barrier barrier_id(%barrier3A_58)
    "tpu.region"() ({
      %run_scoped3A = tpu.sem_alloc : memref<!tpu.dma_semaphore, #tpu.memory_space<semaphore_mem>>
      %dma_start3A_126 = arith.constant 0 : i32
      %dma_start3A_127 = tpu.memref_slice %arg5[%arg0, %mul3A_4, %dma_start3A_126] : memref<2x10112x128xf32, #tpu.memory_space<hbm>> -> memref<1x632x128xf32, #tpu.memory_space<hbm>>
      %dma_start3A_128 = tpu.memref_squeeze %dma_start3A_127 : memref<1x632x128xf32, #tpu.memory_space<hbm>> -> memref<632x128xf32, #tpu.memory_space<hbm>>
      %dma_start3A_129 = arith.constant 0 : i32
      %dma_start3A_130 = tpu.memref_slice %arg11[%mul3A_4, %dma_start3A_129] : memref<10112x128xf32, #tpu.memory_space<vmem_shared>> -> memref<632x128xf32, #tpu.memory_space<vmem_shared>>
      tpu.enqueue_dma source(%dma_start3A_130 : memref<632x128xf32, #tpu.memory_space<vmem_shared>>) target(%dma_start3A_128 : memref<632x128xf32, #tpu.memory_space<hbm>>) target_semaphore(%run_scoped3A : memref<!tpu.dma_semaphore, #tpu.memory_space<semaphore_mem>>)
      %dma_wait3A = arith.constant 0 : i32
      %dma_wait3A_131 = tpu.memref_slice %arg5[%arg0, %mul3A_4, %dma_wait3A] : memref<2x10112x128xf32, #tpu.memory_space<hbm>> -> memref<1x632x128xf32, #tpu.memory_space<hbm>>
      %dma_wait3A_132 = tpu.memref_squeeze %dma_wait3A_131 : memref<1x632x128xf32, #tpu.memory_space<hbm>> -> memref<632x128xf32, #tpu.memory_space<hbm>>
      %dma_wait3A_133 = arith.constant 0 : i32
      %dma_wait3A_134 = tpu.memref_slice %arg11[%mul3A_4, %dma_wait3A_133] : memref<10112x128xf32, #tpu.memory_space<vmem_shared>> -> memref<632x128xf32, #tpu.memory_space<vmem_shared>>
      tpu.wait_dma2 semaphore(%run_scoped3A : memref<!tpu.dma_semaphore, #tpu.memory_space<semaphore_mem>>) src(%dma_wait3A_134 : memref<632x128xf32, #tpu.memory_space<vmem_shared>>) dst(%dma_wait3A_132 : memref<632x128xf32, #tpu.memory_space<hbm>>)
      tpu.yield
    }) : () -> ()
    %barrier3A_59 = arith.constant 0 : index
    tpu.barrier barrier_id(%barrier3A_59)
    %broadcast_in_dim3A_60 = arith.constant 0.000000e+00 : f32
    %broadcast_in_dim3A_61 = vector.broadcast %broadcast_in_dim3A_60 : f32 to vector<16xf32>
    %scan3A_62 = arith.constant 0 : i32
    %scan3A_63 = arith.constant 0 : i32
    %scan3A_64 = arith.constant 128 : i32
    %scan3A_65 = arith.addi %scan3A_63, %scan3A_64 : i32
    %scan3A_66 = arith.constant 1 : i32
    %scan3A_67 = scf.for %scan3A_126 = %scan3A_63 to %scan3A_65 step %scan3A_66 iter_args(%scan3A_127 = %scan3A_62) -> (i32)  : i32 {
      %swap3A = arith.index_cast %scan3A_126 : i32 to index
      %swap3A_128 = arith.constant 0 : index
      %swap3A_129 = tpu.vector_load %arg9[%swap3A, %swap3A_128] {strides = array<i32>} : memref<128x128xf32, #tpu.memory_space<vmem>>, vector<1x16xf32>,
      %swap3A_130 = vector.shape_cast %swap3A_129 : vector<1x16xf32> to vector<16xf32>
      %swap3A_131 = vector.shape_cast %broadcast_in_dim3A_61 : vector<16xf32> to vector<1x16xf32>
      tpu.vector_store %arg9[%swap3A, %swap3A_128], %swap3A_131 {strides = array<i32>} : memref<128x128xf32, #tpu.memory_space<vmem>>, vector<1x16xf32>,
      %swap3A_132 = arith.index_cast %scan3A_126 : i32 to index
      %swap3A_133 = arith.constant 16 : index
      %swap3A_134 = tpu.vector_load %arg9[%swap3A_132, %swap3A_133] {strides = array<i32>} : memref<128x128xf32, #tpu.memory_space<vmem>>, vector<1x16xf32>,
      %swap3A_135 = vector.shape_cast %swap3A_134 : vector<1x16xf32> to vector<16xf32>
      %swap3A_136 = vector.shape_cast %broadcast_in_dim3A_61 : vector<16xf32> to vector<1x16xf32>
      tpu.vector_store %arg9[%swap3A_132, %swap3A_133], %swap3A_136 {strides = array<i32>} : memref<128x128xf32, #tpu.memory_space<vmem>>, vector<1x16xf32>,
      %swap3A_137 = arith.index_cast %scan3A_126 : i32 to index
      %swap3A_138 = arith.constant 32 : index
      %swap3A_139 = tpu.vector_load %arg9[%swap3A_137, %swap3A_138] {strides = array<i32>} : memref<128x128xf32, #tpu.memory_space<vmem>>, vector<1x16xf32>,
      %swap3A_140 = vector.shape_cast %swap3A_139 : vector<1x16xf32> to vector<16xf32>
      %swap3A_141 = vector.shape_cast %broadcast_in_dim3A_61 : vector<16xf32> to vector<1x16xf32>
      tpu.vector_store %arg9[%swap3A_137, %swap3A_138], %swap3A_141 {strides = array<i32>} : memref<128x128xf32, #tpu.memory_space<vmem>>, vector<1x16xf32>,
      %swap3A_142 = arith.index_cast %scan3A_126 : i32 to index
      %swap3A_143 = arith.constant 48 : index
      %swap3A_144 = tpu.vector_load %arg9[%swap3A_142, %swap3A_143] {strides = array<i32>} : memref<128x128xf32, #tpu.memory_space<vmem>>, vector<1x16xf32>,
      %swap3A_145 = vector.shape_cast %swap3A_144 : vector<1x16xf32> to vector<16xf32>
      %swap3A_146 = vector.shape_cast %broadcast_in_dim3A_61 : vector<16xf32> to vector<1x16xf32>
      tpu.vector_store %arg9[%swap3A_142, %swap3A_143], %swap3A_146 {strides = array<i32>} : memref<128x128xf32, #tpu.memory_space<vmem>>, vector<1x16xf32>,
      %swap3A_147 = arith.index_cast %scan3A_126 : i32 to index
      %swap3A_148 = arith.constant 64 : index
      %swap3A_149 = tpu.vector_load %arg9[%swap3A_147, %swap3A_148] {strides = array<i32>} : memref<128x128xf32, #tpu.memory_space<vmem>>, vector<1x16xf32>,
      %swap3A_150 = vector.shape_cast %swap3A_149 : vector<1x16xf32> to vector<16xf32>
      %swap3A_151 = vector.shape_cast %broadcast_in_dim3A_61 : vector<16xf32> to vector<1x16xf32>
      tpu.vector_store %arg9[%swap3A_147, %swap3A_148], %swap3A_151 {strides = array<i32>} : memref<128x128xf32, #tpu.memory_space<vmem>>, vector<1x16xf32>,
      %swap3A_152 = arith.index_cast %scan3A_126 : i32 to index
      %swap3A_153 = arith.constant 80 : index
      %swap3A_154 = tpu.vector_load %arg9[%swap3A_152, %swap3A_153] {strides = array<i32>} : memref<128x128xf32, #tpu.memory_space<vmem>>, vector<1x16xf32>,
      %swap3A_155 = vector.shape_cast %swap3A_154 : vector<1x16xf32> to vector<16xf32>
      %swap3A_156 = vector.shape_cast %broadcast_in_dim3A_61 : vector<16xf32> to vector<1x16xf32>
      tpu.vector_store %arg9[%swap3A_152, %swap3A_153], %swap3A_156 {strides = array<i32>} : memref<128x128xf32, #tpu.memory_space<vmem>>, vector<1x16xf32>,
      %swap3A_157 = arith.index_cast %scan3A_126 : i32 to index
      %swap3A_158 = arith.constant 96 : index
      %swap3A_159 = tpu.vector_load %arg9[%swap3A_157, %swap3A_158] {strides = array<i32>} : memref<128x128xf32, #tpu.memory_space<vmem>>, vector<1x16xf32>,
      %swap3A_160 = vector.shape_cast %swap3A_159 : vector<1x16xf32> to vector<16xf32>
      %swap3A_161 = vector.shape_cast %broadcast_in_dim3A_61 : vector<16xf32> to vector<1x16xf32>
      tpu.vector_store %arg9[%swap3A_157, %swap3A_158], %swap3A_161 {strides = array<i32>} : memref<128x128xf32, #tpu.memory_space<vmem>>, vector<1x16xf32>,
      %swap3A_162 = arith.index_cast %scan3A_126 : i32 to index
      %swap3A_163 = arith.constant 112 : index
      %swap3A_164 = tpu.vector_load %arg9[%swap3A_162, %swap3A_163] {strides = array<i32>} : memref<128x128xf32, #tpu.memory_space<vmem>>, vector<1x16xf32>,
      %swap3A_165 = vector.shape_cast %swap3A_164 : vector<1x16xf32> to vector<16xf32>
      %swap3A_166 = vector.shape_cast %broadcast_in_dim3A_61 : vector<16xf32> to vector<1x16xf32>
      tpu.vector_store %arg9[%swap3A_162, %swap3A_163], %swap3A_166 {strides = array<i32>} : memref<128x128xf32, #tpu.memory_space<vmem>>, vector<1x16xf32>,
      %scan3A_167 = arith.constant 0 : i32
      scf.yield %scan3A_167 : i32
    }
    %scan3A_68 = arith.constant 128 : i32
    %add3A_69 = arith.constant 0 : i32
    %add3A_70 = arith.addi %mul3A_4, %add3A_69 : i32
    "tpu.region"() ({
      %run_scoped3A = tpu.sem_alloc : memref<!tpu.dma_semaphore, #tpu.memory_space<semaphore_mem>>
      %dma_start3A_126 = arith.constant 0 : i32
      %dma_start3A_127 = tpu.memref_slice %arg11[%add3A_70, %dma_start3A_126] : memref<10112x128xf32, #tpu.memory_space<vmem_shared>> -> memref<128x128xf32, #tpu.memory_space<vmem_shared>>
      %dma_start3A_128 = arith.constant 0 : i32
      %dma_start3A_129 = tpu.memref_slice %arg11[%add3A_70, %dma_start3A_128] : memref<10112x128xf32, #tpu.memory_space<vmem_shared>> -> memref<128x128xf32, #tpu.memory_space<vmem_shared>>
      tpu.enqueue_dma source(%arg9 : memref<128x128xf32, #tpu.memory_space<vmem>>) target(%dma_start3A_129 : memref<128x128xf32, #tpu.memory_space<vmem_shared>>) target_semaphore(%run_scoped3A : memref<!tpu.dma_semaphore, #tpu.memory_space<semaphore_mem>>)
      %dma_wait3A = arith.constant 0 : i32
      %dma_wait3A_130 = tpu.memref_slice %arg11[%add3A_70, %dma_wait3A] : memref<10112x128xf32, #tpu.memory_space<vmem_shared>> -> memref<128x128xf32, #tpu.memory_space<vmem_shared>>
      %dma_wait3A_131 = arith.constant 0 : i32
      %dma_wait3A_132 = tpu.memref_slice %arg11[%add3A_70, %dma_wait3A_131] : memref<10112x128xf32, #tpu.memory_space<vmem_shared>> -> memref<128x128xf32, #tpu.memory_space<vmem_shared>>
      tpu.wait_dma2 semaphore(%run_scoped3A : memref<!tpu.dma_semaphore, #tpu.memory_space<semaphore_mem>>) src(%arg9 : memref<128x128xf32, #tpu.memory_space<vmem>>) dst(%dma_wait3A_132 : memref<128x128xf32, #tpu.memory_space<vmem_shared>>)
      tpu.yield
    }) : () -> ()
    %add3A_71 = arith.constant 128 : i32
    %add3A_72 = arith.addi %mul3A_4, %add3A_71 : i32
    "tpu.region"() ({
      %run_scoped3A = tpu.sem_alloc : memref<!tpu.dma_semaphore, #tpu.memory_space<semaphore_mem>>
      %dma_start3A_126 = arith.constant 0 : i32
      %dma_start3A_127 = tpu.memref_slice %arg11[%add3A_72, %dma_start3A_126] : memref<10112x128xf32, #tpu.memory_space<vmem_shared>> -> memref<128x128xf32, #tpu.memory_space<vmem_shared>>
      %dma_start3A_128 = arith.constant 0 : i32
      %dma_start3A_129 = tpu.memref_slice %arg11[%add3A_72, %dma_start3A_128] : memref<10112x128xf32, #tpu.memory_space<vmem_shared>> -> memref<128x128xf32, #tpu.memory_space<vmem_shared>>
      tpu.enqueue_dma source(%arg9 : memref<128x128xf32, #tpu.memory_space<vmem>>) target(%dma_start3A_129 : memref<128x128xf32, #tpu.memory_space<vmem_shared>>) target_semaphore(%run_scoped3A : memref<!tpu.dma_semaphore, #tpu.memory_space<semaphore_mem>>)
      %dma_wait3A = arith.constant 0 : i32
      %dma_wait3A_130 = tpu.memref_slice %arg11[%add3A_72, %dma_wait3A] : memref<10112x128xf32, #tpu.memory_space<vmem_shared>> -> memref<128x128xf32, #tpu.memory_space<vmem_shared>>
      %dma_wait3A_131 = arith.constant 0 : i32
      %dma_wait3A_132 = tpu.memref_slice %arg11[%add3A_72, %dma_wait3A_131] : memref<10112x128xf32, #tpu.memory_space<vmem_shared>> -> memref<128x128xf32, #tpu.memory_space<vmem_shared>>
      tpu.wait_dma2 semaphore(%run_scoped3A : memref<!tpu.dma_semaphore, #tpu.memory_space<semaphore_mem>>) src(%arg9 : memref<128x128xf32, #tpu.memory_space<vmem>>) dst(%dma_wait3A_132 : memref<128x128xf32, #tpu.memory_space<vmem_shared>>)
      tpu.yield
    }) : () -> ()
    %add3A_73 = arith.constant 256 : i32
    %add3A_74 = arith.addi %mul3A_4, %add3A_73 : i32
    "tpu.region"() ({
      %run_scoped3A = tpu.sem_alloc : memref<!tpu.dma_semaphore, #tpu.memory_space<semaphore_mem>>
      %dma_start3A_126 = arith.constant 0 : i32
      %dma_start3A_127 = tpu.memref_slice %arg11[%add3A_74, %dma_start3A_126] : memref<10112x128xf32, #tpu.memory_space<vmem_shared>> -> memref<128x128xf32, #tpu.memory_space<vmem_shared>>
      %dma_start3A_128 = arith.constant 0 : i32
      %dma_start3A_129 = tpu.memref_slice %arg11[%add3A_74, %dma_start3A_128] : memref<10112x128xf32, #tpu.memory_space<vmem_shared>> -> memref<128x128xf32, #tpu.memory_space<vmem_shared>>
      tpu.enqueue_dma source(%arg9 : memref<128x128xf32, #tpu.memory_space<vmem>>) target(%dma_start3A_129 : memref<128x128xf32, #tpu.memory_space<vmem_shared>>) target_semaphore(%run_scoped3A : memref<!tpu.dma_semaphore, #tpu.memory_space<semaphore_mem>>)
      %dma_wait3A = arith.constant 0 : i32
      %dma_wait3A_130 = tpu.memref_slice %arg11[%add3A_74, %dma_wait3A] : memref<10112x128xf32, #tpu.memory_space<vmem_shared>> -> memref<128x128xf32, #tpu.memory_space<vmem_shared>>
      %dma_wait3A_131 = arith.constant 0 : i32
      %dma_wait3A_132 = tpu.memref_slice %arg11[%add3A_74, %dma_wait3A_131] : memref<10112x128xf32, #tpu.memory_space<vmem_shared>> -> memref<128x128xf32, #tpu.memory_space<vmem_shared>>
      tpu.wait_dma2 semaphore(%run_scoped3A : memref<!tpu.dma_semaphore, #tpu.memory_space<semaphore_mem>>) src(%arg9 : memref<128x128xf32, #tpu.memory_space<vmem>>) dst(%dma_wait3A_132 : memref<128x128xf32, #tpu.memory_space<vmem_shared>>)
      tpu.yield
    }) : () -> ()
    %add3A_75 = arith.constant 384 : i32
    %add3A_76 = arith.addi %mul3A_4, %add3A_75 : i32
    "tpu.region"() ({
      %run_scoped3A = tpu.sem_alloc : memref<!tpu.dma_semaphore, #tpu.memory_space<semaphore_mem>>
      %dma_start3A_126 = arith.constant 0 : i32
      %dma_start3A_127 = tpu.memref_slice %arg11[%add3A_76, %dma_start3A_126] : memref<10112x128xf32, #tpu.memory_space<vmem_shared>> -> memref<128x128xf32, #tpu.memory_space<vmem_shared>>
      %dma_start3A_128 = arith.constant 0 : i32
      %dma_start3A_129 = tpu.memref_slice %arg11[%add3A_76, %dma_start3A_128] : memref<10112x128xf32, #tpu.memory_space<vmem_shared>> -> memref<128x128xf32, #tpu.memory_space<vmem_shared>>
      tpu.enqueue_dma source(%arg9 : memref<128x128xf32, #tpu.memory_space<vmem>>) target(%dma_start3A_129 : memref<128x128xf32, #tpu.memory_space<vmem_shared>>) target_semaphore(%run_scoped3A : memref<!tpu.dma_semaphore, #tpu.memory_space<semaphore_mem>>)
      %dma_wait3A = arith.constant 0 : i32
      %dma_wait3A_130 = tpu.memref_slice %arg11[%add3A_76, %dma_wait3A] : memref<10112x128xf32, #tpu.memory_space<vmem_shared>> -> memref<128x128xf32, #tpu.memory_space<vmem_shared>>
      %dma_wait3A_131 = arith.constant 0 : i32
      %dma_wait3A_132 = tpu.memref_slice %arg11[%add3A_76, %dma_wait3A_131] : memref<10112x128xf32, #tpu.memory_space<vmem_shared>> -> memref<128x128xf32, #tpu.memory_space<vmem_shared>>
      tpu.wait_dma2 semaphore(%run_scoped3A : memref<!tpu.dma_semaphore, #tpu.memory_space<semaphore_mem>>) src(%arg9 : memref<128x128xf32, #tpu.memory_space<vmem>>) dst(%dma_wait3A_132 : memref<128x128xf32, #tpu.memory_space<vmem_shared>>)
      tpu.yield
    }) : () -> ()
    %add3A_77 = arith.constant 512 : i32
    %add3A_78 = arith.addi %mul3A_4, %add3A_77 : i32
    "tpu.region"() ({
      %run_scoped3A = tpu.sem_alloc : memref<!tpu.dma_semaphore, #tpu.memory_space<semaphore_mem>>
      %dma_start3A_126 = arith.constant 0 : i32
      %dma_start3A_127 = arith.constant 0 : i32
      %dma_start3A_128 = tpu.memref_slice %arg9[%dma_start3A_126, %dma_start3A_127] : memref<128x128xf32, #tpu.memory_space<vmem>> -> memref<120x128xf32, #tpu.memory_space<vmem>>
      %dma_start3A_129 = arith.constant 0 : i32
      %dma_start3A_130 = tpu.memref_slice %arg11[%add3A_78, %dma_start3A_129] : memref<10112x128xf32, #tpu.memory_space<vmem_shared>> -> memref<120x128xf32, #tpu.memory_space<vmem_shared>>
      %dma_start3A_131 = arith.constant 0 : i32
      %dma_start3A_132 = tpu.memref_slice %arg11[%add3A_78, %dma_start3A_131] : memref<10112x128xf32, #tpu.memory_space<vmem_shared>> -> memref<120x128xf32, #tpu.memory_space<vmem_shared>>
      %dma_start3A_133 = arith.constant 0 : i32
      %dma_start3A_134 = arith.constant 0 : i32
      %dma_start3A_135 = tpu.memref_slice %arg9[%dma_start3A_133, %dma_start3A_134] : memref<128x128xf32, #tpu.memory_space<vmem>> -> memref<120x128xf32, #tpu.memory_space<vmem>>
      tpu.enqueue_dma source(%dma_start3A_135 : memref<120x128xf32, #tpu.memory_space<vmem>>) target(%dma_start3A_132 : memref<120x128xf32, #tpu.memory_space<vmem_shared>>) target_semaphore(%run_scoped3A : memref<!tpu.dma_semaphore, #tpu.memory_space<semaphore_mem>>)
      %dma_wait3A = arith.constant 0 : i32
      %dma_wait3A_136 = arith.constant 0 : i32
      %dma_wait3A_137 = tpu.memref_slice %arg9[%dma_wait3A, %dma_wait3A_136] : memref<128x128xf32, #tpu.memory_space<vmem>> -> memref<120x128xf32, #tpu.memory_space<vmem>>
      %dma_wait3A_138 = arith.constant 0 : i32
      %dma_wait3A_139 = tpu.memref_slice %arg11[%add3A_78, %dma_wait3A_138] : memref<10112x128xf32, #tpu.memory_space<vmem_shared>> -> memref<120x128xf32, #tpu.memory_space<vmem_shared>>
      %dma_wait3A_140 = arith.constant 0 : i32
      %dma_wait3A_141 = tpu.memref_slice %arg11[%add3A_78, %dma_wait3A_140] : memref<10112x128xf32, #tpu.memory_space<vmem_shared>> -> memref<120x128xf32, #tpu.memory_space<vmem_shared>>
      %dma_wait3A_142 = arith.constant 0 : i32
      %dma_wait3A_143 = arith.constant 0 : i32
      %dma_wait3A_144 = tpu.memref_slice %arg9[%dma_wait3A_142, %dma_wait3A_143] : memref<128x128xf32, #tpu.memory_space<vmem>> -> memref<120x128xf32, #tpu.memory_space<vmem>>
      tpu.wait_dma2 semaphore(%run_scoped3A : memref<!tpu.dma_semaphore, #tpu.memory_space<semaphore_mem>>) src(%dma_wait3A_144 : memref<120x128xf32, #tpu.memory_space<vmem>>) dst(%dma_wait3A_141 : memref<120x128xf32, #tpu.memory_space<vmem_shared>>)
      tpu.yield
    }) : () -> ()
    %broadcast_in_dim3A_79 = arith.constant 1.000000e+00 : f32
    %broadcast_in_dim3A_80 = vector.broadcast %broadcast_in_dim3A_79 : f32 to vector<16xf32>
    %scan3A_81 = arith.constant 0 : i32
    %scan3A_82 = arith.constant 0 : i32
    %scan3A_83 = arith.constant 128 : i32
    %scan3A_84 = arith.addi %scan3A_82, %scan3A_83 : i32
    %scan3A_85 = arith.constant 1 : i32
    %scan3A_86 = scf.for %scan3A_126 = %scan3A_82 to %scan3A_84 step %scan3A_85 iter_args(%scan3A_127 = %scan3A_81) -> (i32)  : i32 {
      %swap3A = arith.index_cast %scan3A_126 : i32 to index
      %swap3A_128 = arith.constant 0 : index
      %swap3A_129 = tpu.vector_load %arg9[%swap3A, %swap3A_128] {strides = array<i32>} : memref<128x128xf32, #tpu.memory_space<vmem>>, vector<1x16xf32>,
      %swap3A_130 = vector.shape_cast %swap3A_129 : vector<1x16xf32> to vector<16xf32>
      %swap3A_131 = vector.shape_cast %broadcast_in_dim3A_80 : vector<16xf32> to vector<1x16xf32>
      tpu.vector_store %arg9[%swap3A, %swap3A_128], %swap3A_131 {strides = array<i32>} : memref<128x128xf32, #tpu.memory_space<vmem>>, vector<1x16xf32>,
      %swap3A_132 = arith.index_cast %scan3A_126 : i32 to index
      %swap3A_133 = arith.constant 16 : index
      %swap3A_134 = tpu.vector_load %arg9[%swap3A_132, %swap3A_133] {strides = array<i32>} : memref<128x128xf32, #tpu.memory_space<vmem>>, vector<1x16xf32>,
      %swap3A_135 = vector.shape_cast %swap3A_134 : vector<1x16xf32> to vector<16xf32>
      %swap3A_136 = vector.shape_cast %broadcast_in_dim3A_80 : vector<16xf32> to vector<1x16xf32>
      tpu.vector_store %arg9[%swap3A_132, %swap3A_133], %swap3A_136 {strides = array<i32>} : memref<128x128xf32, #tpu.memory_space<vmem>>, vector<1x16xf32>,
      %swap3A_137 = arith.index_cast %scan3A_126 : i32 to index
      %swap3A_138 = arith.constant 32 : index
      %swap3A_139 = tpu.vector_load %arg9[%swap3A_137, %swap3A_138] {strides = array<i32>} : memref<128x128xf32, #tpu.memory_space<vmem>>, vector<1x16xf32>,
      %swap3A_140 = vector.shape_cast %swap3A_139 : vector<1x16xf32> to vector<16xf32>
      %swap3A_141 = vector.shape_cast %broadcast_in_dim3A_80 : vector<16xf32> to vector<1x16xf32>
      tpu.vector_store %arg9[%swap3A_137, %swap3A_138], %swap3A_141 {strides = array<i32>} : memref<128x128xf32, #tpu.memory_space<vmem>>, vector<1x16xf32>,
      %swap3A_142 = arith.index_cast %scan3A_126 : i32 to index
      %swap3A_143 = arith.constant 48 : index
      %swap3A_144 = tpu.vector_load %arg9[%swap3A_142, %swap3A_143] {strides = array<i32>} : memref<128x128xf32, #tpu.memory_space<vmem>>, vector<1x16xf32>,
      %swap3A_145 = vector.shape_cast %swap3A_144 : vector<1x16xf32> to vector<16xf32>
      %swap3A_146 = vector.shape_cast %broadcast_in_dim3A_80 : vector<16xf32> to vector<1x16xf32>
      tpu.vector_store %arg9[%swap3A_142, %swap3A_143], %swap3A_146 {strides = array<i32>} : memref<128x128xf32, #tpu.memory_space<vmem>>, vector<1x16xf32>,
      %swap3A_147 = arith.index_cast %scan3A_126 : i32 to index
      %swap3A_148 = arith.constant 64 : index
      %swap3A_149 = tpu.vector_load %arg9[%swap3A_147, %swap3A_148] {strides = array<i32>} : memref<128x128xf32, #tpu.memory_space<vmem>>, vector<1x16xf32>,
      %swap3A_150 = vector.shape_cast %swap3A_149 : vector<1x16xf32> to vector<16xf32>
      %swap3A_151 = vector.shape_cast %broadcast_in_dim3A_80 : vector<16xf32> to vector<1x16xf32>
      tpu.vector_store %arg9[%swap3A_147, %swap3A_148], %swap3A_151 {strides = array<i32>} : memref<128x128xf32, #tpu.memory_space<vmem>>, vector<1x16xf32>,
      %swap3A_152 = arith.index_cast %scan3A_126 : i32 to index
      %swap3A_153 = arith.constant 80 : index
      %swap3A_154 = tpu.vector_load %arg9[%swap3A_152, %swap3A_153] {strides = array<i32>} : memref<128x128xf32, #tpu.memory_space<vmem>>, vector<1x16xf32>,
      %swap3A_155 = vector.shape_cast %swap3A_154 : vector<1x16xf32> to vector<16xf32>
      %swap3A_156 = vector.shape_cast %broadcast_in_dim3A_80 : vector<16xf32> to vector<1x16xf32>
      tpu.vector_store %arg9[%swap3A_152, %swap3A_153], %swap3A_156 {strides = array<i32>} : memref<128x128xf32, #tpu.memory_space<vmem>>, vector<1x16xf32>,
      %swap3A_157 = arith.index_cast %scan3A_126 : i32 to index
      %swap3A_158 = arith.constant 96 : index
      %swap3A_159 = tpu.vector_load %arg9[%swap3A_157, %swap3A_158] {strides = array<i32>} : memref<128x128xf32, #tpu.memory_space<vmem>>, vector<1x16xf32>,
      %swap3A_160 = vector.shape_cast %swap3A_159 : vector<1x16xf32> to vector<16xf32>
      %swap3A_161 = vector.shape_cast %broadcast_in_dim3A_80 : vector<16xf32> to vector<1x16xf32>
      tpu.vector_store %arg9[%swap3A_157, %swap3A_158], %swap3A_161 {strides = array<i32>} : memref<128x128xf32, #tpu.memory_space<vmem>>, vector<1x16xf32>,
      %swap3A_162 = arith.index_cast %scan3A_126 : i32 to index
      %swap3A_163 = arith.constant 112 : index
      %swap3A_164 = tpu.vector_load %arg9[%swap3A_162, %swap3A_163] {strides = array<i32>} : memref<128x128xf32, #tpu.memory_space<vmem>>, vector<1x16xf32>,
      %swap3A_165 = vector.shape_cast %swap3A_164 : vector<1x16xf32> to vector<16xf32>
      %swap3A_166 = vector.shape_cast %broadcast_in_dim3A_80 : vector<16xf32> to vector<1x16xf32>
      tpu.vector_store %arg9[%swap3A_162, %swap3A_163], %swap3A_166 {strides = array<i32>} : memref<128x128xf32, #tpu.memory_space<vmem>>, vector<1x16xf32>,
      %scan3A_167 = arith.constant 0 : i32
      scf.yield %scan3A_167 : i32
    }
    %scan3A_87 = arith.constant 128 : i32
    %barrier3A_88 = arith.constant 0 : index
    tpu.barrier barrier_id(%barrier3A_88)
    %jit3A_89 = arith.constant 16 : i32
    %div3A_90 = arith.divsi %select_n3A, %jit3A_89 : i32
    %sign3A_91 = arith.constant 0 : i32
    %sign3A_92 = arith.cmpi sgt, %select_n3A, %sign3A_91 : i32
    %sign3A_93 = arith.extui %sign3A_92 : i1 to i32
    %sign3A_94 = arith.constant 0 : i32
    %sign3A_95 = arith.cmpi slt, %select_n3A, %sign3A_94 : i32
    %sign3A_96 = arith.extui %sign3A_95 : i1 to i32
    %sign3A_97 = arith.subi %sign3A_93, %sign3A_96 : i32
    %sign3A_98 = arith.constant 0 : i32
    %sign3A_99 = arith.cmpi sgt, %jit3A_89, %sign3A_98 : i32
    %sign3A_100 = arith.extui %sign3A_99 : i1 to i32
    %sign3A_101 = arith.constant 0 : i32
    %sign3A_102 = arith.cmpi slt, %jit3A_89, %sign3A_101 : i32
    %sign3A_103 = arith.extui %sign3A_102 : i1 to i32
    %sign3A_104 = arith.subi %sign3A_100, %sign3A_103 : i32
    %ne3A_105 = arith.cmpi ne, %sign3A_97, %sign3A_104 : i32
    %rem3A_106 = arith.remsi %select_n3A, %jit3A_89 : i32
    %ne3A_107 = arith.constant 0 : i32
    %ne3A_108 = arith.cmpi ne, %rem3A_106, %ne3A_107 : i32
    %and3A_109 = arith.andi %ne3A_105, %ne3A_108 : i1
    %sub3A_110 = arith.constant 1 : i32
    %sub3A_111 = arith.subi %div3A_90, %sub3A_110 : i32
    %select_n3A_112 = arith.select %and3A_109, %sub3A_111, %div3A_90 : i32
    %while3A_113 = arith.constant 0 : i32
    %while3A_114 = arith.constant 0 : i32
    %while3A_115 = arith.subi %select_n3A_112, %while3A_113 : i32
    %while3A_116 = arith.addi %while3A_113, %while3A_115 : i32
    %while3A_117 = arith.constant 1 : i32
    %while3A_118 = arith.divsi %while3A_115, %while3A_117 : i32
    %while3A_119 = arith.muli %while3A_118, %while3A_117 : i32
    %while3A_120 = arith.addi %while3A_113, %while3A_119 : i32
    %while3A_121 = arith.constant 1 : i32
    %while3A_122 = scf.for %while3A_126 = %while3A_113 to %while3A_120 step %while3A_121 iter_args(%while3A_127 = %while3A_114) -> (i32)  : i32 {
      %mul3A_128 = arith.constant 16 : i32
      %mul3A_129 = arith.muli %while3A_126, %mul3A_128 : i32
      "tpu.region"() ({
        %run_scoped3A = tpu.sem_alloc : memref<!tpu.dma_semaphore, #tpu.memory_space<semaphore_mem>>
        %dma_start3A_354 = arith.constant 0 : i32
        %dma_start3A_355 = tpu.memref_slice %arg3[%add3A, %mul3A_129, %dma_start3A_354] : memref<32x144x128xi32, #tpu.memory_space<hbm>> -> memref<1x16x128xi32, #tpu.memory_space<hbm>>
        %dma_start3A_356 = tpu.memref_squeeze %dma_start3A_355 : memref<1x16x128xi32, #tpu.memory_space<hbm>> -> memref<16x128xi32, #tpu.memory_space<hbm>>
        %dma_start3A_357 = arith.constant 0 : i32
        %dma_start3A_358 = tpu.memref_slice %arg3[%add3A, %mul3A_129, %dma_start3A_357] : memref<32x144x128xi32, #tpu.memory_space<hbm>> -> memref<1x16x128xi32, #tpu.memory_space<hbm>>
        %dma_start3A_359 = tpu.memref_squeeze %dma_start3A_358 : memref<1x16x128xi32, #tpu.memory_space<hbm>> -> memref<16x128xi32, #tpu.memory_space<hbm>>
        tpu.enqueue_dma source(%dma_start3A_359 : memref<16x128xi32, #tpu.memory_space<hbm>>) target(%arg7 : memref<16x128xi32, #tpu.memory_space<vmem>>) target_semaphore(%run_scoped3A : memref<!tpu.dma_semaphore, #tpu.memory_space<semaphore_mem>>)
        %dma_wait3A_360 = arith.constant 0 : i32
        %dma_wait3A_361 = tpu.memref_slice %arg3[%add3A, %mul3A_129, %dma_wait3A_360] : memref<32x144x128xi32, #tpu.memory_space<hbm>> -> memref<1x16x128xi32, #tpu.memory_space<hbm>>
        %dma_wait3A_362 = tpu.memref_squeeze %dma_wait3A_361 : memref<1x16x128xi32, #tpu.memory_space<hbm>> -> memref<16x128xi32, #tpu.memory_space<hbm>>
        %dma_wait3A_363 = arith.constant 0 : i32
        %dma_wait3A_364 = tpu.memref_slice %arg3[%add3A, %mul3A_129, %dma_wait3A_363] : memref<32x144x128xi32, #tpu.memory_space<hbm>> -> memref<1x16x128xi32, #tpu.memory_space<hbm>>
        %dma_wait3A_365 = tpu.memref_squeeze %dma_wait3A_364 : memref<1x16x128xi32, #tpu.memory_space<hbm>> -> memref<16x128xi32, #tpu.memory_space<hbm>>
        tpu.wait_dma2 semaphore(%run_scoped3A : memref<!tpu.dma_semaphore, #tpu.memory_space<semaphore_mem>>) src(%dma_wait3A_365 : memref<16x128xi32, #tpu.memory_space<hbm>>) dst(%arg7 : memref<16x128xi32, #tpu.memory_space<vmem>>)
        tpu.yield
      }) : () -> ()
      %dma_start3A_130 = arith.constant 0 : i32
      %dma_start3A_131 = arith.constant 0 : i32
      %dma_start3A_132 = tpu.memref_slice %arg7[%dma_start3A_130, %dma_start3A_131] : memref<16x128xi32, #tpu.memory_space<vmem>> -> memref<1x128xi32, #tpu.memory_space<vmem>>
      %dma_start3A_133 = tpu.memref_squeeze %dma_start3A_132 : memref<1x128xi32, #tpu.memory_space<vmem>> -> memref<128xi32, #tpu.memory_space<vmem>>
      %dma_start3A_134 = arith.constant 0 : i32
      %dma_start3A_135 = arith.constant 0 : i32
      %dma_start3A_136 = tpu.memref_slice %arg11[%dma_start3A_134, %dma_start3A_135] : memref<10112x128xf32, #tpu.memory_space<vmem_shared>> -> memref<10112x128xf32, #tpu.memory_space<vmem_shared>>
      tpu.enqueue_indirect_dma source(%arg9 : memref<128x128xf32, #tpu.memory_space<vmem>>) target(%dma_start3A_136 : memref<10112x128xf32, #tpu.memory_space<vmem_shared>>) offsets(%dma_start3A_133 : memref<128xi32, #tpu.memory_space<vmem>>) semaphore(%arg12 : memref<!tpu.dma_semaphore, #tpu.memory_space<semaphore_mem>>) {add = true}
      %dma_start3A_137 = arith.constant 1 : i32
      %dma_start3A_138 = arith.constant 0 : i32
      %dma_start3A_139 = tpu.memref_slice %arg7[%dma_start3A_137, %dma_start3A_138] : memref<16x128xi32, #tpu.memory_space<vmem>> -> memref<1x128xi32, #tpu.memory_space<vmem>>
      %dma_start3A_140 = tpu.memref_squeeze %dma_start3A_139 : memref<1x128xi32, #tpu.memory_space<vmem>> -> memref<128xi32, #tpu.memory_space<vmem>>
      %dma_start3A_141 = arith.constant 0 : i32
      %dma_start3A_142 = arith.constant 0 : i32
      %dma_start3A_143 = tpu.memref_slice %arg11[%dma_start3A_141, %dma_start3A_142] : memref<10112x128xf32, #tpu.memory_space<vmem_shared>> -> memref<10112x128xf32, #tpu.memory_space<vmem_shared>>
      tpu.enqueue_indirect_dma source(%arg9 : memref<128x128xf32, #tpu.memory_space<vmem>>) target(%dma_start3A_143 : memref<10112x128xf32, #tpu.memory_space<vmem_shared>>) offsets(%dma_start3A_140 : memref<128xi32, #tpu.memory_space<vmem>>) semaphore(%arg12 : memref<!tpu.dma_semaphore, #tpu.memory_space<semaphore_mem>>) {add = true}
      %dma_start3A_144 = arith.constant 2 : i32
      %dma_start3A_145 = arith.constant 0 : i32
      %dma_start3A_146 = tpu.memref_slice %arg7[%dma_start3A_144, %dma_start3A_145] : memref<16x128xi32, #tpu.memory_space<vmem>> -> memref<1x128xi32, #tpu.memory_space<vmem>>
      %dma_start3A_147 = tpu.memref_squeeze %dma_start3A_146 : memref<1x128xi32, #tpu.memory_space<vmem>> -> memref<128xi32, #tpu.memory_space<vmem>>
      %dma_start3A_148 = arith.constant 0 : i32
      %dma_start3A_149 = arith.constant 0 : i32
      %dma_start3A_150 = tpu.memref_slice %arg11[%dma_start3A_148, %dma_start3A_149] : memref<10112x128xf32, #tpu.memory_space<vmem_shared>> -> memref<10112x128xf32, #tpu.memory_space<vmem_shared>>
      tpu.enqueue_indirect_dma source(%arg9 : memref<128x128xf32, #tpu.memory_space<vmem>>) target(%dma_start3A_150 : memref<10112x128xf32, #tpu.memory_space<vmem_shared>>) offsets(%dma_start3A_147 : memref<128xi32, #tpu.memory_space<vmem>>) semaphore(%arg12 : memref<!tpu.dma_semaphore, #tpu.memory_space<semaphore_mem>>) {add = true}
      %dma_start3A_151 = arith.constant 3 : i32
      %dma_start3A_152 = arith.constant 0 : i32
      %dma_start3A_153 = tpu.memref_slice %arg7[%dma_start3A_151, %dma_start3A_152] : memref<16x128xi32, #tpu.memory_space<vmem>> -> memref<1x128xi32, #tpu.memory_space<vmem>>
      %dma_start3A_154 = tpu.memref_squeeze %dma_start3A_153 : memref<1x128xi32, #tpu.memory_space<vmem>> -> memref<128xi32, #tpu.memory_space<vmem>>
      %dma_start3A_155 = arith.constant 0 : i32
      %dma_start3A_156 = arith.constant 0 : i32
      %dma_start3A_157 = tpu.memref_slice %arg11[%dma_start3A_155, %dma_start3A_156] : memref<10112x128xf32, #tpu.memory_space<vmem_shared>> -> memref<10112x128xf32, #tpu.memory_space<vmem_shared>>
      tpu.enqueue_indirect_dma source(%arg9 : memref<128x128xf32, #tpu.memory_space<vmem>>) target(%dma_start3A_157 : memref<10112x128xf32, #tpu.memory_space<vmem_shared>>) offsets(%dma_start3A_154 : memref<128xi32, #tpu.memory_space<vmem>>) semaphore(%arg12 : memref<!tpu.dma_semaphore, #tpu.memory_space<semaphore_mem>>) {add = true}
      %dma_start3A_158 = arith.constant 4 : i32
      %dma_start3A_159 = arith.constant 0 : i32
      %dma_start3A_160 = tpu.memref_slice %arg7[%dma_start3A_158, %dma_start3A_159] : memref<16x128xi32, #tpu.memory_space<vmem>> -> memref<1x128xi32, #tpu.memory_space<vmem>>
      %dma_start3A_161 = tpu.memref_squeeze %dma_start3A_160 : memref<1x128xi32, #tpu.memory_space<vmem>> -> memref<128xi32, #tpu.memory_space<vmem>>
      %dma_start3A_162 = arith.constant 0 : i32
      %dma_start3A_163 = arith.constant 0 : i32
      %dma_start3A_164 = tpu.memref_slice %arg11[%dma_start3A_162, %dma_start3A_163] : memref<10112x128xf32, #tpu.memory_space<vmem_shared>> -> memref<10112x128xf32, #tpu.memory_space<vmem_shared>>
      tpu.enqueue_indirect_dma source(%arg9 : memref<128x128xf32, #tpu.memory_space<vmem>>) target(%dma_start3A_164 : memref<10112x128xf32, #tpu.memory_space<vmem_shared>>) offsets(%dma_start3A_161 : memref<128xi32, #tpu.memory_space<vmem>>) semaphore(%arg12 : memref<!tpu.dma_semaphore, #tpu.memory_space<semaphore_mem>>) {add = true}
      %dma_start3A_165 = arith.constant 5 : i32
      %dma_start3A_166 = arith.constant 0 : i32
      %dma_start3A_167 = tpu.memref_slice %arg7[%dma_start3A_165, %dma_start3A_166] : memref<16x128xi32, #tpu.memory_space<vmem>> -> memref<1x128xi32, #tpu.memory_space<vmem>>
      %dma_start3A_168 = tpu.memref_squeeze %dma_start3A_167 : memref<1x128xi32, #tpu.memory_space<vmem>> -> memref<128xi32, #tpu.memory_space<vmem>>
      %dma_start3A_169 = arith.constant 0 : i32
      %dma_start3A_170 = arith.constant 0 : i32
      %dma_start3A_171 = tpu.memref_slice %arg11[%dma_start3A_169, %dma_start3A_170] : memref<10112x128xf32, #tpu.memory_space<vmem_shared>> -> memref<10112x128xf32, #tpu.memory_space<vmem_shared>>
      tpu.enqueue_indirect_dma source(%arg9 : memref<128x128xf32, #tpu.memory_space<vmem>>) target(%dma_start3A_171 : memref<10112x128xf32, #tpu.memory_space<vmem_shared>>) offsets(%dma_start3A_168 : memref<128xi32, #tpu.memory_space<vmem>>) semaphore(%arg12 : memref<!tpu.dma_semaphore, #tpu.memory_space<semaphore_mem>>) {add = true}
      %dma_start3A_172 = arith.constant 6 : i32
      %dma_start3A_173 = arith.constant 0 : i32
      %dma_start3A_174 = tpu.memref_slice %arg7[%dma_start3A_172, %dma_start3A_173] : memref<16x128xi32, #tpu.memory_space<vmem>> -> memref<1x128xi32, #tpu.memory_space<vmem>>
      %dma_start3A_175 = tpu.memref_squeeze %dma_start3A_174 : memref<1x128xi32, #tpu.memory_space<vmem>> -> memref<128xi32, #tpu.memory_space<vmem>>
      %dma_start3A_176 = arith.constant 0 : i32
      %dma_start3A_177 = arith.constant 0 : i32
      %dma_start3A_178 = tpu.memref_slice %arg11[%dma_start3A_176, %dma_start3A_177] : memref<10112x128xf32, #tpu.memory_space<vmem_shared>> -> memref<10112x128xf32, #tpu.memory_space<vmem_shared>>
      tpu.enqueue_indirect_dma source(%arg9 : memref<128x128xf32, #tpu.memory_space<vmem>>) target(%dma_start3A_178 : memref<10112x128xf32, #tpu.memory_space<vmem_shared>>) offsets(%dma_start3A_175 : memref<128xi32, #tpu.memory_space<vmem>>) semaphore(%arg12 : memref<!tpu.dma_semaphore, #tpu.memory_space<semaphore_mem>>) {add = true}
      %dma_start3A_179 = arith.constant 7 : i32
      %dma_start3A_180 = arith.constant 0 : i32
      %dma_start3A_181 = tpu.memref_slice %arg7[%dma_start3A_179, %dma_start3A_180] : memref<16x128xi32, #tpu.memory_space<vmem>> -> memref<1x128xi32, #tpu.memory_space<vmem>>
      %dma_start3A_182 = tpu.memref_squeeze %dma_start3A_181 : memref<1x128xi32, #tpu.memory_space<vmem>> -> memref<128xi32, #tpu.memory_space<vmem>>
      %dma_start3A_183 = arith.constant 0 : i32
      %dma_start3A_184 = arith.constant 0 : i32
      %dma_start3A_185 = tpu.memref_slice %arg11[%dma_start3A_183, %dma_start3A_184] : memref<10112x128xf32, #tpu.memory_space<vmem_shared>> -> memref<10112x128xf32, #tpu.memory_space<vmem_shared>>
      tpu.enqueue_indirect_dma source(%arg9 : memref<128x128xf32, #tpu.memory_space<vmem>>) target(%dma_start3A_185 : memref<10112x128xf32, #tpu.memory_space<vmem_shared>>) offsets(%dma_start3A_182 : memref<128xi32, #tpu.memory_space<vmem>>) semaphore(%arg12 : memref<!tpu.dma_semaphore, #tpu.memory_space<semaphore_mem>>) {add = true}
      %dma_start3A_186 = arith.constant 8 : i32
      %dma_start3A_187 = arith.constant 0 : i32
      %dma_start3A_188 = tpu.memref_slice %arg7[%dma_start3A_186, %dma_start3A_187] : memref<16x128xi32, #tpu.memory_space<vmem>> -> memref<1x128xi32, #tpu.memory_space<vmem>>
      %dma_start3A_189 = tpu.memref_squeeze %dma_start3A_188 : memref<1x128xi32, #tpu.memory_space<vmem>> -> memref<128xi32, #tpu.memory_space<vmem>>
      %dma_start3A_190 = arith.constant 0 : i32
      %dma_start3A_191 = arith.constant 0 : i32
      %dma_start3A_192 = tpu.memref_slice %arg11[%dma_start3A_190, %dma_start3A_191] : memref<10112x128xf32, #tpu.memory_space<vmem_shared>> -> memref<10112x128xf32, #tpu.memory_space<vmem_shared>>
      tpu.enqueue_indirect_dma source(%arg9 : memref<128x128xf32, #tpu.memory_space<vmem>>) target(%dma_start3A_192 : memref<10112x128xf32, #tpu.memory_space<vmem_shared>>) offsets(%dma_start3A_189 : memref<128xi32, #tpu.memory_space<vmem>>) semaphore(%arg12 : memref<!tpu.dma_semaphore, #tpu.memory_space<semaphore_mem>>) {add = true}
      %dma_start3A_193 = arith.constant 9 : i32
      %dma_start3A_194 = arith.constant 0 : i32
      %dma_start3A_195 = tpu.memref_slice %arg7[%dma_start3A_193, %dma_start3A_194] : memref<16x128xi32, #tpu.memory_space<vmem>> -> memref<1x128xi32, #tpu.memory_space<vmem>>
      %dma_start3A_196 = tpu.memref_squeeze %dma_start3A_195 : memref<1x128xi32, #tpu.memory_space<vmem>> -> memref<128xi32, #tpu.memory_space<vmem>>
      %dma_start3A_197 = arith.constant 0 : i32
      %dma_start3A_198 = arith.constant 0 : i32
      %dma_start3A_199 = tpu.memref_slice %arg11[%dma_start3A_197, %dma_start3A_198] : memref<10112x128xf32, #tpu.memory_space<vmem_shared>> -> memref<10112x128xf32, #tpu.memory_space<vmem_shared>>
      tpu.enqueue_indirect_dma source(%arg9 : memref<128x128xf32, #tpu.memory_space<vmem>>) target(%dma_start3A_199 : memref<10112x128xf32, #tpu.memory_space<vmem_shared>>) offsets(%dma_start3A_196 : memref<128xi32, #tpu.memory_space<vmem>>) semaphore(%arg12 : memref<!tpu.dma_semaphore, #tpu.memory_space<semaphore_mem>>) {add = true}
      %dma_start3A_200 = arith.constant 10 : i32
      %dma_start3A_201 = arith.constant 0 : i32
      %dma_start3A_202 = tpu.memref_slice %arg7[%dma_start3A_200, %dma_start3A_201] : memref<16x128xi32, #tpu.memory_space<vmem>> -> memref<1x128xi32, #tpu.memory_space<vmem>>
      %dma_start3A_203 = tpu.memref_squeeze %dma_start3A_202 : memref<1x128xi32, #tpu.memory_space<vmem>> -> memref<128xi32, #tpu.memory_space<vmem>>
      %dma_start3A_204 = arith.constant 0 : i32
      %dma_start3A_205 = arith.constant 0 : i32
      %dma_start3A_206 = tpu.memref_slice %arg11[%dma_start3A_204, %dma_start3A_205] : memref<10112x128xf32, #tpu.memory_space<vmem_shared>> -> memref<10112x128xf32, #tpu.memory_space<vmem_shared>>
      tpu.enqueue_indirect_dma source(%arg9 : memref<128x128xf32, #tpu.memory_space<vmem>>) target(%dma_start3A_206 : memref<10112x128xf32, #tpu.memory_space<vmem_shared>>) offsets(%dma_start3A_203 : memref<128xi32, #tpu.memory_space<vmem>>) semaphore(%arg12 : memref<!tpu.dma_semaphore, #tpu.memory_space<semaphore_mem>>) {add = true}
      %dma_start3A_207 = arith.constant 11 : i32
      %dma_start3A_208 = arith.constant 0 : i32
      %dma_start3A_209 = tpu.memref_slice %arg7[%dma_start3A_207, %dma_start3A_208] : memref<16x128xi32, #tpu.memory_space<vmem>> -> memref<1x128xi32, #tpu.memory_space<vmem>>
      %dma_start3A_210 = tpu.memref_squeeze %dma_start3A_209 : memref<1x128xi32, #tpu.memory_space<vmem>> -> memref<128xi32, #tpu.memory_space<vmem>>
      %dma_start3A_211 = arith.constant 0 : i32
      %dma_start3A_212 = arith.constant 0 : i32
      %dma_start3A_213 = tpu.memref_slice %arg11[%dma_start3A_211, %dma_start3A_212] : memref<10112x128xf32, #tpu.memory_space<vmem_shared>> -> memref<10112x128xf32, #tpu.memory_space<vmem_shared>>
      tpu.enqueue_indirect_dma source(%arg9 : memref<128x128xf32, #tpu.memory_space<vmem>>) target(%dma_start3A_213 : memref<10112x128xf32, #tpu.memory_space<vmem_shared>>) offsets(%dma_start3A_210 : memref<128xi32, #tpu.memory_space<vmem>>) semaphore(%arg12 : memref<!tpu.dma_semaphore, #tpu.memory_space<semaphore_mem>>) {add = true}
      %dma_start3A_214 = arith.constant 12 : i32
      %dma_start3A_215 = arith.constant 0 : i32
      %dma_start3A_216 = tpu.memref_slice %arg7[%dma_start3A_214, %dma_start3A_215] : memref<16x128xi32, #tpu.memory_space<vmem>> -> memref<1x128xi32, #tpu.memory_space<vmem>>
      %dma_start3A_217 = tpu.memref_squeeze %dma_start3A_216 : memref<1x128xi32, #tpu.memory_space<vmem>> -> memref<128xi32, #tpu.memory_space<vmem>>
      %dma_start3A_218 = arith.constant 0 : i32
      %dma_start3A_219 = arith.constant 0 : i32
      %dma_start3A_220 = tpu.memref_slice %arg11[%dma_start3A_218, %dma_start3A_219] : memref<10112x128xf32, #tpu.memory_space<vmem_shared>> -> memref<10112x128xf32, #tpu.memory_space<vmem_shared>>
      tpu.enqueue_indirect_dma source(%arg9 : memref<128x128xf32, #tpu.memory_space<vmem>>) target(%dma_start3A_220 : memref<10112x128xf32, #tpu.memory_space<vmem_shared>>) offsets(%dma_start3A_217 : memref<128xi32, #tpu.memory_space<vmem>>) semaphore(%arg12 : memref<!tpu.dma_semaphore, #tpu.memory_space<semaphore_mem>>) {add = true}
      %dma_start3A_221 = arith.constant 13 : i32
      %dma_start3A_222 = arith.constant 0 : i32
      %dma_start3A_223 = tpu.memref_slice %arg7[%dma_start3A_221, %dma_start3A_222] : memref<16x128xi32, #tpu.memory_space<vmem>> -> memref<1x128xi32, #tpu.memory_space<vmem>>
      %dma_start3A_224 = tpu.memref_squeeze %dma_start3A_223 : memref<1x128xi32, #tpu.memory_space<vmem>> -> memref<128xi32, #tpu.memory_space<vmem>>
      %dma_start3A_225 = arith.constant 0 : i32
      %dma_start3A_226 = arith.constant 0 : i32
      %dma_start3A_227 = tpu.memref_slice %arg11[%dma_start3A_225, %dma_start3A_226] : memref<10112x128xf32, #tpu.memory_space<vmem_shared>> -> memref<10112x128xf32, #tpu.memory_space<vmem_shared>>
      tpu.enqueue_indirect_dma source(%arg9 : memref<128x128xf32, #tpu.memory_space<vmem>>) target(%dma_start3A_227 : memref<10112x128xf32, #tpu.memory_space<vmem_shared>>) offsets(%dma_start3A_224 : memref<128xi32, #tpu.memory_space<vmem>>) semaphore(%arg12 : memref<!tpu.dma_semaphore, #tpu.memory_space<semaphore_mem>>) {add = true}
      %dma_start3A_228 = arith.constant 14 : i32
      %dma_start3A_229 = arith.constant 0 : i32
      %dma_start3A_230 = tpu.memref_slice %arg7[%dma_start3A_228, %dma_start3A_229] : memref<16x128xi32, #tpu.memory_space<vmem>> -> memref<1x128xi32, #tpu.memory_space<vmem>>
      %dma_start3A_231 = tpu.memref_squeeze %dma_start3A_230 : memref<1x128xi32, #tpu.memory_space<vmem>> -> memref<128xi32, #tpu.memory_space<vmem>>
      %dma_start3A_232 = arith.constant 0 : i32
      %dma_start3A_233 = arith.constant 0 : i32
      %dma_start3A_234 = tpu.memref_slice %arg11[%dma_start3A_232, %dma_start3A_233] : memref<10112x128xf32, #tpu.memory_space<vmem_shared>> -> memref<10112x128xf32, #tpu.memory_space<vmem_shared>>
      tpu.enqueue_indirect_dma source(%arg9 : memref<128x128xf32, #tpu.memory_space<vmem>>) target(%dma_start3A_234 : memref<10112x128xf32, #tpu.memory_space<vmem_shared>>) offsets(%dma_start3A_231 : memref<128xi32, #tpu.memory_space<vmem>>) semaphore(%arg12 : memref<!tpu.dma_semaphore, #tpu.memory_space<semaphore_mem>>) {add = true}
      %dma_start3A_235 = arith.constant 15 : i32
      %dma_start3A_236 = arith.constant 0 : i32
      %dma_start3A_237 = tpu.memref_slice %arg7[%dma_start3A_235, %dma_start3A_236] : memref<16x128xi32, #tpu.memory_space<vmem>> -> memref<1x128xi32, #tpu.memory_space<vmem>>
      %dma_start3A_238 = tpu.memref_squeeze %dma_start3A_237 : memref<1x128xi32, #tpu.memory_space<vmem>> -> memref<128xi32, #tpu.memory_space<vmem>>
      %dma_start3A_239 = arith.constant 0 : i32
      %dma_start3A_240 = arith.constant 0 : i32
      %dma_start3A_241 = tpu.memref_slice %arg11[%dma_start3A_239, %dma_start3A_240] : memref<10112x128xf32, #tpu.memory_space<vmem_shared>> -> memref<10112x128xf32, #tpu.memory_space<vmem_shared>>
      tpu.enqueue_indirect_dma source(%arg9 : memref<128x128xf32, #tpu.memory_space<vmem>>) target(%dma_start3A_241 : memref<10112x128xf32, #tpu.memory_space<vmem_shared>>) offsets(%dma_start3A_238 : memref<128xi32, #tpu.memory_space<vmem>>) semaphore(%arg12 : memref<!tpu.dma_semaphore, #tpu.memory_space<semaphore_mem>>) {add = true}
      %dma_wait3A = arith.constant 0 : i32
      %dma_wait3A_242 = arith.constant 0 : i32
      %dma_wait3A_243 = tpu.memref_slice %arg7[%dma_wait3A, %dma_wait3A_242] : memref<16x128xi32, #tpu.memory_space<vmem>> -> memref<1x128xi32, #tpu.memory_space<vmem>>
      %dma_wait3A_244 = tpu.memref_squeeze %dma_wait3A_243 : memref<1x128xi32, #tpu.memory_space<vmem>> -> memref<128xi32, #tpu.memory_space<vmem>>
      %dma_wait3A_245 = arith.constant 0 : i32
      %dma_wait3A_246 = arith.constant 0 : i32
      %dma_wait3A_247 = tpu.memref_slice %arg11[%dma_wait3A_245, %dma_wait3A_246] : memref<10112x128xf32, #tpu.memory_space<vmem_shared>> -> memref<10112x128xf32, #tpu.memory_space<vmem_shared>>
      tpu.wait_indirect_dma semaphore(%arg12 : memref<!tpu.dma_semaphore, #tpu.memory_space<semaphore_mem>>) src(%arg9 : memref<128x128xf32, #tpu.memory_space<vmem>>) dst(%dma_wait3A_247 : memref<10112x128xf32, #tpu.memory_space<vmem_shared>>)
      %dma_wait3A_248 = arith.constant 1 : i32
      %dma_wait3A_249 = arith.constant 0 : i32
      %dma_wait3A_250 = tpu.memref_slice %arg7[%dma_wait3A_248, %dma_wait3A_249] : memref<16x128xi32, #tpu.memory_space<vmem>> -> memref<1x128xi32, #tpu.memory_space<vmem>>
      %dma_wait3A_251 = tpu.memref_squeeze %dma_wait3A_250 : memref<1x128xi32, #tpu.memory_space<vmem>> -> memref<128xi32, #tpu.memory_space<vmem>>
      %dma_wait3A_252 = arith.constant 0 : i32
      %dma_wait3A_253 = arith.constant 0 : i32
      %dma_wait3A_254 = tpu.memref_slice %arg11[%dma_wait3A_252, %dma_wait3A_253] : memref<10112x128xf32, #tpu.memory_space<vmem_shared>> -> memref<10112x128xf32, #tpu.memory_space<vmem_shared>>
      tpu.wait_indirect_dma semaphore(%arg12 : memref<!tpu.dma_semaphore, #tpu.memory_space<semaphore_mem>>) src(%arg9 : memref<128x128xf32, #tpu.memory_space<vmem>>) dst(%dma_wait3A_254 : memref<10112x128xf32, #tpu.memory_space<vmem_shared>>)
      %dma_wait3A_255 = arith.constant 2 : i32
      %dma_wait3A_256 = arith.constant 0 : i32
      %dma_wait3A_257 = tpu.memref_slice %arg7[%dma_wait3A_255, %dma_wait3A_256] : memref<16x128xi32, #tpu.memory_space<vmem>> -> memref<1x128xi32, #tpu.memory_space<vmem>>
      %dma_wait3A_258 = tpu.memref_squeeze %dma_wait3A_257 : memref<1x128xi32, #tpu.memory_space<vmem>> -> memref<128xi32, #tpu.memory_space<vmem>>
      %dma_wait3A_259 = arith.constant 0 : i32
      %dma_wait3A_260 = arith.constant 0 : i32
      %dma_wait3A_261 = tpu.memref_slice %arg11[%dma_wait3A_259, %dma_wait3A_260] : memref<10112x128xf32, #tpu.memory_space<vmem_shared>> -> memref<10112x128xf32, #tpu.memory_space<vmem_shared>>
      tpu.wait_indirect_dma semaphore(%arg12 : memref<!tpu.dma_semaphore, #tpu.memory_space<semaphore_mem>>) src(%arg9 : memref<128x128xf32, #tpu.memory_space<vmem>>) dst(%dma_wait3A_261 : memref<10112x128xf32, #tpu.memory_space<vmem_shared>>)
      %dma_wait3A_262 = arith.constant 3 : i32
      %dma_wait3A_263 = arith.constant 0 : i32
      %dma_wait3A_264 = tpu.memref_slice %arg7[%dma_wait3A_262, %dma_wait3A_263] : memref<16x128xi32, #tpu.memory_space<vmem>> -> memref<1x128xi32, #tpu.memory_space<vmem>>
      %dma_wait3A_265 = tpu.memref_squeeze %dma_wait3A_264 : memref<1x128xi32, #tpu.memory_space<vmem>> -> memref<128xi32, #tpu.memory_space<vmem>>
      %dma_wait3A_266 = arith.constant 0 : i32
      %dma_wait3A_267 = arith.constant 0 : i32
      %dma_wait3A_268 = tpu.memref_slice %arg11[%dma_wait3A_266, %dma_wait3A_267] : memref<10112x128xf32, #tpu.memory_space<vmem_shared>> -> memref<10112x128xf32, #tpu.memory_space<vmem_shared>>
      tpu.wait_indirect_dma semaphore(%arg12 : memref<!tpu.dma_semaphore, #tpu.memory_space<semaphore_mem>>) src(%arg9 : memref<128x128xf32, #tpu.memory_space<vmem>>) dst(%dma_wait3A_268 : memref<10112x128xf32, #tpu.memory_space<vmem_shared>>)
      %dma_wait3A_269 = arith.constant 4 : i32
      %dma_wait3A_270 = arith.constant 0 : i32
      %dma_wait3A_271 = tpu.memref_slice %arg7[%dma_wait3A_269, %dma_wait3A_270] : memref<16x128xi32, #tpu.memory_space<vmem>> -> memref<1x128xi32, #tpu.memory_space<vmem>>
      %dma_wait3A_272 = tpu.memref_squeeze %dma_wait3A_271 : memref<1x128xi32, #tpu.memory_space<vmem>> -> memref<128xi32, #tpu.memory_space<vmem>>
      %dma_wait3A_273 = arith.constant 0 : i32
      %dma_wait3A_274 = arith.constant 0 : i32
      %dma_wait3A_275 = tpu.memref_slice %arg11[%dma_wait3A_273, %dma_wait3A_274] : memref<10112x128xf32, #tpu.memory_space<vmem_shared>> -> memref<10112x128xf32, #tpu.memory_space<vmem_shared>>
      tpu.wait_indirect_dma semaphore(%arg12 : memref<!tpu.dma_semaphore, #tpu.memory_space<semaphore_mem>>) src(%arg9 : memref<128x128xf32, #tpu.memory_space<vmem>>) dst(%dma_wait3A_275 : memref<10112x128xf32, #tpu.memory_space<vmem_shared>>)
      %dma_wait3A_276 = arith.constant 5 : i32
      %dma_wait3A_277 = arith.constant 0 : i32
      %dma_wait3A_278 = tpu.memref_slice %arg7[%dma_wait3A_276, %dma_wait3A_277] : memref<16x128xi32, #tpu.memory_space<vmem>> -> memref<1x128xi32, #tpu.memory_space<vmem>>
      %dma_wait3A_279 = tpu.memref_squeeze %dma_wait3A_278 : memref<1x128xi32, #tpu.memory_space<vmem>> -> memref<128xi32, #tpu.memory_space<vmem>>
      %dma_wait3A_280 = arith.constant 0 : i32
      %dma_wait3A_281 = arith.constant 0 : i32
      %dma_wait3A_282 = tpu.memref_slice %arg11[%dma_wait3A_280, %dma_wait3A_281] : memref<10112x128xf32, #tpu.memory_space<vmem_shared>> -> memref<10112x128xf32, #tpu.memory_space<vmem_shared>>
      tpu.wait_indirect_dma semaphore(%arg12 : memref<!tpu.dma_semaphore, #tpu.memory_space<semaphore_mem>>) src(%arg9 : memref<128x128xf32, #tpu.memory_space<vmem>>) dst(%dma_wait3A_282 : memref<10112x128xf32, #tpu.memory_space<vmem_shared>>)
      %dma_wait3A_283 = arith.constant 6 : i32
      %dma_wait3A_284 = arith.constant 0 : i32
      %dma_wait3A_285 = tpu.memref_slice %arg7[%dma_wait3A_283, %dma_wait3A_284] : memref<16x128xi32, #tpu.memory_space<vmem>> -> memref<1x128xi32, #tpu.memory_space<vmem>>
      %dma_wait3A_286 = tpu.memref_squeeze %dma_wait3A_285 : memref<1x128xi32, #tpu.memory_space<vmem>> -> memref<128xi32, #tpu.memory_space<vmem>>
      %dma_wait3A_287 = arith.constant 0 : i32
      %dma_wait3A_288 = arith.constant 0 : i32
      %dma_wait3A_289 = tpu.memref_slice %arg11[%dma_wait3A_287, %dma_wait3A_288] : memref<10112x128xf32, #tpu.memory_space<vmem_shared>> -> memref<10112x128xf32, #tpu.memory_space<vmem_shared>>
      tpu.wait_indirect_dma semaphore(%arg12 : memref<!tpu.dma_semaphore, #tpu.memory_space<semaphore_mem>>) src(%arg9 : memref<128x128xf32, #tpu.memory_space<vmem>>) dst(%dma_wait3A_289 : memref<10112x128xf32, #tpu.memory_space<vmem_shared>>)
      %dma_wait3A_290 = arith.constant 7 : i32
      %dma_wait3A_291 = arith.constant 0 : i32
      %dma_wait3A_292 = tpu.memref_slice %arg7[%dma_wait3A_290, %dma_wait3A_291] : memref<16x128xi32, #tpu.memory_space<vmem>> -> memref<1x128xi32, #tpu.memory_space<vmem>>
      %dma_wait3A_293 = tpu.memref_squeeze %dma_wait3A_292 : memref<1x128xi32, #tpu.memory_space<vmem>> -> memref<128xi32, #tpu.memory_space<vmem>>
      %dma_wait3A_294 = arith.constant 0 : i32
      %dma_wait3A_295 = arith.constant 0 : i32
      %dma_wait3A_296 = tpu.memref_slice %arg11[%dma_wait3A_294, %dma_wait3A_295] : memref<10112x128xf32, #tpu.memory_space<vmem_shared>> -> memref<10112x128xf32, #tpu.memory_space<vmem_shared>>
      tpu.wait_indirect_dma semaphore(%arg12 : memref<!tpu.dma_semaphore, #tpu.memory_space<semaphore_mem>>) src(%arg9 : memref<128x128xf32, #tpu.memory_space<vmem>>) dst(%dma_wait3A_296 : memref<10112x128xf32, #tpu.memory_space<vmem_shared>>)
      %dma_wait3A_297 = arith.constant 8 : i32
      %dma_wait3A_298 = arith.constant 0 : i32
      %dma_wait3A_299 = tpu.memref_slice %arg7[%dma_wait3A_297, %dma_wait3A_298] : memref<16x128xi32, #tpu.memory_space<vmem>> -> memref<1x128xi32, #tpu.memory_space<vmem>>
      %dma_wait3A_300 = tpu.memref_squeeze %dma_wait3A_299 : memref<1x128xi32, #tpu.memory_space<vmem>> -> memref<128xi32, #tpu.memory_space<vmem>>
      %dma_wait3A_301 = arith.constant 0 : i32
      %dma_wait3A_302 = arith.constant 0 : i32
      %dma_wait3A_303 = tpu.memref_slice %arg11[%dma_wait3A_301, %dma_wait3A_302] : memref<10112x128xf32, #tpu.memory_space<vmem_shared>> -> memref<10112x128xf32, #tpu.memory_space<vmem_shared>>
      tpu.wait_indirect_dma semaphore(%arg12 : memref<!tpu.dma_semaphore, #tpu.memory_space<semaphore_mem>>) src(%arg9 : memref<128x128xf32, #tpu.memory_space<vmem>>) dst(%dma_wait3A_303 : memref<10112x128xf32, #tpu.memory_space<vmem_shared>>)
      %dma_wait3A_304 = arith.constant 9 : i32
      %dma_wait3A_305 = arith.constant 0 : i32
      %dma_wait3A_306 = tpu.memref_slice %arg7[%dma_wait3A_304, %dma_wait3A_305] : memref<16x128xi32, #tpu.memory_space<vmem>> -> memref<1x128xi32, #tpu.memory_space<vmem>>
      %dma_wait3A_307 = tpu.memref_squeeze %dma_wait3A_306 : memref<1x128xi32, #tpu.memory_space<vmem>> -> memref<128xi32, #tpu.memory_space<vmem>>
      %dma_wait3A_308 = arith.constant 0 : i32
      %dma_wait3A_309 = arith.constant 0 : i32
      %dma_wait3A_310 = tpu.memref_slice %arg11[%dma_wait3A_308, %dma_wait3A_309] : memref<10112x128xf32, #tpu.memory_space<vmem_shared>> -> memref<10112x128xf32, #tpu.memory_space<vmem_shared>>
      tpu.wait_indirect_dma semaphore(%arg12 : memref<!tpu.dma_semaphore, #tpu.memory_space<semaphore_mem>>) src(%arg9 : memref<128x128xf32, #tpu.memory_space<vmem>>) dst(%dma_wait3A_310 : memref<10112x128xf32, #tpu.memory_space<vmem_shared>>)
      %dma_wait3A_311 = arith.constant 10 : i32
      %dma_wait3A_312 = arith.constant 0 : i32
      %dma_wait3A_313 = tpu.memref_slice %arg7[%dma_wait3A_311, %dma_wait3A_312] : memref<16x128xi32, #tpu.memory_space<vmem>> -> memref<1x128xi32, #tpu.memory_space<vmem>>
      %dma_wait3A_314 = tpu.memref_squeeze %dma_wait3A_313 : memref<1x128xi32, #tpu.memory_space<vmem>> -> memref<128xi32, #tpu.memory_space<vmem>>
      %dma_wait3A_315 = arith.constant 0 : i32
      %dma_wait3A_316 = arith.constant 0 : i32
      %dma_wait3A_317 = tpu.memref_slice %arg11[%dma_wait3A_315, %dma_wait3A_316] : memref<10112x128xf32, #tpu.memory_space<vmem_shared>> -> memref<10112x128xf32, #tpu.memory_space<vmem_shared>>
      tpu.wait_indirect_dma semaphore(%arg12 : memref<!tpu.dma_semaphore, #tpu.memory_space<semaphore_mem>>) src(%arg9 : memref<128x128xf32, #tpu.memory_space<vmem>>) dst(%dma_wait3A_317 : memref<10112x128xf32, #tpu.memory_space<vmem_shared>>)
      %dma_wait3A_318 = arith.constant 11 : i32
      %dma_wait3A_319 = arith.constant 0 : i32
      %dma_wait3A_320 = tpu.memref_slice %arg7[%dma_wait3A_318, %dma_wait3A_319] : memref<16x128xi32, #tpu.memory_space<vmem>> -> memref<1x128xi32, #tpu.memory_space<vmem>>
      %dma_wait3A_321 = tpu.memref_squeeze %dma_wait3A_320 : memref<1x128xi32, #tpu.memory_space<vmem>> -> memref<128xi32, #tpu.memory_space<vmem>>
      %dma_wait3A_322 = arith.constant 0 : i32
      %dma_wait3A_323 = arith.constant 0 : i32
      %dma_wait3A_324 = tpu.memref_slice %arg11[%dma_wait3A_322, %dma_wait3A_323] : memref<10112x128xf32, #tpu.memory_space<vmem_shared>> -> memref<10112x128xf32, #tpu.memory_space<vmem_shared>>
      tpu.wait_indirect_dma semaphore(%arg12 : memref<!tpu.dma_semaphore, #tpu.memory_space<semaphore_mem>>) src(%arg9 : memref<128x128xf32, #tpu.memory_space<vmem>>) dst(%dma_wait3A_324 : memref<10112x128xf32, #tpu.memory_space<vmem_shared>>)
      %dma_wait3A_325 = arith.constant 12 : i32
      %dma_wait3A_326 = arith.constant 0 : i32
      %dma_wait3A_327 = tpu.memref_slice %arg7[%dma_wait3A_325, %dma_wait3A_326] : memref<16x128xi32, #tpu.memory_space<vmem>> -> memref<1x128xi32, #tpu.memory_space<vmem>>
      %dma_wait3A_328 = tpu.memref_squeeze %dma_wait3A_327 : memref<1x128xi32, #tpu.memory_space<vmem>> -> memref<128xi32, #tpu.memory_space<vmem>>
      %dma_wait3A_329 = arith.constant 0 : i32
      %dma_wait3A_330 = arith.constant 0 : i32
      %dma_wait3A_331 = tpu.memref_slice %arg11[%dma_wait3A_329, %dma_wait3A_330] : memref<10112x128xf32, #tpu.memory_space<vmem_shared>> -> memref<10112x128xf32, #tpu.memory_space<vmem_shared>>
      tpu.wait_indirect_dma semaphore(%arg12 : memref<!tpu.dma_semaphore, #tpu.memory_space<semaphore_mem>>) src(%arg9 : memref<128x128xf32, #tpu.memory_space<vmem>>) dst(%dma_wait3A_331 : memref<10112x128xf32, #tpu.memory_space<vmem_shared>>)
      %dma_wait3A_332 = arith.constant 13 : i32
      %dma_wait3A_333 = arith.constant 0 : i32
      %dma_wait3A_334 = tpu.memref_slice %arg7[%dma_wait3A_332, %dma_wait3A_333] : memref<16x128xi32, #tpu.memory_space<vmem>> -> memref<1x128xi32, #tpu.memory_space<vmem>>
      %dma_wait3A_335 = tpu.memref_squeeze %dma_wait3A_334 : memref<1x128xi32, #tpu.memory_space<vmem>> -> memref<128xi32, #tpu.memory_space<vmem>>
      %dma_wait3A_336 = arith.constant 0 : i32
      %dma_wait3A_337 = arith.constant 0 : i32
      %dma_wait3A_338 = tpu.memref_slice %arg11[%dma_wait3A_336, %dma_wait3A_337] : memref<10112x128xf32, #tpu.memory_space<vmem_shared>> -> memref<10112x128xf32, #tpu.memory_space<vmem_shared>>
      tpu.wait_indirect_dma semaphore(%arg12 : memref<!tpu.dma_semaphore, #tpu.memory_space<semaphore_mem>>) src(%arg9 : memref<128x128xf32, #tpu.memory_space<vmem>>) dst(%dma_wait3A_338 : memref<10112x128xf32, #tpu.memory_space<vmem_shared>>)
      %dma_wait3A_339 = arith.constant 14 : i32
      %dma_wait3A_340 = arith.constant 0 : i32
      %dma_wait3A_341 = tpu.memref_slice %arg7[%dma_wait3A_339, %dma_wait3A_340] : memref<16x128xi32, #tpu.memory_space<vmem>> -> memref<1x128xi32, #tpu.memory_space<vmem>>
      %dma_wait3A_342 = tpu.memref_squeeze %dma_wait3A_341 : memref<1x128xi32, #tpu.memory_space<vmem>> -> memref<128xi32, #tpu.memory_space<vmem>>
      %dma_wait3A_343 = arith.constant 0 : i32
      %dma_wait3A_344 = arith.constant 0 : i32
      %dma_wait3A_345 = tpu.memref_slice %arg11[%dma_wait3A_343, %dma_wait3A_344] : memref<10112x128xf32, #tpu.memory_space<vmem_shared>> -> memref<10112x128xf32, #tpu.memory_space<vmem_shared>>
      tpu.wait_indirect_dma semaphore(%arg12 : memref<!tpu.dma_semaphore, #tpu.memory_space<semaphore_mem>>) src(%arg9 : memref<128x128xf32, #tpu.memory_space<vmem>>) dst(%dma_wait3A_345 : memref<10112x128xf32, #tpu.memory_space<vmem_shared>>)
      %dma_wait3A_346 = arith.constant 15 : i32
      %dma_wait3A_347 = arith.constant 0 : i32
      %dma_wait3A_348 = tpu.memref_slice %arg7[%dma_wait3A_346, %dma_wait3A_347] : memref<16x128xi32, #tpu.memory_space<vmem>> -> memref<1x128xi32, #tpu.memory_space<vmem>>
      %dma_wait3A_349 = tpu.memref_squeeze %dma_wait3A_348 : memref<1x128xi32, #tpu.memory_space<vmem>> -> memref<128xi32, #tpu.memory_space<vmem>>
      %dma_wait3A_350 = arith.constant 0 : i32
      %dma_wait3A_351 = arith.constant 0 : i32
      %dma_wait3A_352 = tpu.memref_slice %arg11[%dma_wait3A_350, %dma_wait3A_351] : memref<10112x128xf32, #tpu.memory_space<vmem_shared>> -> memref<10112x128xf32, #tpu.memory_space<vmem_shared>>
      tpu.wait_indirect_dma semaphore(%arg12 : memref<!tpu.dma_semaphore, #tpu.memory_space<semaphore_mem>>) src(%arg9 : memref<128x128xf32, #tpu.memory_space<vmem>>) dst(%dma_wait3A_352 : memref<10112x128xf32, #tpu.memory_space<vmem_shared>>)
      %while3A_353 = arith.constant 0 : i32
      scf.yield %while3A_353 : i32
    }
    %while3A_123 = arith.constant 1 : i32
    %while3A_124 = scf.for %while3A_126 = %while3A_120 to %while3A_116 step %while3A_123 iter_args(%while3A_127 = %while3A_122) -> (i32)  : i32 {
      %mul3A_128 = arith.constant 16 : i32
      %mul3A_129 = arith.muli %while3A_126, %mul3A_128 : i32
      "tpu.region"() ({
        %run_scoped3A = tpu.sem_alloc : memref<!tpu.dma_semaphore, #tpu.memory_space<semaphore_mem>>
        %dma_start3A_354 = arith.constant 0 : i32
        %dma_start3A_355 = tpu.memref_slice %arg3[%add3A, %mul3A_129, %dma_start3A_354] : memref<32x144x128xi32, #tpu.memory_space<hbm>> -> memref<1x16x128xi32, #tpu.memory_space<hbm>>
        %dma_start3A_356 = tpu.memref_squeeze %dma_start3A_355 : memref<1x16x128xi32, #tpu.memory_space<hbm>> -> memref<16x128xi32, #tpu.memory_space<hbm>>
        %dma_start3A_357 = arith.constant 0 : i32
        %dma_start3A_358 = tpu.memref_slice %arg3[%add3A, %mul3A_129, %dma_start3A_357] : memref<32x144x128xi32, #tpu.memory_space<hbm>> -> memref<1x16x128xi32, #tpu.memory_space<hbm>>
        %dma_start3A_359 = tpu.memref_squeeze %dma_start3A_358 : memref<1x16x128xi32, #tpu.memory_space<hbm>> -> memref<16x128xi32, #tpu.memory_space<hbm>>
        tpu.enqueue_dma source(%dma_start3A_359 : memref<16x128xi32, #tpu.memory_space<hbm>>) target(%arg7 : memref<16x128xi32, #tpu.memory_space<vmem>>) target_semaphore(%run_scoped3A : memref<!tpu.dma_semaphore, #tpu.memory_space<semaphore_mem>>)
        %dma_wait3A_360 = arith.constant 0 : i32
        %dma_wait3A_361 = tpu.memref_slice %arg3[%add3A, %mul3A_129, %dma_wait3A_360] : memref<32x144x128xi32, #tpu.memory_space<hbm>> -> memref<1x16x128xi32, #tpu.memory_space<hbm>>
        %dma_wait3A_362 = tpu.memref_squeeze %dma_wait3A_361 : memref<1x16x128xi32, #tpu.memory_space<hbm>> -> memref<16x128xi32, #tpu.memory_space<hbm>>
        %dma_wait3A_363 = arith.constant 0 : i32
        %dma_wait3A_364 = tpu.memref_slice %arg3[%add3A, %mul3A_129, %dma_wait3A_363] : memref<32x144x128xi32, #tpu.memory_space<hbm>> -> memref<1x16x128xi32, #tpu.memory_space<hbm>>
        %dma_wait3A_365 = tpu.memref_squeeze %dma_wait3A_364 : memref<1x16x128xi32, #tpu.memory_space<hbm>> -> memref<16x128xi32, #tpu.memory_space<hbm>>
        tpu.wait_dma2 semaphore(%run_scoped3A : memref<!tpu.dma_semaphore, #tpu.memory_space<semaphore_mem>>) src(%dma_wait3A_365 : memref<16x128xi32, #tpu.memory_space<hbm>>) dst(%arg7 : memref<16x128xi32, #tpu.memory_space<vmem>>)
        tpu.yield
      }) : () -> ()
      %dma_start3A_130 = arith.constant 0 : i32
      %dma_start3A_131 = arith.constant 0 : i32
      %dma_start3A_132 = tpu.memref_slice %arg7[%dma_start3A_130, %dma_start3A_131] : memref<16x128xi32, #tpu.memory_space<vmem>> -> memref<1x128xi32, #tpu.memory_space<vmem>>
      %dma_start3A_133 = tpu.memref_squeeze %dma_start3A_132 : memref<1x128xi32, #tpu.memory_space<vmem>> -> memref<128xi32, #tpu.memory_space<vmem>>
      %dma_start3A_134 = arith.constant 0 : i32
      %dma_start3A_135 = arith.constant 0 : i32
      %dma_start3A_136 = tpu.memref_slice %arg11[%dma_start3A_134, %dma_start3A_135] : memref<10112x128xf32, #tpu.memory_space<vmem_shared>> -> memref<10112x128xf32, #tpu.memory_space<vmem_shared>>
      tpu.enqueue_indirect_dma source(%arg9 : memref<128x128xf32, #tpu.memory_space<vmem>>) target(%dma_start3A_136 : memref<10112x128xf32, #tpu.memory_space<vmem_shared>>) offsets(%dma_start3A_133 : memref<128xi32, #tpu.memory_space<vmem>>) semaphore(%arg12 : memref<!tpu.dma_semaphore, #tpu.memory_space<semaphore_mem>>) {add = true}
      %dma_start3A_137 = arith.constant 1 : i32
      %dma_start3A_138 = arith.constant 0 : i32
      %dma_start3A_139 = tpu.memref_slice %arg7[%dma_start3A_137, %dma_start3A_138] : memref<16x128xi32, #tpu.memory_space<vmem>> -> memref<1x128xi32, #tpu.memory_space<vmem>>
      %dma_start3A_140 = tpu.memref_squeeze %dma_start3A_139 : memref<1x128xi32, #tpu.memory_space<vmem>> -> memref<128xi32, #tpu.memory_space<vmem>>
      %dma_start3A_141 = arith.constant 0 : i32
      %dma_start3A_142 = arith.constant 0 : i32
      %dma_start3A_143 = tpu.memref_slice %arg11[%dma_start3A_141, %dma_start3A_142] : memref<10112x128xf32, #tpu.memory_space<vmem_shared>> -> memref<10112x128xf32, #tpu.memory_space<vmem_shared>>
      tpu.enqueue_indirect_dma source(%arg9 : memref<128x128xf32, #tpu.memory_space<vmem>>) target(%dma_start3A_143 : memref<10112x128xf32, #tpu.memory_space<vmem_shared>>) offsets(%dma_start3A_140 : memref<128xi32, #tpu.memory_space<vmem>>) semaphore(%arg12 : memref<!tpu.dma_semaphore, #tpu.memory_space<semaphore_mem>>) {add = true}
      %dma_start3A_144 = arith.constant 2 : i32
      %dma_start3A_145 = arith.constant 0 : i32
      %dma_start3A_146 = tpu.memref_slice %arg7[%dma_start3A_144, %dma_start3A_145] : memref<16x128xi32, #tpu.memory_space<vmem>> -> memref<1x128xi32, #tpu.memory_space<vmem>>
      %dma_start3A_147 = tpu.memref_squeeze %dma_start3A_146 : memref<1x128xi32, #tpu.memory_space<vmem>> -> memref<128xi32, #tpu.memory_space<vmem>>
      %dma_start3A_148 = arith.constant 0 : i32
      %dma_start3A_149 = arith.constant 0 : i32
      %dma_start3A_150 = tpu.memref_slice %arg11[%dma_start3A_148, %dma_start3A_149] : memref<10112x128xf32, #tpu.memory_space<vmem_shared>> -> memref<10112x128xf32, #tpu.memory_space<vmem_shared>>
      tpu.enqueue_indirect_dma source(%arg9 : memref<128x128xf32, #tpu.memory_space<vmem>>) target(%dma_start3A_150 : memref<10112x128xf32, #tpu.memory_space<vmem_shared>>) offsets(%dma_start3A_147 : memref<128xi32, #tpu.memory_space<vmem>>) semaphore(%arg12 : memref<!tpu.dma_semaphore, #tpu.memory_space<semaphore_mem>>) {add = true}
      %dma_start3A_151 = arith.constant 3 : i32
      %dma_start3A_152 = arith.constant 0 : i32
      %dma_start3A_153 = tpu.memref_slice %arg7[%dma_start3A_151, %dma_start3A_152] : memref<16x128xi32, #tpu.memory_space<vmem>> -> memref<1x128xi32, #tpu.memory_space<vmem>>
      %dma_start3A_154 = tpu.memref_squeeze %dma_start3A_153 : memref<1x128xi32, #tpu.memory_space<vmem>> -> memref<128xi32, #tpu.memory_space<vmem>>
      %dma_start3A_155 = arith.constant 0 : i32
      %dma_start3A_156 = arith.constant 0 : i32
      %dma_start3A_157 = tpu.memref_slice %arg11[%dma_start3A_155, %dma_start3A_156] : memref<10112x128xf32, #tpu.memory_space<vmem_shared>> -> memref<10112x128xf32, #tpu.memory_space<vmem_shared>>
      tpu.enqueue_indirect_dma source(%arg9 : memref<128x128xf32, #tpu.memory_space<vmem>>) target(%dma_start3A_157 : memref<10112x128xf32, #tpu.memory_space<vmem_shared>>) offsets(%dma_start3A_154 : memref<128xi32, #tpu.memory_space<vmem>>) semaphore(%arg12 : memref<!tpu.dma_semaphore, #tpu.memory_space<semaphore_mem>>) {add = true}
      %dma_start3A_158 = arith.constant 4 : i32
      %dma_start3A_159 = arith.constant 0 : i32
      %dma_start3A_160 = tpu.memref_slice %arg7[%dma_start3A_158, %dma_start3A_159] : memref<16x128xi32, #tpu.memory_space<vmem>> -> memref<1x128xi32, #tpu.memory_space<vmem>>
      %dma_start3A_161 = tpu.memref_squeeze %dma_start3A_160 : memref<1x128xi32, #tpu.memory_space<vmem>> -> memref<128xi32, #tpu.memory_space<vmem>>
      %dma_start3A_162 = arith.constant 0 : i32
      %dma_start3A_163 = arith.constant 0 : i32
      %dma_start3A_164 = tpu.memref_slice %arg11[%dma_start3A_162, %dma_start3A_163] : memref<10112x128xf32, #tpu.memory_space<vmem_shared>> -> memref<10112x128xf32, #tpu.memory_space<vmem_shared>>
      tpu.enqueue_indirect_dma source(%arg9 : memref<128x128xf32, #tpu.memory_space<vmem>>) target(%dma_start3A_164 : memref<10112x128xf32, #tpu.memory_space<vmem_shared>>) offsets(%dma_start3A_161 : memref<128xi32, #tpu.memory_space<vmem>>) semaphore(%arg12 : memref<!tpu.dma_semaphore, #tpu.memory_space<semaphore_mem>>) {add = true}
      %dma_start3A_165 = arith.constant 5 : i32
      %dma_start3A_166 = arith.constant 0 : i32
      %dma_start3A_167 = tpu.memref_slice %arg7[%dma_start3A_165, %dma_start3A_166] : memref<16x128xi32, #tpu.memory_space<vmem>> -> memref<1x128xi32, #tpu.memory_space<vmem>>
      %dma_start3A_168 = tpu.memref_squeeze %dma_start3A_167 : memref<1x128xi32, #tpu.memory_space<vmem>> -> memref<128xi32, #tpu.memory_space<vmem>>
      %dma_start3A_169 = arith.constant 0 : i32
      %dma_start3A_170 = arith.constant 0 : i32
      %dma_start3A_171 = tpu.memref_slice %arg11[%dma_start3A_169, %dma_start3A_170] : memref<10112x128xf32, #tpu.memory_space<vmem_shared>> -> memref<10112x128xf32, #tpu.memory_space<vmem_shared>>
      tpu.enqueue_indirect_dma source(%arg9 : memref<128x128xf32, #tpu.memory_space<vmem>>) target(%dma_start3A_171 : memref<10112x128xf32, #tpu.memory_space<vmem_shared>>) offsets(%dma_start3A_168 : memref<128xi32, #tpu.memory_space<vmem>>) semaphore(%arg12 : memref<!tpu.dma_semaphore, #tpu.memory_space<semaphore_mem>>) {add = true}
      %dma_start3A_172 = arith.constant 6 : i32
      %dma_start3A_173 = arith.constant 0 : i32
      %dma_start3A_174 = tpu.memref_slice %arg7[%dma_start3A_172, %dma_start3A_173] : memref<16x128xi32, #tpu.memory_space<vmem>> -> memref<1x128xi32, #tpu.memory_space<vmem>>
      %dma_start3A_175 = tpu.memref_squeeze %dma_start3A_174 : memref<1x128xi32, #tpu.memory_space<vmem>> -> memref<128xi32, #tpu.memory_space<vmem>>
      %dma_start3A_176 = arith.constant 0 : i32
      %dma_start3A_177 = arith.constant 0 : i32
      %dma_start3A_178 = tpu.memref_slice %arg11[%dma_start3A_176, %dma_start3A_177] : memref<10112x128xf32, #tpu.memory_space<vmem_shared>> -> memref<10112x128xf32, #tpu.memory_space<vmem_shared>>
      tpu.enqueue_indirect_dma source(%arg9 : memref<128x128xf32, #tpu.memory_space<vmem>>) target(%dma_start3A_178 : memref<10112x128xf32, #tpu.memory_space<vmem_shared>>) offsets(%dma_start3A_175 : memref<128xi32, #tpu.memory_space<vmem>>) semaphore(%arg12 : memref<!tpu.dma_semaphore, #tpu.memory_space<semaphore_mem>>) {add = true}
      %dma_start3A_179 = arith.constant 7 : i32
      %dma_start3A_180 = arith.constant 0 : i32
      %dma_start3A_181 = tpu.memref_slice %arg7[%dma_start3A_179, %dma_start3A_180] : memref<16x128xi32, #tpu.memory_space<vmem>> -> memref<1x128xi32, #tpu.memory_space<vmem>>
      %dma_start3A_182 = tpu.memref_squeeze %dma_start3A_181 : memref<1x128xi32, #tpu.memory_space<vmem>> -> memref<128xi32, #tpu.memory_space<vmem>>
      %dma_start3A_183 = arith.constant 0 : i32
      %dma_start3A_184 = arith.constant 0 : i32
      %dma_start3A_185 = tpu.memref_slice %arg11[%dma_start3A_183, %dma_start3A_184] : memref<10112x128xf32, #tpu.memory_space<vmem_shared>> -> memref<10112x128xf32, #tpu.memory_space<vmem_shared>>
      tpu.enqueue_indirect_dma source(%arg9 : memref<128x128xf32, #tpu.memory_space<vmem>>) target(%dma_start3A_185 : memref<10112x128xf32, #tpu.memory_space<vmem_shared>>) offsets(%dma_start3A_182 : memref<128xi32, #tpu.memory_space<vmem>>) semaphore(%arg12 : memref<!tpu.dma_semaphore, #tpu.memory_space<semaphore_mem>>) {add = true}
      %dma_start3A_186 = arith.constant 8 : i32
      %dma_start3A_187 = arith.constant 0 : i32
      %dma_start3A_188 = tpu.memref_slice %arg7[%dma_start3A_186, %dma_start3A_187] : memref<16x128xi32, #tpu.memory_space<vmem>> -> memref<1x128xi32, #tpu.memory_space<vmem>>
      %dma_start3A_189 = tpu.memref_squeeze %dma_start3A_188 : memref<1x128xi32, #tpu.memory_space<vmem>> -> memref<128xi32, #tpu.memory_space<vmem>>
      %dma_start3A_190 = arith.constant 0 : i32
      %dma_start3A_191 = arith.constant 0 : i32
      %dma_start3A_192 = tpu.memref_slice %arg11[%dma_start3A_190, %dma_start3A_191] : memref<10112x128xf32, #tpu.memory_space<vmem_shared>> -> memref<10112x128xf32, #tpu.memory_space<vmem_shared>>
      tpu.enqueue_indirect_dma source(%arg9 : memref<128x128xf32, #tpu.memory_space<vmem>>) target(%dma_start3A_192 : memref<10112x128xf32, #tpu.memory_space<vmem_shared>>) offsets(%dma_start3A_189 : memref<128xi32, #tpu.memory_space<vmem>>) semaphore(%arg12 : memref<!tpu.dma_semaphore, #tpu.memory_space<semaphore_mem>>) {add = true}
      %dma_start3A_193 = arith.constant 9 : i32
      %dma_start3A_194 = arith.constant 0 : i32
      %dma_start3A_195 = tpu.memref_slice %arg7[%dma_start3A_193, %dma_start3A_194] : memref<16x128xi32, #tpu.memory_space<vmem>> -> memref<1x128xi32, #tpu.memory_space<vmem>>
      %dma_start3A_196 = tpu.memref_squeeze %dma_start3A_195 : memref<1x128xi32, #tpu.memory_space<vmem>> -> memref<128xi32, #tpu.memory_space<vmem>>
      %dma_start3A_197 = arith.constant 0 : i32
      %dma_start3A_198 = arith.constant 0 : i32
      %dma_start3A_199 = tpu.memref_slice %arg11[%dma_start3A_197, %dma_start3A_198] : memref<10112x128xf32, #tpu.memory_space<vmem_shared>> -> memref<10112x128xf32, #tpu.memory_space<vmem_shared>>
      tpu.enqueue_indirect_dma source(%arg9 : memref<128x128xf32, #tpu.memory_space<vmem>>) target(%dma_start3A_199 : memref<10112x128xf32, #tpu.memory_space<vmem_shared>>) offsets(%dma_start3A_196 : memref<128xi32, #tpu.memory_space<vmem>>) semaphore(%arg12 : memref<!tpu.dma_semaphore, #tpu.memory_space<semaphore_mem>>) {add = true}
      %dma_start3A_200 = arith.constant 10 : i32
      %dma_start3A_201 = arith.constant 0 : i32
      %dma_start3A_202 = tpu.memref_slice %arg7[%dma_start3A_200, %dma_start3A_201] : memref<16x128xi32, #tpu.memory_space<vmem>> -> memref<1x128xi32, #tpu.memory_space<vmem>>
      %dma_start3A_203 = tpu.memref_squeeze %dma_start3A_202 : memref<1x128xi32, #tpu.memory_space<vmem>> -> memref<128xi32, #tpu.memory_space<vmem>>
      %dma_start3A_204 = arith.constant 0 : i32
      %dma_start3A_205 = arith.constant 0 : i32
      %dma_start3A_206 = tpu.memref_slice %arg11[%dma_start3A_204, %dma_start3A_205] : memref<10112x128xf32, #tpu.memory_space<vmem_shared>> -> memref<10112x128xf32, #tpu.memory_space<vmem_shared>>
      tpu.enqueue_indirect_dma source(%arg9 : memref<128x128xf32, #tpu.memory_space<vmem>>) target(%dma_start3A_206 : memref<10112x128xf32, #tpu.memory_space<vmem_shared>>) offsets(%dma_start3A_203 : memref<128xi32, #tpu.memory_space<vmem>>) semaphore(%arg12 : memref<!tpu.dma_semaphore, #tpu.memory_space<semaphore_mem>>) {add = true}
      %dma_start3A_207 = arith.constant 11 : i32
      %dma_start3A_208 = arith.constant 0 : i32
      %dma_start3A_209 = tpu.memref_slice %arg7[%dma_start3A_207, %dma_start3A_208] : memref<16x128xi32, #tpu.memory_space<vmem>> -> memref<1x128xi32, #tpu.memory_space<vmem>>
      %dma_start3A_210 = tpu.memref_squeeze %dma_start3A_209 : memref<1x128xi32, #tpu.memory_space<vmem>> -> memref<128xi32, #tpu.memory_space<vmem>>
      %dma_start3A_211 = arith.constant 0 : i32
      %dma_start3A_212 = arith.constant 0 : i32
      %dma_start3A_213 = tpu.memref_slice %arg11[%dma_start3A_211, %dma_start3A_212] : memref<10112x128xf32, #tpu.memory_space<vmem_shared>> -> memref<10112x128xf32, #tpu.memory_space<vmem_shared>>
      tpu.enqueue_indirect_dma source(%arg9 : memref<128x128xf32, #tpu.memory_space<vmem>>) target(%dma_start3A_213 : memref<10112x128xf32, #tpu.memory_space<vmem_shared>>) offsets(%dma_start3A_210 : memref<128xi32, #tpu.memory_space<vmem>>) semaphore(%arg12 : memref<!tpu.dma_semaphore, #tpu.memory_space<semaphore_mem>>) {add = true}
      %dma_start3A_214 = arith.constant 12 : i32
      %dma_start3A_215 = arith.constant 0 : i32
      %dma_start3A_216 = tpu.memref_slice %arg7[%dma_start3A_214, %dma_start3A_215] : memref<16x128xi32, #tpu.memory_space<vmem>> -> memref<1x128xi32, #tpu.memory_space<vmem>>
      %dma_start3A_217 = tpu.memref_squeeze %dma_start3A_216 : memref<1x128xi32, #tpu.memory_space<vmem>> -> memref<128xi32, #tpu.memory_space<vmem>>
      %dma_start3A_218 = arith.constant 0 : i32
      %dma_start3A_219 = arith.constant 0 : i32
      %dma_start3A_220 = tpu.memref_slice %arg11[%dma_start3A_218, %dma_start3A_219] : memref<10112x128xf32, #tpu.memory_space<vmem_shared>> -> memref<10112x128xf32, #tpu.memory_space<vmem_shared>>
      tpu.enqueue_indirect_dma source(%arg9 : memref<128x128xf32, #tpu.memory_space<vmem>>) target(%dma_start3A_220 : memref<10112x128xf32, #tpu.memory_space<vmem_shared>>) offsets(%dma_start3A_217 : memref<128xi32, #tpu.memory_space<vmem>>) semaphore(%arg12 : memref<!tpu.dma_semaphore, #tpu.memory_space<semaphore_mem>>) {add = true}
      %dma_start3A_221 = arith.constant 13 : i32
      %dma_start3A_222 = arith.constant 0 : i32
      %dma_start3A_223 = tpu.memref_slice %arg7[%dma_start3A_221, %dma_start3A_222] : memref<16x128xi32, #tpu.memory_space<vmem>> -> memref<1x128xi32, #tpu.memory_space<vmem>>
      %dma_start3A_224 = tpu.memref_squeeze %dma_start3A_223 : memref<1x128xi32, #tpu.memory_space<vmem>> -> memref<128xi32, #tpu.memory_space<vmem>>
      %dma_start3A_225 = arith.constant 0 : i32
      %dma_start3A_226 = arith.constant 0 : i32
      %dma_start3A_227 = tpu.memref_slice %arg11[%dma_start3A_225, %dma_start3A_226] : memref<10112x128xf32, #tpu.memory_space<vmem_shared>> -> memref<10112x128xf32, #tpu.memory_space<vmem_shared>>
      tpu.enqueue_indirect_dma source(%arg9 : memref<128x128xf32, #tpu.memory_space<vmem>>) target(%dma_start3A_227 : memref<10112x128xf32, #tpu.memory_space<vmem_shared>>) offsets(%dma_start3A_224 : memref<128xi32, #tpu.memory_space<vmem>>) semaphore(%arg12 : memref<!tpu.dma_semaphore, #tpu.memory_space<semaphore_mem>>) {add = true}
      %dma_start3A_228 = arith.constant 14 : i32
      %dma_start3A_229 = arith.constant 0 : i32
      %dma_start3A_230 = tpu.memref_slice %arg7[%dma_start3A_228, %dma_start3A_229] : memref<16x128xi32, #tpu.memory_space<vmem>> -> memref<1x128xi32, #tpu.memory_space<vmem>>
      %dma_start3A_231 = tpu.memref_squeeze %dma_start3A_230 : memref<1x128xi32, #tpu.memory_space<vmem>> -> memref<128xi32, #tpu.memory_space<vmem>>
      %dma_start3A_232 = arith.constant 0 : i32
      %dma_start3A_233 = arith.constant 0 : i32
      %dma_start3A_234 = tpu.memref_slice %arg11[%dma_start3A_232, %dma_start3A_233] : memref<10112x128xf32, #tpu.memory_space<vmem_shared>> -> memref<10112x128xf32, #tpu.memory_space<vmem_shared>>
      tpu.enqueue_indirect_dma source(%arg9 : memref<128x128xf32, #tpu.memory_space<vmem>>) target(%dma_start3A_234 : memref<10112x128xf32, #tpu.memory_space<vmem_shared>>) offsets(%dma_start3A_231 : memref<128xi32, #tpu.memory_space<vmem>>) semaphore(%arg12 : memref<!tpu.dma_semaphore, #tpu.memory_space<semaphore_mem>>) {add = true}
      %dma_start3A_235 = arith.constant 15 : i32
      %dma_start3A_236 = arith.constant 0 : i32
      %dma_start3A_237 = tpu.memref_slice %arg7[%dma_start3A_235, %dma_start3A_236] : memref<16x128xi32, #tpu.memory_space<vmem>> -> memref<1x128xi32, #tpu.memory_space<vmem>>
      %dma_start3A_238 = tpu.memref_squeeze %dma_start3A_237 : memref<1x128xi32, #tpu.memory_space<vmem>> -> memref<128xi32, #tpu.memory_space<vmem>>
      %dma_start3A_239 = arith.constant 0 : i32
      %dma_start3A_240 = arith.constant 0 : i32
      %dma_start3A_241 = tpu.memref_slice %arg11[%dma_start3A_239, %dma_start3A_240] : memref<10112x128xf32, #tpu.memory_space<vmem_shared>> -> memref<10112x128xf32, #tpu.memory_space<vmem_shared>>
      tpu.enqueue_indirect_dma source(%arg9 : memref<128x128xf32, #tpu.memory_space<vmem>>) target(%dma_start3A_241 : memref<10112x128xf32, #tpu.memory_space<vmem_shared>>) offsets(%dma_start3A_238 : memref<128xi32, #tpu.memory_space<vmem>>) semaphore(%arg12 : memref<!tpu.dma_semaphore, #tpu.memory_space<semaphore_mem>>) {add = true}
      %dma_wait3A = arith.constant 0 : i32
      %dma_wait3A_242 = arith.constant 0 : i32
      %dma_wait3A_243 = tpu.memref_slice %arg7[%dma_wait3A, %dma_wait3A_242] : memref<16x128xi32, #tpu.memory_space<vmem>> -> memref<1x128xi32, #tpu.memory_space<vmem>>
      %dma_wait3A_244 = tpu.memref_squeeze %dma_wait3A_243 : memref<1x128xi32, #tpu.memory_space<vmem>> -> memref<128xi32, #tpu.memory_space<vmem>>
      %dma_wait3A_245 = arith.constant 0 : i32
      %dma_wait3A_246 = arith.constant 0 : i32
      %dma_wait3A_247 = tpu.memref_slice %arg11[%dma_wait3A_245, %dma_wait3A_246] : memref<10112x128xf32, #tpu.memory_space<vmem_shared>> -> memref<10112x128xf32, #tpu.memory_space<vmem_shared>>
      tpu.wait_indirect_dma semaphore(%arg12 : memref<!tpu.dma_semaphore, #tpu.memory_space<semaphore_mem>>) src(%arg9 : memref<128x128xf32, #tpu.memory_space<vmem>>) dst(%dma_wait3A_247 : memref<10112x128xf32, #tpu.memory_space<vmem_shared>>)
      %dma_wait3A_248 = arith.constant 1 : i32
      %dma_wait3A_249 = arith.constant 0 : i32
      %dma_wait3A_250 = tpu.memref_slice %arg7[%dma_wait3A_248, %dma_wait3A_249] : memref<16x128xi32, #tpu.memory_space<vmem>> -> memref<1x128xi32, #tpu.memory_space<vmem>>
      %dma_wait3A_251 = tpu.memref_squeeze %dma_wait3A_250 : memref<1x128xi32, #tpu.memory_space<vmem>> -> memref<128xi32, #tpu.memory_space<vmem>>
      %dma_wait3A_252 = arith.constant 0 : i32
      %dma_wait3A_253 = arith.constant 0 : i32
      %dma_wait3A_254 = tpu.memref_slice %arg11[%dma_wait3A_252, %dma_wait3A_253] : memref<10112x128xf32, #tpu.memory_space<vmem_shared>> -> memref<10112x128xf32, #tpu.memory_space<vmem_shared>>
      tpu.wait_indirect_dma semaphore(%arg12 : memref<!tpu.dma_semaphore, #tpu.memory_space<semaphore_mem>>) src(%arg9 : memref<128x128xf32, #tpu.memory_space<vmem>>) dst(%dma_wait3A_254 : memref<10112x128xf32, #tpu.memory_space<vmem_shared>>)
      %dma_wait3A_255 = arith.constant 2 : i32
      %dma_wait3A_256 = arith.constant 0 : i32
      %dma_wait3A_257 = tpu.memref_slice %arg7[%dma_wait3A_255, %dma_wait3A_256] : memref<16x128xi32, #tpu.memory_space<vmem>> -> memref<1x128xi32, #tpu.memory_space<vmem>>
      %dma_wait3A_258 = tpu.memref_squeeze %dma_wait3A_257 : memref<1x128xi32, #tpu.memory_space<vmem>> -> memref<128xi32, #tpu.memory_space<vmem>>
      %dma_wait3A_259 = arith.constant 0 : i32
      %dma_wait3A_260 = arith.constant 0 : i32
      %dma_wait3A_261 = tpu.memref_slice %arg11[%dma_wait3A_259, %dma_wait3A_260] : memref<10112x128xf32, #tpu.memory_space<vmem_shared>> -> memref<10112x128xf32, #tpu.memory_space<vmem_shared>>
      tpu.wait_indirect_dma semaphore(%arg12 : memref<!tpu.dma_semaphore, #tpu.memory_space<semaphore_mem>>) src(%arg9 : memref<128x128xf32, #tpu.memory_space<vmem>>) dst(%dma_wait3A_261 : memref<10112x128xf32, #tpu.memory_space<vmem_shared>>)
      %dma_wait3A_262 = arith.constant 3 : i32
      %dma_wait3A_263 = arith.constant 0 : i32
      %dma_wait3A_264 = tpu.memref_slice %arg7[%dma_wait3A_262, %dma_wait3A_263] : memref<16x128xi32, #tpu.memory_space<vmem>> -> memref<1x128xi32, #tpu.memory_space<vmem>>
      %dma_wait3A_265 = tpu.memref_squeeze %dma_wait3A_264 : memref<1x128xi32, #tpu.memory_space<vmem>> -> memref<128xi32, #tpu.memory_space<vmem>>
      %dma_wait3A_266 = arith.constant 0 : i32
      %dma_wait3A_267 = arith.constant 0 : i32
      %dma_wait3A_268 = tpu.memref_slice %arg11[%dma_wait3A_266, %dma_wait3A_267] : memref<10112x128xf32, #tpu.memory_space<vmem_shared>> -> memref<10112x128xf32, #tpu.memory_space<vmem_shared>>
      tpu.wait_indirect_dma semaphore(%arg12 : memref<!tpu.dma_semaphore, #tpu.memory_space<semaphore_mem>>) src(%arg9 : memref<128x128xf32, #tpu.memory_space<vmem>>) dst(%dma_wait3A_268 : memref<10112x128xf32, #tpu.memory_space<vmem_shared>>)
      %dma_wait3A_269 = arith.constant 4 : i32
      %dma_wait3A_270 = arith.constant 0 : i32
      %dma_wait3A_271 = tpu.memref_slice %arg7[%dma_wait3A_269, %dma_wait3A_270] : memref<16x128xi32, #tpu.memory_space<vmem>> -> memref<1x128xi32, #tpu.memory_space<vmem>>
      %dma_wait3A_272 = tpu.memref_squeeze %dma_wait3A_271 : memref<1x128xi32, #tpu.memory_space<vmem>> -> memref<128xi32, #tpu.memory_space<vmem>>
      %dma_wait3A_273 = arith.constant 0 : i32
      %dma_wait3A_274 = arith.constant 0 : i32
      %dma_wait3A_275 = tpu.memref_slice %arg11[%dma_wait3A_273, %dma_wait3A_274] : memref<10112x128xf32, #tpu.memory_space<vmem_shared>> -> memref<10112x128xf32, #tpu.memory_space<vmem_shared>>
      tpu.wait_indirect_dma semaphore(%arg12 : memref<!tpu.dma_semaphore, #tpu.memory_space<semaphore_mem>>) src(%arg9 : memref<128x128xf32, #tpu.memory_space<vmem>>) dst(%dma_wait3A_275 : memref<10112x128xf32, #tpu.memory_space<vmem_shared>>)
      %dma_wait3A_276 = arith.constant 5 : i32
      %dma_wait3A_277 = arith.constant 0 : i32
      %dma_wait3A_278 = tpu.memref_slice %arg7[%dma_wait3A_276, %dma_wait3A_277] : memref<16x128xi32, #tpu.memory_space<vmem>> -> memref<1x128xi32, #tpu.memory_space<vmem>>
      %dma_wait3A_279 = tpu.memref_squeeze %dma_wait3A_278 : memref<1x128xi32, #tpu.memory_space<vmem>> -> memref<128xi32, #tpu.memory_space<vmem>>
      %dma_wait3A_280 = arith.constant 0 : i32
      %dma_wait3A_281 = arith.constant 0 : i32
      %dma_wait3A_282 = tpu.memref_slice %arg11[%dma_wait3A_280, %dma_wait3A_281] : memref<10112x128xf32, #tpu.memory_space<vmem_shared>> -> memref<10112x128xf32, #tpu.memory_space<vmem_shared>>
      tpu.wait_indirect_dma semaphore(%arg12 : memref<!tpu.dma_semaphore, #tpu.memory_space<semaphore_mem>>) src(%arg9 : memref<128x128xf32, #tpu.memory_space<vmem>>) dst(%dma_wait3A_282 : memref<10112x128xf32, #tpu.memory_space<vmem_shared>>)
      %dma_wait3A_283 = arith.constant 6 : i32
      %dma_wait3A_284 = arith.constant 0 : i32
      %dma_wait3A_285 = tpu.memref_slice %arg7[%dma_wait3A_283, %dma_wait3A_284] : memref<16x128xi32, #tpu.memory_space<vmem>> -> memref<1x128xi32, #tpu.memory_space<vmem>>
      %dma_wait3A_286 = tpu.memref_squeeze %dma_wait3A_285 : memref<1x128xi32, #tpu.memory_space<vmem>> -> memref<128xi32, #tpu.memory_space<vmem>>
      %dma_wait3A_287 = arith.constant 0 : i32
      %dma_wait3A_288 = arith.constant 0 : i32
      %dma_wait3A_289 = tpu.memref_slice %arg11[%dma_wait3A_287, %dma_wait3A_288] : memref<10112x128xf32, #tpu.memory_space<vmem_shared>> -> memref<10112x128xf32, #tpu.memory_space<vmem_shared>>
      tpu.wait_indirect_dma semaphore(%arg12 : memref<!tpu.dma_semaphore, #tpu.memory_space<semaphore_mem>>) src(%arg9 : memref<128x128xf32, #tpu.memory_space<vmem>>) dst(%dma_wait3A_289 : memref<10112x128xf32, #tpu.memory_space<vmem_shared>>)
      %dma_wait3A_290 = arith.constant 7 : i32
      %dma_wait3A_291 = arith.constant 0 : i32
      %dma_wait3A_292 = tpu.memref_slice %arg7[%dma_wait3A_290, %dma_wait3A_291] : memref<16x128xi32, #tpu.memory_space<vmem>> -> memref<1x128xi32, #tpu.memory_space<vmem>>
      %dma_wait3A_293 = tpu.memref_squeeze %dma_wait3A_292 : memref<1x128xi32, #tpu.memory_space<vmem>> -> memref<128xi32, #tpu.memory_space<vmem>>
      %dma_wait3A_294 = arith.constant 0 : i32
      %dma_wait3A_295 = arith.constant 0 : i32
      %dma_wait3A_296 = tpu.memref_slice %arg11[%dma_wait3A_294, %dma_wait3A_295] : memref<10112x128xf32, #tpu.memory_space<vmem_shared>> -> memref<10112x128xf32, #tpu.memory_space<vmem_shared>>
      tpu.wait_indirect_dma semaphore(%arg12 : memref<!tpu.dma_semaphore, #tpu.memory_space<semaphore_mem>>) src(%arg9 : memref<128x128xf32, #tpu.memory_space<vmem>>) dst(%dma_wait3A_296 : memref<10112x128xf32, #tpu.memory_space<vmem_shared>>)
      %dma_wait3A_297 = arith.constant 8 : i32
      %dma_wait3A_298 = arith.constant 0 : i32
      %dma_wait3A_299 = tpu.memref_slice %arg7[%dma_wait3A_297, %dma_wait3A_298] : memref<16x128xi32, #tpu.memory_space<vmem>> -> memref<1x128xi32, #tpu.memory_space<vmem>>
      %dma_wait3A_300 = tpu.memref_squeeze %dma_wait3A_299 : memref<1x128xi32, #tpu.memory_space<vmem>> -> memref<128xi32, #tpu.memory_space<vmem>>
      %dma_wait3A_301 = arith.constant 0 : i32
      %dma_wait3A_302 = arith.constant 0 : i32
      %dma_wait3A_303 = tpu.memref_slice %arg11[%dma_wait3A_301, %dma_wait3A_302] : memref<10112x128xf32, #tpu.memory_space<vmem_shared>> -> memref<10112x128xf32, #tpu.memory_space<vmem_shared>>
      tpu.wait_indirect_dma semaphore(%arg12 : memref<!tpu.dma_semaphore, #tpu.memory_space<semaphore_mem>>) src(%arg9 : memref<128x128xf32, #tpu.memory_space<vmem>>) dst(%dma_wait3A_303 : memref<10112x128xf32, #tpu.memory_space<vmem_shared>>)
      %dma_wait3A_304 = arith.constant 9 : i32
      %dma_wait3A_305 = arith.constant 0 : i32
      %dma_wait3A_306 = tpu.memref_slice %arg7[%dma_wait3A_304, %dma_wait3A_305] : memref<16x128xi32, #tpu.memory_space<vmem>> -> memref<1x128xi32, #tpu.memory_space<vmem>>
      %dma_wait3A_307 = tpu.memref_squeeze %dma_wait3A_306 : memref<1x128xi32, #tpu.memory_space<vmem>> -> memref<128xi32, #tpu.memory_space<vmem>>
      %dma_wait3A_308 = arith.constant 0 : i32
      %dma_wait3A_309 = arith.constant 0 : i32
      %dma_wait3A_310 = tpu.memref_slice %arg11[%dma_wait3A_308, %dma_wait3A_309] : memref<10112x128xf32, #tpu.memory_space<vmem_shared>> -> memref<10112x128xf32, #tpu.memory_space<vmem_shared>>
      tpu.wait_indirect_dma semaphore(%arg12 : memref<!tpu.dma_semaphore, #tpu.memory_space<semaphore_mem>>) src(%arg9 : memref<128x128xf32, #tpu.memory_space<vmem>>) dst(%dma_wait3A_310 : memref<10112x128xf32, #tpu.memory_space<vmem_shared>>)
      %dma_wait3A_311 = arith.constant 10 : i32
      %dma_wait3A_312 = arith.constant 0 : i32
      %dma_wait3A_313 = tpu.memref_slice %arg7[%dma_wait3A_311, %dma_wait3A_312] : memref<16x128xi32, #tpu.memory_space<vmem>> -> memref<1x128xi32, #tpu.memory_space<vmem>>
      %dma_wait3A_314 = tpu.memref_squeeze %dma_wait3A_313 : memref<1x128xi32, #tpu.memory_space<vmem>> -> memref<128xi32, #tpu.memory_space<vmem>>
      %dma_wait3A_315 = arith.constant 0 : i32
      %dma_wait3A_316 = arith.constant 0 : i32
      %dma_wait3A_317 = tpu.memref_slice %arg11[%dma_wait3A_315, %dma_wait3A_316] : memref<10112x128xf32, #tpu.memory_space<vmem_shared>> -> memref<10112x128xf32, #tpu.memory_space<vmem_shared>>
      tpu.wait_indirect_dma semaphore(%arg12 : memref<!tpu.dma_semaphore, #tpu.memory_space<semaphore_mem>>) src(%arg9 : memref<128x128xf32, #tpu.memory_space<vmem>>) dst(%dma_wait3A_317 : memref<10112x128xf32, #tpu.memory_space<vmem_shared>>)
      %dma_wait3A_318 = arith.constant 11 : i32
      %dma_wait3A_319 = arith.constant 0 : i32
      %dma_wait3A_320 = tpu.memref_slice %arg7[%dma_wait3A_318, %dma_wait3A_319] : memref<16x128xi32, #tpu.memory_space<vmem>> -> memref<1x128xi32, #tpu.memory_space<vmem>>
      %dma_wait3A_321 = tpu.memref_squeeze %dma_wait3A_320 : memref<1x128xi32, #tpu.memory_space<vmem>> -> memref<128xi32, #tpu.memory_space<vmem>>
      %dma_wait3A_322 = arith.constant 0 : i32
      %dma_wait3A_323 = arith.constant 0 : i32
      %dma_wait3A_324 = tpu.memref_slice %arg11[%dma_wait3A_322, %dma_wait3A_323] : memref<10112x128xf32, #tpu.memory_space<vmem_shared>> -> memref<10112x128xf32, #tpu.memory_space<vmem_shared>>
      tpu.wait_indirect_dma semaphore(%arg12 : memref<!tpu.dma_semaphore, #tpu.memory_space<semaphore_mem>>) src(%arg9 : memref<128x128xf32, #tpu.memory_space<vmem>>) dst(%dma_wait3A_324 : memref<10112x128xf32, #tpu.memory_space<vmem_shared>>)
      %dma_wait3A_325 = arith.constant 12 : i32
      %dma_wait3A_326 = arith.constant 0 : i32
      %dma_wait3A_327 = tpu.memref_slice %arg7[%dma_wait3A_325, %dma_wait3A_326] : memref<16x128xi32, #tpu.memory_space<vmem>> -> memref<1x128xi32, #tpu.memory_space<vmem>>
      %dma_wait3A_328 = tpu.memref_squeeze %dma_wait3A_327 : memref<1x128xi32, #tpu.memory_space<vmem>> -> memref<128xi32, #tpu.memory_space<vmem>>
      %dma_wait3A_329 = arith.constant 0 : i32
      %dma_wait3A_330 = arith.constant 0 : i32
      %dma_wait3A_331 = tpu.memref_slice %arg11[%dma_wait3A_329, %dma_wait3A_330] : memref<10112x128xf32, #tpu.memory_space<vmem_shared>> -> memref<10112x128xf32, #tpu.memory_space<vmem_shared>>
      tpu.wait_indirect_dma semaphore(%arg12 : memref<!tpu.dma_semaphore, #tpu.memory_space<semaphore_mem>>) src(%arg9 : memref<128x128xf32, #tpu.memory_space<vmem>>) dst(%dma_wait3A_331 : memref<10112x128xf32, #tpu.memory_space<vmem_shared>>)
      %dma_wait3A_332 = arith.constant 13 : i32
      %dma_wait3A_333 = arith.constant 0 : i32
      %dma_wait3A_334 = tpu.memref_slice %arg7[%dma_wait3A_332, %dma_wait3A_333] : memref<16x128xi32, #tpu.memory_space<vmem>> -> memref<1x128xi32, #tpu.memory_space<vmem>>
      %dma_wait3A_335 = tpu.memref_squeeze %dma_wait3A_334 : memref<1x128xi32, #tpu.memory_space<vmem>> -> memref<128xi32, #tpu.memory_space<vmem>>
      %dma_wait3A_336 = arith.constant 0 : i32
      %dma_wait3A_337 = arith.constant 0 : i32
      %dma_wait3A_338 = tpu.memref_slice %arg11[%dma_wait3A_336, %dma_wait3A_337] : memref<10112x128xf32, #tpu.memory_space<vmem_shared>> -> memref<10112x128xf32, #tpu.memory_space<vmem_shared>>
      tpu.wait_indirect_dma semaphore(%arg12 : memref<!tpu.dma_semaphore, #tpu.memory_space<semaphore_mem>>) src(%arg9 : memref<128x128xf32, #tpu.memory_space<vmem>>) dst(%dma_wait3A_338 : memref<10112x128xf32, #tpu.memory_space<vmem_shared>>)
      %dma_wait3A_339 = arith.constant 14 : i32
      %dma_wait3A_340 = arith.constant 0 : i32
      %dma_wait3A_341 = tpu.memref_slice %arg7[%dma_wait3A_339, %dma_wait3A_340] : memref<16x128xi32, #tpu.memory_space<vmem>> -> memref<1x128xi32, #tpu.memory_space<vmem>>
      %dma_wait3A_342 = tpu.memref_squeeze %dma_wait3A_341 : memref<1x128xi32, #tpu.memory_space<vmem>> -> memref<128xi32, #tpu.memory_space<vmem>>
      %dma_wait3A_343 = arith.constant 0 : i32
      %dma_wait3A_344 = arith.constant 0 : i32
      %dma_wait3A_345 = tpu.memref_slice %arg11[%dma_wait3A_343, %dma_wait3A_344] : memref<10112x128xf32, #tpu.memory_space<vmem_shared>> -> memref<10112x128xf32, #tpu.memory_space<vmem_shared>>
      tpu.wait_indirect_dma semaphore(%arg12 : memref<!tpu.dma_semaphore, #tpu.memory_space<semaphore_mem>>) src(%arg9 : memref<128x128xf32, #tpu.memory_space<vmem>>) dst(%dma_wait3A_345 : memref<10112x128xf32, #tpu.memory_space<vmem_shared>>)
      %dma_wait3A_346 = arith.constant 15 : i32
      %dma_wait3A_347 = arith.constant 0 : i32
      %dma_wait3A_348 = tpu.memref_slice %arg7[%dma_wait3A_346, %dma_wait3A_347] : memref<16x128xi32, #tpu.memory_space<vmem>> -> memref<1x128xi32, #tpu.memory_space<vmem>>
      %dma_wait3A_349 = tpu.memref_squeeze %dma_wait3A_348 : memref<1x128xi32, #tpu.memory_space<vmem>> -> memref<128xi32, #tpu.memory_space<vmem>>
      %dma_wait3A_350 = arith.constant 0 : i32
      %dma_wait3A_351 = arith.constant 0 : i32
      %dma_wait3A_352 = tpu.memref_slice %arg11[%dma_wait3A_350, %dma_wait3A_351] : memref<10112x128xf32, #tpu.memory_space<vmem_shared>> -> memref<10112x128xf32, #tpu.memory_space<vmem_shared>>
      tpu.wait_indirect_dma semaphore(%arg12 : memref<!tpu.dma_semaphore, #tpu.memory_space<semaphore_mem>>) src(%arg9 : memref<128x128xf32, #tpu.memory_space<vmem>>) dst(%dma_wait3A_352 : memref<10112x128xf32, #tpu.memory_space<vmem_shared>>)
      %while3A_353 = arith.constant 0 : i32
      scf.yield %while3A_353 : i32
    }
    %barrier3A_125 = arith.constant 0 : index
    tpu.barrier barrier_id(%barrier3A_125)
    "tpu.region"() ({
      %run_scoped3A = tpu.sem_alloc : memref<!tpu.dma_semaphore, #tpu.memory_space<semaphore_mem>>
      %dma_start3A_126 = arith.constant 0 : i32
      %dma_start3A_127 = tpu.memref_slice %arg6[%arg0, %mul3A_4, %dma_start3A_126] : memref<2x10112x128xf32, #tpu.memory_space<hbm>> -> memref<1x632x128xf32, #tpu.memory_space<hbm>>
      %dma_start3A_128 = tpu.memref_squeeze %dma_start3A_127 : memref<1x632x128xf32, #tpu.memory_space<hbm>> -> memref<632x128xf32, #tpu.memory_space<hbm>>
      %dma_start3A_129 = arith.constant 0 : i32
      %dma_start3A_130 = tpu.memref_slice %arg11[%mul3A_4, %dma_start3A_129] : memref<10112x128xf32, #tpu.memory_space<vmem_shared>> -> memref<632x128xf32, #tpu.memory_space<vmem_shared>>
      tpu.enqueue_dma source(%dma_start3A_130 : memref<632x128xf32, #tpu.memory_space<vmem_shared>>) target(%dma_start3A_128 : memref<632x128xf32, #tpu.memory_space<hbm>>) target_semaphore(%run_scoped3A : memref<!tpu.dma_semaphore, #tpu.memory_space<semaphore_mem>>)
      %dma_wait3A = arith.constant 0 : i32
      %dma_wait3A_131 = tpu.memref_slice %arg6[%arg0, %mul3A_4, %dma_wait3A] : memref<2x10112x128xf32, #tpu.memory_space<hbm>> -> memref<1x632x128xf32, #tpu.memory_space<hbm>>
      %dma_wait3A_132 = tpu.memref_squeeze %dma_wait3A_131 : memref<1x632x128xf32, #tpu.memory_space<hbm>> -> memref<632x128xf32, #tpu.memory_space<hbm>>
      %dma_wait3A_133 = arith.constant 0 : i32
      %dma_wait3A_134 = tpu.memref_slice %arg11[%mul3A_4, %dma_wait3A_133] : memref<10112x128xf32, #tpu.memory_space<vmem_shared>> -> memref<632x128xf32, #tpu.memory_space<vmem_shared>>
      tpu.wait_dma2 semaphore(%run_scoped3A : memref<!tpu.dma_semaphore, #tpu.memory_space<semaphore_mem>>) src(%dma_wait3A_134 : memref<632x128xf32, #tpu.memory_space<vmem_shared>>) dst(%dma_wait3A_132 : memref<632x128xf32, #tpu.memory_space<hbm>>)
      tpu.yield
    }) : () -> ()
    return
  }
}

module attributes {stable_mosaic.version = 14 : i64} {
  func.func @body(%arg0: i32, %arg1: memref<2528x128xf32, #tpu.memory_space<vmem>>, %arg2: memref<128x128xf32, #tpu.memory_space<vmem>>, %arg3: memref<2x2528x128xf32, #tpu.memory_space<vmem>>, %arg4: memref<2x2528x128xf32, #tpu.memory_space<vmem>>, %arg5: memref<2528x256xf32, #tpu.memory_space<vmem>>) attributes {dimension_semantics = [#tpu.dimension_semantics<arbitrary>], iteration_bounds = array<i64: 4>, scalar_prefetch = 0 : i64, scratch_operands = 0 : i64, tpu.core_type = #tpu.core_type<tc>, window_params = [{transform_indices = @transform_0, window_bounds = array<i64: 2528, 128>}, {pipeline_mode = #tpu.pipeline_mode<synchronous>, transform_indices = @transform_1, window_bounds = array<i64: 128, 128>}, {transform_indices = @transform_2, window_bounds = array<i64: 2, 2528, 128>}, {transform_indices = @transform_3, window_bounds = array<i64: 2, 2528, 128>}, {transform_indices = @transform_4, window_bounds = array<i64: 2528, 256>}]} {
    %get3A = arith.constant 0 : index
    %get3A_0 = arith.constant 0 : index
    %get3A_1 = vector.load %arg1[%get3A, %get3A_0] : memref<2528x128xf32, #tpu.memory_space<vmem>>, vector<2528x128xf32>
    %get3A_2 = arith.constant 0 : index
    %get3A_3 = arith.constant 0 : index
    %get3A_4 = vector.load %arg2[%get3A_2, %get3A_3] : memref<128x128xf32, #tpu.memory_space<vmem>>, vector<128x128xf32>
    %get3A_5 = arith.constant 0 : index
    %get3A_6 = arith.constant 0 : index
    %get3A_7 = arith.constant 0 : index
    %get3A_8 = vector.load %arg3[%get3A_5, %get3A_6, %get3A_7] : memref<2x2528x128xf32, #tpu.memory_space<vmem>>, vector<1x2528x128xf32>
    %get3A_9 = vector.shape_cast %get3A_8 : vector<1x2528x128xf32> to vector<2528x128xf32>
    %get3A_10 = arith.constant 1 : index
    %get3A_11 = arith.constant 0 : index
    %get3A_12 = arith.constant 0 : index
    %get3A_13 = vector.load %arg3[%get3A_10, %get3A_11, %get3A_12] : memref<2x2528x128xf32, #tpu.memory_space<vmem>>, vector<1x2528x128xf32>
    %get3A_14 = vector.shape_cast %get3A_13 : vector<1x2528x128xf32> to vector<2528x128xf32>
    %add3A = arith.addf %get3A_9, %get3A_14 : vector<2528x128xf32>
    %get3A_15 = arith.constant 0 : index
    %get3A_16 = arith.constant 0 : index
    %get3A_17 = arith.constant 0 : index
    %get3A_18 = vector.load %arg4[%get3A_15, %get3A_16, %get3A_17] : memref<2x2528x128xf32, #tpu.memory_space<vmem>>, vector<1x2528x128xf32>
    %get3A_19 = vector.shape_cast %get3A_18 : vector<1x2528x128xf32> to vector<2528x128xf32>
    %slice3A = vector.extract_strided_slice %get3A_19 {offsets = [0, 0], sizes = [2528, 1], strides = [1, 1]} : vector<2528x128xf32> to vector<2528x1xf32>
    %get3A_20 = arith.constant 1 : index
    %get3A_21 = arith.constant 0 : index
    %get3A_22 = arith.constant 0 : index
    %get3A_23 = vector.load %arg4[%get3A_20, %get3A_21, %get3A_22] : memref<2x2528x128xf32, #tpu.memory_space<vmem>>, vector<1x2528x128xf32>
    %get3A_24 = vector.shape_cast %get3A_23 : vector<1x2528x128xf32> to vector<2528x128xf32>
    %slice3A_25 = vector.extract_strided_slice %get3A_24 {offsets = [0, 0], sizes = [2528, 1], strides = [1, 1]} : vector<2528x128xf32> to vector<2528x1xf32>
    %add3A_26 = arith.addf %slice3A, %slice3A_25 : vector<2528x1xf32>
    %gt3A = arith.constant 0.000000e+00 : f32
    %gt3A_27 = vector.broadcast %gt3A : f32 to vector<2528x1xf32>
    %gt3A_28 = arith.cmpf ogt, %add3A_26, %gt3A_27 : vector<2528x1xf32>
    %max3A = arith.constant 1.000000e+00 : f32
    %max3A_29 = vector.broadcast %max3A : f32 to vector<2528x1xf32>
    %max3A_30 = arith.maximumf %add3A_26, %max3A_29 : vector<2528x1xf32>
    %div3A = vector.broadcast %max3A_30 : vector<2528x1xf32> to vector<2528x128xf32>
    %div3A_31 = arith.divf %add3A, %div3A : vector<2528x128xf32>
    %jit3A = arith.constant 0.000000e+00 : f32
    %broadcast_in_dim3A = vector.shape_cast %gt3A_28 : vector<2528x1xi1> to vector<2528x1xi1>
    %broadcast_in_dim3A_32 = vector.broadcast %broadcast_in_dim3A : vector<2528x1xi1> to vector<2528x128xi1>
    %broadcast_in_dim3A_33 = vector.broadcast %jit3A : f32 to vector<2528x128xf32>
    %select_n3A = arith.select %broadcast_in_dim3A_32, %div3A_31, %broadcast_in_dim3A_33 : vector<2528x128xi1>, vector<2528x128xf32>
    %dot_general3A = arith.constant dense<0.000000e+00> : vector<2528x128xf32>
    %dot_general3A_34 = tpu.matmul %get3A_1, %get3A_4, %dot_general3A {dimension_numbers = #tpu.dot_dimension_numbers<[1], [0], [0], [1], [0, 0, 1, 1], [], []>, transpose_lhs_hint = false} : vector<2528x128xf32>, vector<128x128xf32>, vector<2528x128xf32> -> vector<2528x128xf32>
    %dot_general3A_35 = arith.constant dense<0.000000e+00> : vector<2528x128xf32>
    %dot_general3A_36 = tpu.matmul %select_n3A, %get3A_4, %dot_general3A_35 {dimension_numbers = #tpu.dot_dimension_numbers<[1], [0], [0], [1], [0, 0, 1, 1], [], []>, transpose_lhs_hint = false} : vector<2528x128xf32>, vector<128x128xf32>, vector<2528x128xf32> -> vector<2528x128xf32>
    %concatenate3A = tpu.concatenate %dot_general3A_34, %dot_general3A_36 in 1 : vector<2528x128xf32>, vector<2528x128xf32> -> vector<2528x256xf32>
    %max3A_37 = arith.constant 0.000000e+00 : f32
    %max3A_38 = vector.broadcast %max3A_37 : f32 to vector<2528x256xf32>
    %max3A_39 = arith.maximumf %concatenate3A, %max3A_38 : vector<2528x256xf32>
    %swap3A = arith.constant 0 : index
    %swap3A_40 = arith.constant 0 : index
    %swap3A_41 = vector.load %arg5[%swap3A, %swap3A_40] : memref<2528x256xf32, #tpu.memory_space<vmem>>, vector<2528x256xf32>
    tpu.vector_store %arg5[%swap3A, %swap3A_40], %max3A_39 {strides = array<i32>} : memref<2528x256xf32, #tpu.memory_space<vmem>>, vector<2528x256xf32>,
    return
  }
  func.func @transform_0(%arg0: i32) -> (i32, i32) {
    %c0_i32 = arith.constant 0 : i32
    %c0_i32_0 = arith.constant 0 : i32
    return %arg0, %c0_i32 : i32, i32
  }
  func.func @transform_1(%arg0: i32) -> (i32, i32) {
    %c0_i32 = arith.constant 0 : i32
    %c0_i32_0 = arith.constant 0 : i32
    %c0_i32_1 = arith.constant 0 : i32
    return %c0_i32, %c0_i32_0 : i32, i32
  }
  func.func @transform_2(%arg0: i32) -> (i32, i32, i32) {
    %c0_i32 = arith.constant 0 : i32
    %c0_i32_0 = arith.constant 0 : i32
    %c0_i32_1 = arith.constant 0 : i32
    return %c0_i32, %arg0, %c0_i32_0 : i32, i32, i32
  }
  func.func @transform_3(%arg0: i32) -> (i32, i32, i32) {
    %c0_i32 = arith.constant 0 : i32
    %c0_i32_0 = arith.constant 0 : i32
    %c0_i32_1 = arith.constant 0 : i32
    return %c0_i32, %arg0, %c0_i32_0 : i32, i32, i32
  }
  func.func @transform_4(%arg0: i32) -> (i32, i32) {
    %c0_i32 = arith.constant 0 : i32
    %c0_i32_0 = arith.constant 0 : i32
    return %arg0, %c0_i32 : i32, i32
  }
}

</mosaic_0001>

<sc_bundles>
// kernel: kernel.4.cloned.1.call-start
scs
__scs_entry_jumppad:
0x0: {  	(pc) =	sbr.rel $0x88, $3  }
0x1: {  	(tag) =	ssettag $0x0;
	lr =	simm.s32 $0x1  }
0x2: {  	[smem:$0x3F9D] =	sst lr;
	_ =	strace $0xD0000000  }
0x3: {  	_ = 	snop  }
0x4: {  	_ = 	snop  }
0x5: {  	_ = 	snop  }
0x6: {  	_ = 	snop  }
0x7: {  	_ = 	snop  }
__scs_overlays_trampoline_lowered:
0x8: {  	[smem:$0x3FAC] =	sst s0  }
0x9: {  	[smem:$0x3FAD] =	sst s1  }
0xa: {  	[smem:$0x3FAE] =	sst s2  }
0xb: {  	[smem:$0x3FAF] =	sst s3  }
0xc: {  	[smem:$0x3FB0] =	sst s4  }
0xd: {  	[smem:$0x3FB1] =	sst s5  }
0xe: {  	[smem:$0x3FB2] =	sst s6  }
0xf: {  	[smem:$0x3FB3] =	sst s7  }
0x10: {  	[smem:$0x3FB4] =	sst s8  }
0x11: {  	[smem:$0x3FB5] =	sst s9;
	s0 =	simm.s32 @!p0 $0x0  }
0x12: {  	s1 =	sld [smem:$0x3F9B];
	s0 =	simm.s32 @p0 $0x1  }
0x13: {  	[smem:$0x3FB6] =	sst s0;
	s0 =	simm.s32 @!p1 $0x0  }
0x14: {  	s2 =	sld [smem:$0x3F9A];
	s0 =	simm.s32 @p1 $0x1  }
0x15: {  	[smem:$0x3FB7] =	sst s0;
	s0 =	simm.s32 @!p2 $0x0  }
0x16: {  	s3 =	sld [smem:$0x3FDB];
	s0 =	simm.s32 @p2 $0x1  }
0x17: {  	s4 =	simm.s32 $0x1BF5;
	[smem:$0x3FB9] =	sst s0  }
0x18: {  	s0 =	sld [smem:$0x3F9C];
	_ =	swait.ge [sflag:s4], $0x0  }
0x19: {  	s7 =	sld [smem:$0x3F9D]  }
0x1a: {  	s8 =	sadd.s32 $0xFFFFE003, lr  }
0x1b: {  	s9 =	sadd.s32 $0xFFFFFEF7, lr;
	s5 =	simm.s32 $0xFFFFFFFF;
	p2 =	slt.u32 s8, $0xFFFFF086  }
0x1c: {  	p1 =	slt.u32 s9, $0xF7A;
	s5 =	simm.s32 @!p2 $0x0  }
0x1d: {  	s5 =	simm.s32 @p1 $0x1;
	p0 =	seq.s32 s7, s2  }
0x1e: {  	s7 =	smul.u32 @!p0 $0xF7A, s2;
	p2 =	seq.s32 @!p0 s5, $0x0  }
0x1f: {  	s9 =	smul.u32 $0xF7A, s1;
	s8 =	simm.s32 @!p0 $0x1BF5;
	p2 =	por !p2, p0  }
0x20: {  	[sflag:s8] =	ssyncset.s32 @!p0 $0xFFFFF086;
	s6 =	sadd.s32 @!p0 s3, s7;
	s7 =	simm.s32 @!p0 $0x108  }
0x21: {  	s3 =	sadd.s32 s3, s9;
	s6 =	sadd.s32 @!p0 $0x88, s6;
	s7 =	simm.s32 @p2 $0x1082  }
0x22: {  	[simem:s7], [sflag:s8] =	dma.local @!p0 [hbm:s6], $0xF7A  }
0x23: {  	s9 =	sor.u32 $0xD0000000, s2;
	s6 =	simm.s32 $0x108;
	_ =	swait.ge @!p0 [sflag:s8], $0x0  }
0x24: {  	s3 =	sadd.s32 $0x88, s3;
	s6 =	simm.s32 @!p1 $0x1082;
	[sflag:s4] =	ssyncset.s32 $0xFFFFF086  }
0x25: {  	[simem:s6], [sflag:s4] =	dma.local [hbm:s3], $0xF7A  }
0x26: {  	[smem:$0x3F9D] =	sst s1;
	(tag) =	ssettag s2;
	_ =	strace s9  }
0x27: {  	s1 =	sld [smem:$0x3FAD]  }
0x28: {  	s2 =	sld [smem:$0x3FAE]  }
0x29: {  	s4 =	sld [smem:$0x3FB0]  }
0x2a: {  	p0 =	seq.s32 s5, $0x0;
	s5 =	sld [smem:$0x3FB1]  }
0x2b: {  	s6 =	sld [smem:$0x3FB2]  }
0x2c: {  	s7 =	sld [smem:$0x3FB3]  }
0x2d: {  	s3 =	simm.s32 $0x108;
	s8 =	sld [smem:$0x3FB4]  }
0x2e: {  	s3 =	simm.s32 @!p0 $0x1082;
	s9 =	sld [smem:$0x3FB5]  }
0x2f: {  	lr =	sadd.s32 s0, s3;
	s0 =	sld [smem:$0x3FAC]  }
0x30: {  	s3 =	sld [smem:$0x3FAF]  }
0x31: {  	[smem:$0x3FB8] =	sst s10  }
0x32: {  	s10 =	sld [smem:$0x3FB6];
	_ =	sdelay $0x3  }
0x33: {  	p0 =	seq.s32 s10, $0x1;
	s10 =	sld [smem:$0x3FB8];
	_ =	sdelay $0x3  }
0x34: {  	[smem:$0x3FB8] =	sst s10  }
0x35: {  	s10 =	sld [smem:$0x3FB7];
	_ =	sdelay $0x3  }
0x36: {  	p1 =	seq.s32 s10, $0x1;
	s10 =	sld [smem:$0x3FB8];
	_ =	sdelay $0x3  }
0x37: {  	[smem:$0x3FB8] =	sst s10  }
0x38: {  	s10 =	sld [smem:$0x3FB9]  }
0x39: {  	_ = 	snop;
	(pc) =	sbr.ind lr, $3  }
0x3a: {  	_ = 	snop  }
0x3b: {  	_ = 	snop  }
0x3c: {  	p2 =	seq.s32 s10, $0x1;
	s10 =	sld [smem:$0x3FB8]  }
0x3d: {  	_ =	shalt  }
0x3e: {  	_ =	shalt  }
0x3f: {  	_ =	shalt  }
0x40: {  	_ =	shalt  }
0x41: {  	_ =	shalt  }
0x42: {  	_ =	shalt  }
0x43: {  	_ =	shalt  }
0x44: {  	_ =	shalt  }
0x45: {  	_ =	shalt  }
0x46: {  	_ =	shalt  }
0x47: {  	_ =	shalt  }
0x48: {  	_ =	shalt  }
0x49: {  	_ =	shalt  }
0x4a: {  	_ =	shalt  }
0x4b: {  	_ =	shalt  }
0x4c: {  	_ =	shalt  }
0x4d: {  	_ =	shalt  }
0x4e: {  	_ =	shalt  }
0x4f: {  	_ =	shalt  }
0x50: {  	_ =	shalt  }
0x51: {  	_ =	shalt  }
0x52: {  	_ =	shalt  }
0x53: {  	_ =	shalt  }
0x54: {  	_ =	shalt  }
0x55: {  	_ =	shalt  }
0x56: {  	_ =	shalt  }
0x57: {  	_ =	shalt  }
0x58: {  	_ =	shalt  }
0x59: {  	_ =	shalt  }
0x5a: {  	_ =	shalt  }
0x5b: {  	_ =	shalt  }
0x5c: {  	_ =	shalt  }
0x5d: {  	_ =	shalt  }
0x5e: {  	_ =	shalt  }
0x5f: {  	_ =	shalt  }
0x60: {  	_ =	shalt  }
0x61: {  	_ =	shalt  }
0x62: {  	_ =	shalt  }
0x63: {  	_ =	shalt  }
0x64: {  	_ =	shalt  }
0x65: {  	_ =	shalt  }
0x66: {  	_ =	shalt  }
0x67: {  	_ =	shalt  }
0x68: {  	_ =	shalt  }
0x69: {  	_ =	shalt  }
0x6a: {  	_ =	shalt  }
0x6b: {  	_ =	shalt  }
0x6c: {  	_ =	shalt  }
0x6d: {  	_ =	shalt  }
0x6e: {  	_ =	shalt  }
0x6f: {  	_ =	shalt  }
0x70: {  	_ =	shalt  }
0x71: {  	_ =	shalt  }
0x72: {  	_ =	shalt  }
0x73: {  	_ =	shalt  }
0x74: {  	_ =	shalt  }
0x75: {  	_ =	shalt  }
0x76: {  	_ =	shalt  }
0x77: {  	_ =	shalt  }
0x78: {  	_ =	shalt  }
0x79: {  	_ =	shalt  }
0x7a: {  	_ =	shalt  }
0x7b: {  	_ =	shalt  }
0x7c: {  	_ =	shalt  }
0x7d: {  	_ =	shalt  }
0x7e: {  	_ =	shalt  }
0x7f: {  	_ =	shalt  }
0x80: {  	_ =	shalt  }
0x81: {  	_ =	shalt  }
0x82: {  	_ =	shalt  }
0x83: {  	_ =	shalt  }
0x84: {  	_ =	shalt  }
0x85: {  	_ =	shalt  }
0x86: {  	_ =	shalt  }
0x87: {  	_ =	shalt  }
.Lfunc_end0:
.L_simem_size_0:
called_computation_lowered:
.L_overlay_start_0:
0x88: {  	s2 =	sld [smem:$0x3FD9]  }
0x89: {  	s3 =	sld [smem:$0x3FFE];
	_ =	sdelay $0x1  }
0x8a: {  	s1 =	srdreg.scid  }
0x8b: {  	s0 =	sand.u32 $0x1, s1  }
0x8c: {  	s17 =	sshll.u32 s0, $0xA;
	s2 =	sadd.s32 s3, s2  }
0x8d: {  	s2 =	sadd.s32 s2, s17  }
0x8e: {  	[smem:$0x3FC4] =	sst s2  }
0x8f: {  	_ = 	snop  }
0x90: {  	s2 =	sld [smem:$0x3FD0];
	(tm) =	ssettm $0x1  }
0x91: {  	s18 =	sld [smem:$0x3FFB];
	_ =	sdelay $0x3  }
0x92: {  	_ =	strace s18  }
0x93: {  	s3 =	sld [smem:$0x3FFC];
	_ =	sdelay $0x3  }
0x94: {  	_ =	strace s3  }
0x95: {  	s3 =	sld [smem:$0x3FFD];
	_ =	sdelay $0x3  }
0x96: {  	_ =	strace s3  }
0x97: {  	_ =	strace $0x8FFFFFFF  }
0x98: {  	s19 =	sld [smem:$0x3FDB];
	_ =	sdelay $0x1  }
0x99: {  	s4 =	simm.s32 $_scs_section_size  }
0x9a: {  	s5 =	simm.s32 $_size__tile_overlayer_lowered;
	s6 =	simm.s32 $_tile_overlayer_lowered  }
0x9b: {  	s22 =	simm.s32 $0x1BFF;
	s21 =	sshll.u32 s6, $0x1;
	s3 =	sadd.s32 s4, s19  }
0x9c: {  	s7 =	simm.s32 $0x0;
	s20 =	sshll.u32 s5, $0x1;
	s5 =	sadd.s32 s21, s3  }
0x9d: {  	[timem:s7], [sflag:s22] =	dma.local [hbm:s5], s20  }
0x9e: {  	_ =	swait.ge [sflag:s22], s20  }
0x9f: {  	s4 =	ssub.s32 $0x0, s20;
	[sflag:s22] =	ssyncset.done $0x0  }
0xa0: {  	[sflag:s22] =	ssyncadd.s32 s4;
	_ =	sdelay $0x1  }
0xa1: {  	s23 =	simm.s32 $0x1B8B  }
0xa2: {  	_ =	swait.ge [sflag:s23], $0x1  }
0xa3: {  	[sflag:s23] =	ssyncset.done $0x0  }
0xa4: {  	s25 =	simm.s32 $0x1B8E;
	s24 =	sld [smem:$0x3FFE];
	[sflag:s23] =	ssyncadd.s32 $0xFFFFFFFF  }
0xa5: {  	s26 =	simm.s32 $execute0_lowered;
	[smem:$0x3FD2] =	sst s25  }
0xa6: {  	s5 =	sshll.u32 s26, $0x1;
	_ =	strace $0x80000046;
	[dreg:$0x1] =	wrdreg $0xFFFFFFFF  }
0xa7: {  	s28 =	simm.s32 $_size_execute0_lowered;
	s3 =	sadd.s32 s3, s5;
	[dreg:$0x0] =	wrdreg $0x0  }
0xa8: {  	s5 =	sshll.u32 s28, $0x1;
	[dreg:$0x2] =	wrdreg s3  }
0xa9: {  	[dreg:$0x3] =	wrdreg s5  }
0xaa: {  	[dreg:$0x4] =	wrdreg $0xC0  }
0xab: {  	_ =	task [dreg:s7], $0x5FFFF  }
0xac: {  	[dreg:$0x1] =	wrdreg $0xFFFFFFFF  }
0xad: {  	[dreg:$0x0] =	wrdreg $0x60  }
0xae: {  	[dreg:$0x2] =	wrdreg s2  }
0xaf: {  	[dreg:$0x3] =	wrdreg s24  }
0xb0: {  	[dreg:$0x4] =	wrdreg $0x90000  }
0xb1: {  	[dreg:$0x5] =	wrdreg $0x9  }
0xb2: {  	_ =	task.clear_ibuf [dreg:s7], $0x6FFFF;
	_ =	strace $0x90000046  }
0xb3: {  	s29 =	simm.s32 $0x9;
	_ =	strace $0x80000048  }
0xb4: {  	_ =	swait.ge [sflag:s29], $0x1  }
0xb5: {  	[sflag:s29] =	ssyncadd.s32 $0xFFFFFFFF  }
0xb6: {  	_ =	strace $0x90000048  }
0xb7: {  	_ =	sfence  }
0xb8: {  	s30 =	sld [smem:$0x0];
	_ =	sdelay $0x2  }
0xb9: {  	s31 =	sshll.u32 s1, $0xD;
	s1 =	sshrl.u32 s1, $0x2  }
0xba: {  	s3 =	sand.u32 $0x4000, s31;
	s1 =	sadd.s32 s1, s30  }
0xbb: {  	s0 =	sor.u32 s3, s0;
	s1 =	sshll.u32 s1, $0x11  }
0xbc: {  	s0 =	sor.u32 s1, s0  }
0xbd: {  	s0 =	sadd.s32 $0x8F2B, s0  }
0xbe: {  	[sflag:s0] =	ssyncadd.remote.s32 $0x1  }
0xbf: {  	_ =	sfence.sel $0xFFFF  }
0xc0: {  	[dreg:$0x0] =	wrdreg $0xFFFFFFFF;
	(pc) =	sbr.abs _section_cstart, $3  }
0xc1: {  	[dreg:$0x1] =	wrdreg $0xFFFFFFFF  }
0xc2: {  	_ =	task.clear_ibuf [dreg:s7], $0x2FFFF;
	_ =	strace $0x9FFFFFFF  }
0xc3: {  	(tm) =	ssettm $0x7FFFFFFF  }
tec
execute0_lowered:
.L_overlay_start_1:
0x0: {  	(tag) =	ssettag $0x1  }
0x1: {  	s1 =	rddreg [dreg:$0x0]  }
0x2: {  	s0 =	rddreg [dreg:$0x1]  }
0x3: {  	s2 =	rddreg [dreg:$0x2]  }
0x4: {  	s3 =	srdreg.scid;
	s4 =	simm.s32 $0x0;
	s11 =	stileid.u32  }
0x5: {  	s28 =	simm.s32 $0x1;
	s29 =	simm.s32 $0x5000;
	s6 =	smul.u32 $0x13C00, s11  }
0x6: {  	s30 =	simm.s32 $0x2;
	s3 =	sand.u32 $0x1, s3;
	s10 =	smul.u32 $0x4F000, s11  }
0x7: {  	[smem:$0x7FF] =	sst s4;
	s7 =	sadd.s32 $0x14200, s0;
	s17 =	smul.u32 $0x4800, s11  }
0x8: {  	s8 =	sadd.s32 $0x2200, s0;
	s5 =	smul.u32 $0x13C000, s3;
	_ =	strace $0x80000047  }
0x9: {  	s13 =	ssub.s32 $0x2, s3;
	s14 =	sshll.u32 s3, $0x4;
	p0 =	seq.s32 s3, $0x0  }
0xa: {  	s3 =	smul.u32 $0x48000, s3;
	s9 =	sshrl.u32 s13, $0x1;
	s15 =	sor.u32 s11, s14  }
0xb: {  	s10 =	sshrl.u32 s10, $0x2;
	s5 =	sadd.s32 s6, s5;
	s6 =	ssub.s32 s13, s9  }
0xc: {  	s31 =	sadd.s32 s10, s2;
	s9 =	smul.u32 $0x4800, s15;
	s3 =	sadd.s32 s17, s3  }
0xd: {  	s13 =	simm.s32 $0x380;
	s15 =	simm.s32 $0x400;
	s5 =	sshrl.u32 s5, $0x3  }
0xe: {  	s10 =	sadd.s32 $0x4000, s31;
	s16 =	sadd.s32 $0x8000, s31;
	s11 =	sadd.s32 $0xC000, s31  }
0xf: {  	s12 =	sadd.s32 $0x10000, s31;
	s21 =	sor.u32 $0x200, s3;
	[dreg:$0x4] =	wrdreg s31  }
0x10: {  	s6 =	smax.u32 s6, $0x1;
	s24 =	sor.u32 $0x100, s3;
	[dreg:$0x5] =	wrdreg s10  }
0x11: {  	s26 =	sshrl.u32 s3, $0x3;
	s3 =	simm.s32 $0x0;
	[dreg:$0x6] =	wrdreg s16  }
0x12: {  	s0 =	sadd.s32 s5, s0;
	s5 =	simm.s32 $0x90;
	[dreg:$0x8] =	wrdreg s12  }
0x13: {  	s9 =	sshrl.u32 s9, $0x3;
	[dreg:$0xe] =	wrdreg s6;
	s25 =	sshrl.u32 s24, $0x3  }
0x14: {  	s24 =	simm.s32 $0x3;
	[dreg:$0x7] =	wrdreg s11;
	s18 =	sadd.s32 s7, s9  }
0x15: {  	s12 =	simm.s32 $0x300;
	s9 =	sadd.s32 s8, s9;
	[dreg:$0x9] =	wrdreg s18  }
0x16: {  	s16 =	simm.s32 $0x480;
	s19 =	sadd.s32 $0x26200, s0;
	[dreg:$0xa] =	wrdreg s9  }
0x17: {  	s5 =	simm.s32 @!p0 $0x10;
	s0 =	sadd.s32 $0x75200, s0;
	[dreg:$0xb] =	wrdreg s19  }
0x18: {  	s20 =	sshrl.u32 s5, $0x4;
	[dreg:$0xd] =	wrdreg s0;
	s22 =	sshll.u32 s5, $0x4  }
0x19: {  	s0 =	sshrl.u32 s21, $0x3;
	s21 =	sadd.s32 s25, s7;
	s18 =	simm.s32 $0x500  }
0x1a: {  	s19 =	simm.s32 $0x600;
	s9 =	simm.s32 $0x780;
	[dreg:$0xc] =	wrdreg s20  }
0x1b: {  	s17 =	sadd.s32 $0xFFFFFFE0, s22;
	s23 =	sadd.s32 s0, s8;
	s0 =	sadd.s32 s0, s7  }
0x1c: {  	s20 =	sadd.s32 s25, s8;
	s25 =	simm.s32 $0x580;
	s6 =	sadd.s32 $0xFFFFFFE0, s23  }
0x1d: {  	s8 =	simm.s32 $0x700;
	s0 =	sadd.s32 $0xFFFFFFE0, s0;
	[dreg:$0xf] =	wrdreg s6  }
0x1e: {  	s23 =	simm.s32 $0x1000;
	[dreg:$0x10] =	wrdreg s0;
	s0 =	sadd.s32 s26, s7  }
0x1f: {  	v0 =	vimm.f32 $0.0e+00;
	v1 =	vimm.f32 $1.000000000e+00;
	s26 =	simm.s32 $0x80;
	s7 =	simm.s32 $0x680;
	[dreg:$0x11] =	wrdreg s0  }
.LBB2_1:
0x20: {  	[dreg:$0x12] =	wrdreg s3;
	s6 =	simm.s32 $0x0;
	s10 =	simm.s32 $0x200  }
.LBB2_2:
0x21: {  	p0 =	sne.s32 s10, $0xFE00;
	[tilespmem:s6+$0x1070] =	vst v0  }
0x22: {  	[tilespmem:s6+$0x1000] =	vst v0  }
0x23: {  	[tilespmem:s6+$0x1010] =	vst v0  }
.Ltmp0:
0x24: {  	[tilespmem:s6+$0x1020] =	vst v0;
	(pc) =	sbr.rel @p0 .LBB2_2-.Ltmp0, $4  }
0x25: {  	[tilespmem:s6+$0x1030] =	vst v0  }
0x26: {  	[tilespmem:s6+$0x1040] =	vst v0  }
0x27: {  	[tilespmem:s6+$0x1050] =	vst v0  }
0x28: {  	[tilespmem:s6+$0x1060] =	vst v0;
	s6 =	sshra.s32 s10, $0x2;
	s10 =	sadd.s32 $0x200, s10  }
0x29: {  	[tilespmem:s6+$0x1070] =	vst v0  }
0x2a: {  	[tilespmem:s6+$0x1000] =	vst v0  }
0x2b: {  	[tilespmem:s6+$0x1010] =	vst v0  }
0x2c: {  	[tilespmem:s6+$0x1020] =	vst v0  }
0x2d: {  	[tilespmem:s6+$0x1030] =	vst v0  }
0x2e: {  	[tilespmem:s6+$0x1040] =	vst v0  }
0x2f: {  	[tilespmem:s6+$0x1050] =	vst v0  }
0x30: {  	[tilespmem:s6+$0x1060] =	vst v0  }
0x31: {  	[spmem:s31] =	stream.linear.scatter [tilespmem:s23], [sflag:$0x3], $0x4000, $0x38;
	[tilespmem:$0x1CC00] =	vst v63  }
0x32: {  	_ =	swait.ge [sflag:s24], $0x4000  }
0x33: {  	[sflag:s24] =	ssyncset.done $0x0  }
0x34: {  	s0 =	rddreg [dreg:$0x5];
	[sflag:s24] =	ssyncadd.s32 $0xFFFFC000  }
0x35: {  	[spmem:s0] =	stream.linear.scatter [tilespmem:s23], [sflag:$0x3], $0x4000, $0x38;
	[tilespmem:$0x1CC00] =	vst v63  }
0x36: {  	_ =	swait.ge [sflag:s24], $0x4000  }
0x37: {  	[sflag:s24] =	ssyncset.done $0x0  }
0x38: {  	s3 =	rddreg [dreg:$0x6];
	[sflag:s24] =	ssyncadd.s32 $0xFFFFC000  }
0x39: {  	[spmem:s3] =	stream.linear.scatter [tilespmem:s23], [sflag:$0x3], $0x4000, $0x38;
	[tilespmem:$0x1CC00] =	vst v63  }
0x3a: {  	_ =	swait.ge [sflag:s24], $0x4000  }
0x3b: {  	[sflag:s24] =	ssyncset.done $0x0  }
0x3c: {  	[sflag:s24] =	ssyncadd.s32 $0xFFFFC000  }
0x3d: {  	[spmem:s11] =	stream.linear.scatter [tilespmem:s23], [sflag:$0x3], $0x4000, $0x38;
	[tilespmem:$0x1CC00] =	vst v63  }
0x3e: {  	_ =	swait.ge [sflag:s24], $0x4000  }
0x3f: {  	[sflag:s24] =	ssyncset.done $0x0  }
0x40: {  	s6 =	rddreg [dreg:$0x8];
	[sflag:s24] =	ssyncadd.s32 $0xFFFFC000  }
0x41: {  	[spmem:s6] =	stream.linear.scatter [tilespmem:s23], [sflag:$0x3], $0x3C00, $0x38;
	[tilespmem:$0x1CC00] =	vst v63  }
0x42: {  	_ =	swait.ge [sflag:s24], $0x3C00  }
0x43: {  	[sflag:s24] =	ssyncset.done $0x0  }
0x44: {  	[sflag:s24] =	ssyncadd.s32 $0xFFFFC400  }
0x45: {  	[bflag:$0x0] =	sbarrier.arrive $0xFFFF  }
0x46: {  	s10 =	simm.s32 $0x0;
	s3 =	rddreg [dreg:$0x9]  }
0x47: {  	[tilespmem:s10], [sflag:$0x3] =	stream.linear.gather [hbm4b:s3+s10], $0x800, $0x38;
	[tilespmem:$0x1CC00] =	vst v63  }
0x48: {  	_ =	swait.ge [sflag:s24], $0x800  }
0x49: {  	[sflag:s24] =	ssyncset.done $0x0  }
0x4a: {  	s14 =	simm.s32 $0x800;
	s11 =	rddreg [dreg:$0xa];
	[sflag:s24] =	ssyncadd.s32 $0xFFFFF800  }
0x4b: {  	[tilespmem:s14], [sflag:$0x3] =	stream.linear.gather [hbm4b:s11+s10], $0x800, $0x38;
	[tilespmem:$0x1CC00] =	vst v63  }
0x4c: {  	_ =	swait.ge [sflag:s24], $0x800  }
0x4d: {  	[sflag:s24] =	ssyncset.done $0x0  }
0x4e: {  	[sflag:s24] =	ssyncadd.s32 $0xFFFFF800  }
0x4f: {  	[tilespmem:s23], [sflag:$0x1] =	stream.indirect.gather [hbm4b:s1+s26], $0x80, s14, s26, $0xb8;
	[tilespmem:$0x1CC00] =	vst v63  }
0x50: {  	_ =	swait.ge [sflag:s28], $0x4000  }
0x51: {  	s0 =	sand.u32 $0x700, s10;
	[sflag:s28] =	ssyncset.done $0x0  }
0x52: {  	s22 =	sor.u32 $0x880, s0;
	[sflag:s28] =	ssyncadd.s32 $0xFFFFC000  }
0x53: {  	[tilespmem:s29], [sflag:$0x2] =	stream.indirect.gather [hbm4b:s1+s26], $0x80, s22, s26, $0xb8;
	[tilespmem:$0x1CC00] =	vst v63  }
0x54: {  	_ = 	snop  }
0x55: {  	[spmem:s2] =	stream.indirect.scatter.add.f32 [tilespmem:s23], [sflag:$0x3], $0x80, s0, s26, $0xb8;
	[tilespmem:$0x1CC00] =	vst v63  }
0x56: {  	s14 =	simm.s32 $0x2;
	_ =	swait.ge [sflag:s24], $0x4000  }
0x57: {  	p0 =	sle.u32 s5, $0x2;
	s3 =	sand.u32 $0xE, s14;
	[sflag:s24] =	ssyncset.done $0x0  }
0x58: {  	p1 =	seq.s32 @!p0 s3, $0x0;
	[sflag:s24] =	ssyncadd.s32 $0xFFFFC000  }
0x59: {  	p1 =	por p1, p0;
	_ =	swait.ge [sflag:s30], $0x4000  }
0x5a: {  	s6 =	sshll.u32 @!p1 s3, $0x7;
	s10 =	simm.s32 @!p1 $0x1000;
	[sflag:s30] =	ssyncset.done $0x0  }
0x5b: {  	s22 =	simm.s32 @!p1 $0x80;
	s6 =	sor.u32 @!p1 $0x800, s6;
	[sflag:s30] =	ssyncadd.s32 $0xFFFFC000  }
0x5c: {  	[tilespmem:s10], [sflag:$0x1] =	stream.indirect.gather @!p1 [hbm4b:s1+s22], $0x80, s6, s22, $0xb8;
	[tilespmem:$0x1CC00] =	vst v63  }
0x5d: {  	s0 =	sor.u32 $0x80, s0;
	p1 =	sne.s32 @!p0 s3, $0x0  }
0x5e: {  	[spmem:s2] =	stream.indirect.scatter.add.f32 [tilespmem:s29], [sflag:$0x3], $0x80, s0, s26, $0xb8;
	[tilespmem:$0x1CC00] =	vst v63  }
0x5f: {  	p1 =	por p1, p0;
	_ =	swait.ge [sflag:s24], $0x4000  }
0x60: {  	s0 =	sadd.s32 @!p1 $0x0, s21;
	[sflag:s24] =	ssyncset.done $0x0  }
0x61: {  	s3 =	simm.s32 @!p1 $0x0;
	s10 =	simm.s32 @!p1 $0x3;
	[sflag:s24] =	ssyncadd.s32 $0xFFFFC000  }
0x62: {  	[tilespmem:s3], [sflag:$0x3] =	stream.linear.gather @!p1 [hbm4b:s0+s3], $0x800, $0x38;
	[tilespmem:$0x1CC00] =	vst v63  }
0x63: {  	p0 =	sne.s32 s17, $0x20;
	_ =	swait.ge @!p1 [sflag:s10], $0x800  }
.Ltmp1:
0x64: {  	[sflag:s10] =	ssyncset.done @!p1 $0x0;
	(pc) =	sbr.rel @!p0 .LBB2_5-.Ltmp1, $4  }
0x65: {  	s31 =	simm.s32 @!p1 $0x800;
	s0 =	sadd.s32 @!p1 $0x0, s20;
	[sflag:s10] =	ssyncadd.s32 @!p1 $0xFFFFF800  }
0x66: {  	[tilespmem:s31], [sflag:$0x3] =	stream.linear.gather @!p1 [hbm4b:s0+s3], $0x800, $0x38;
	[tilespmem:$0x1CC00] =	vst v63  }
0x67: {  	s6 =	simm.s32 $0x20;
	s22 =	simm.s32 $0x100;
	_ =	swait.ge @!p1 [sflag:s10], $0x800  }
0x68: {  	s0 =	simm.s32 @!p1 $0x80;
	s3 =	simm.s32 @!p1 $0x1000;
	[sflag:s10] =	ssyncset.done @!p1 $0x0  }
.LBB2_4:
0x69: {  	[sflag:s10] =	ssyncadd.s32 @!p1 $0xFFFFF800  }
0x6a: {  	s14 =	sadd.s32 $0x2, s14;
	s11 =	smov.u32 s6;
	s6 =	sadd.s32 $0x20, s6  }
0x6b: {  	[tilespmem:s3], [sflag:$0x1] =	stream.indirect.gather @!p1 [hbm4b:s1+s0], $0x80, s31, s0, $0xb8;
	[tilespmem:$0x1CC00] =	vst v63  }
0x6c: {  	s0 =	sand.u32 $0x700, s22;
	p0 =	sne.s32 s17, s6;
	_ =	swait.ge [sflag:s28], $0x4000  }
0x6d: {  	s3 =	sor.u32 $0x880, s0;
	[sflag:s28] =	ssyncset.done $0x0  }
0x6e: {  	[sflag:s28] =	ssyncadd.s32 $0xFFFFC000  }
0x6f: {  	[tilespmem:s29], [sflag:$0x2] =	stream.indirect.gather [hbm4b:s1+s26], $0x80, s3, s26, $0xb8;
	[tilespmem:$0x1CC00] =	vst v63  }
0x70: {  	_ = 	snop  }
0x71: {  	[spmem:s2] =	stream.indirect.scatter.add.f32 [tilespmem:s23], [sflag:$0x3], $0x80, s0, s26, $0xb8;
	[tilespmem:$0x1CC00] =	vst v63  }
0x72: {  	p1 =	sge.u32 s14, s5;
	s3 =	sand.u32 $0xE, s14;
	_ =	swait.ge [sflag:s24], $0x4000  }
0x73: {  	p3 =	seq.s32 @!p1 s3, $0x0;
	p2 =	sne.s32 @!p1 s3, $0x0;
	[sflag:s24] =	ssyncset.done $0x0  }
0x74: {  	p3 =	por p3, p1;
	[sflag:s24] =	ssyncadd.s32 $0xFFFFC000  }
0x75: {  	s3 =	sshll.u32 @!p3 s3, $0x7;
	s10 =	simm.s32 @!p3 $0x1000;
	_ =	swait.ge [sflag:s30], $0x4000  }
0x76: {  	s31 =	simm.s32 @!p3 $0x80;
	s3 =	sor.u32 @!p3 $0x800, s3;
	[sflag:s30] =	ssyncset.done $0x0  }
0x77: {  	[sflag:s30] =	ssyncadd.s32 $0xFFFFC000  }
0x78: {  	[tilespmem:s10], [sflag:$0x1] =	stream.indirect.gather @!p3 [hbm4b:s1+s31], $0x80, s3, s31, $0xb8;
	[tilespmem:$0x1CC00] =	vst v63  }
0x79: {  	s0 =	sor.u32 $0x80, s0  }
0x7a: {  	[spmem:s2] =	stream.indirect.scatter.add.f32 [tilespmem:s29], [sflag:$0x3], $0x80, s0, s26, $0xb8;
	[tilespmem:$0x1CC00] =	vst v63  }
0x7b: {  	p1 =	por p2, p1;
	_ =	swait.ge [sflag:s24], $0x4000  }
0x7c: {  	s3 =	simm.s32 @!p1 $0x0;
	s0 =	sadd.s32 @!p1 s11, s21;
	[sflag:s24] =	ssyncset.done $0x0  }
0x7d: {  	s10 =	simm.s32 @!p1 $0x3;
	[sflag:s24] =	ssyncadd.s32 $0xFFFFC000  }
0x7e: {  	[tilespmem:s3], [sflag:$0x3] =	stream.linear.gather @!p1 [hbm4b:s0+s3], $0x800, $0x38;
	[tilespmem:$0x1CC00] =	vst v63  }
0x7f: {  	s31 =	simm.s32 @!p1 $0x800;
	_ =	swait.ge @!p1 [sflag:s10], $0x800  }
.Ltmp2:
0x80: {  	s0 =	sadd.s32 @!p1 s11, s20;
	[sflag:s10] =	ssyncset.done @!p1 $0x0;
	(pc) =	sbr.rel @p0 .LBB2_4-.Ltmp2, $4  }
0x81: {  	[sflag:s10] =	ssyncadd.s32 @!p1 $0xFFFFF800  }
0x82: {  	[tilespmem:s31], [sflag:$0x3] =	stream.linear.gather @!p1 [hbm4b:s0+s3], $0x800, $0x38;
	[tilespmem:$0x1CC00] =	vst v63  }
0x83: {  	s22 =	sadd.s32 $0x100, s22;
	_ =	swait.ge @!p1 [sflag:s10], $0x800  }
0x84: {  	s0 =	simm.s32 @!p1 $0x80;
	s3 =	simm.s32 @!p1 $0x1000;
	[sflag:s10] =	ssyncset.done @!p1 $0x0  }
.LBB2_5:
0x85: {  	[sflag:s10] =	ssyncadd.s32 @!p1 $0xFFFFF800  }
0x86: {  	[tilespmem:s3], [sflag:$0x1] =	stream.indirect.gather @!p1 [hbm4b:s1+s0], $0x80, s31, s0, $0xb8;
	[tilespmem:$0x1CC00] =	vst v63  }
0x87: {  	_ =	swait.ge [sflag:s28], $0x4000  }
0x88: {  	s0 =	sand.u32 $0x700, s22;
	[sflag:s28] =	ssyncset.done $0x0  }
0x89: {  	s11 =	sor.u32 $0x880, s0;
	[sflag:s28] =	ssyncadd.s32 $0xFFFFC000  }
0x8a: {  	[tilespmem:s29], [sflag:$0x2] =	stream.indirect.gather [hbm4b:s1+s26], $0x80, s11, s26, $0xb8;
	[tilespmem:$0x1CC00] =	vst v63  }
0x8b: {  	_ = 	snop  }
0x8c: {  	[spmem:s2] =	stream.indirect.scatter.add.f32 [tilespmem:s23], [sflag:$0x3], $0x80, s0, s26, $0xb8;
	[tilespmem:$0x1CC00] =	vst v63  }
0x8d: {  	s22 =	sadd.s32 $0x2, s14;
	_ =	swait.ge [sflag:s24], $0x4000  }
0x8e: {  	s10 =	sand.u32 $0xE, s22;
	p0 =	sge.u32 s22, s5;
	[sflag:s24] =	ssyncset.done $0x0  }
0x8f: {  	p1 =	seq.s32 @!p0 s10, $0x0;
	[sflag:s24] =	ssyncadd.s32 $0xFFFFC000  }
0x90: {  	p1 =	por p1, p0;
	_ =	swait.ge [sflag:s30], $0x4000  }
0x91: {  	s3 =	sshll.u32 @!p1 s10, $0x7;
	s11 =	simm.s32 @!p1 $0x80;
	[sflag:s30] =	ssyncset.done $0x0  }
0x92: {  	s14 =	simm.s32 @!p1 $0x1000;
	s3 =	sor.u32 @!p1 $0x800, s3;
	[sflag:s30] =	ssyncadd.s32 $0xFFFFC000  }
0x93: {  	[tilespmem:s14], [sflag:$0x1] =	stream.indirect.gather @!p1 [hbm4b:s1+s11], $0x80, s3, s11, $0xb8;
	[tilespmem:$0x1CC00] =	vst v63  }
0x94: {  	s0 =	sor.u32 $0x80, s0  }
0x95: {  	[spmem:s2] =	stream.indirect.scatter.add.f32 [tilespmem:s29], [sflag:$0x3], $0x80, s0, s26, $0xb8;
	[tilespmem:$0x1CC00] =	vst v63  }
0x96: {  	p1 =	sne.s32 @!p0 s10, $0x0;
	_ =	swait.ge [sflag:s24], $0x4000  }
0x97: {  	p0 =	por p1, p0;
	[sflag:s24] =	ssyncset.done $0x0;
	s0 =	rddreg [dreg:$0x10]  }
0x98: {  	s3 =	simm.s32 @!p0 $0x0;
	[sflag:s24] =	ssyncadd.s32 $0xFFFFC000;
	s0 =	sadd.s32 @!p0 s6, s0  }
0x99: {  	[tilespmem:s3], [sflag:$0x3] =	stream.linear.gather @!p0 [hbm4b:s0+s3], $0x800, $0x38;
	[tilespmem:$0x1CC00] =	vst v63  }
0x9a: {  	s0 =	simm.s32 @!p0 $0x3  }
0x9b: {  	_ =	swait.ge @!p0 [sflag:s0], $0x800  }
0x9c: {  	[sflag:s0] =	ssyncset.done @!p0 $0x0;
	s10 =	rddreg [dreg:$0xf]  }
0x9d: {  	[sflag:s0] =	ssyncadd.s32 @!p0 $0xFFFFF800;
	s6 =	sadd.s32 @!p0 s6, s10;
	s10 =	simm.s32 @!p0 $0x800  }
0x9e: {  	[tilespmem:s10], [sflag:$0x3] =	stream.linear.gather @!p0 [hbm4b:s6+s3], $0x800, $0x38;
	[tilespmem:$0x1CC00] =	vst v63  }
0x9f: {  	_ =	swait.ge @!p0 [sflag:s0], $0x800  }
0xa0: {  	[sflag:s0] =	ssyncset.done @!p0 $0x0  }
0xa1: {  	s3 =	simm.s32 @!p0 $0x1000;
	[sflag:s0] =	ssyncadd.s32 @!p0 $0xFFFFF800;
	s0 =	simm.s32 @!p0 $0x80  }
0xa2: {  	[tilespmem:s3], [sflag:$0x1] =	stream.indirect.gather @!p0 [hbm4b:s1+s0], $0x80, s10, s0, $0xb8;
	[tilespmem:$0x1CC00] =	vst v63  }
0xa3: {  	s10 =	stileid.u32;
	[bflag:$0x0] =	sbarrier.arrive $0xFFFF  }
0xa4: {  	s0 =	sshll.u32 s10, $0x6;
	s31 =	rddreg [dreg:$0x4]  }
0xa5: {  	s11 =	sor.u32 $0x1C03, s0;
	s22 =	rddreg [dreg:$0xb]  }
0xa6: {  	s14 =	sshrl.u32 s31, $0x3;
	[dreg:$0x13] =	wrdreg s11  }
0xa7: {  	[dreg:$0x14] =	wrdreg s14  }
0xa8: {  	[hbm:s22], [sflag:s11] =	dma.local [spmem:s14], $0x2780  }
0xa9: {  	_ =	swait.ge [sflag:s24], $0x2780  }
0xaa: {  	[sflag:s24] =	ssyncset.done $0x0  }
0xab: {  	[sflag:s24] =	ssyncadd.s32 $0xFFFFD880  }
0xac: {  	s6 =	simm.s32 $0x0;
	s10 =	simm.s32 $0x200;
	[bflag:$0x0] =	sbarrier.arrive $0xFFFF  }
.LBB2_6:
0xad: {  	p0 =	sne.s32 s10, $0xFE00;
	[tilespmem:s6+$0x1070] =	vst v0  }
0xae: {  	[tilespmem:s6+$0x1000] =	vst v0  }
0xaf: {  	[tilespmem:s6+$0x1010] =	vst v0  }
.Ltmp3:
0xb0: {  	[tilespmem:s6+$0x1020] =	vst v0;
	(pc) =	sbr.rel @p0 .LBB2_6-.Ltmp3, $4  }
0xb1: {  	[tilespmem:s6+$0x1030] =	vst v0  }
0xb2: {  	[tilespmem:s6+$0x1040] =	vst v0  }
0xb3: {  	[tilespmem:s6+$0x1050] =	vst v0  }
0xb4: {  	[tilespmem:s6+$0x1060] =	vst v0;
	s6 =	sshra.s32 s10, $0x2;
	s10 =	sadd.s32 $0x200, s10  }
0xb5: {  	[tilespmem:s6+$0x1070] =	vst v0  }
0xb6: {  	[tilespmem:s6+$0x1000] =	vst v0  }
0xb7: {  	[tilespmem:s6+$0x1010] =	vst v0  }
0xb8: {  	[tilespmem:s6+$0x1020] =	vst v0  }
0xb9: {  	[tilespmem:s6+$0x1030] =	vst v0  }
0xba: {  	[tilespmem:s6+$0x1040] =	vst v0  }
0xbb: {  	[tilespmem:s6+$0x1050] =	vst v0  }
0xbc: {  	[tilespmem:s6+$0x1060] =	vst v0  }
0xbd: {  	[spmem:s31] =	stream.linear.scatter [tilespmem:s23], [sflag:$0x3], $0x4000, $0x38;
	[tilespmem:$0x1CC00] =	vst v63  }
0xbe: {  	_ =	swait.ge [sflag:s24], $0x4000  }
0xbf: {  	[sflag:s24] =	ssyncset.done $0x0  }
0xc0: {  	s0 =	rddreg [dreg:$0x5];
	[sflag:s24] =	ssyncadd.s32 $0xFFFFC000  }
0xc1: {  	[spmem:s0] =	stream.linear.scatter [tilespmem:s23], [sflag:$0x3], $0x4000, $0x38;
	[tilespmem:$0x1CC00] =	vst v63  }
0xc2: {  	_ =	swait.ge [sflag:s24], $0x4000  }
0xc3: {  	[sflag:s24] =	ssyncset.done $0x0  }
0xc4: {  	s14 =	rddreg [dreg:$0x6];
	[sflag:s24] =	ssyncadd.s32 $0xFFFFC000  }
0xc5: {  	[spmem:s14] =	stream.linear.scatter [tilespmem:s23], [sflag:$0x3], $0x4000, $0x38;
	[tilespmem:$0x1CC00] =	vst v63  }
0xc6: {  	_ =	swait.ge [sflag:s24], $0x4000  }
0xc7: {  	[sflag:s24] =	ssyncset.done $0x0  }
0xc8: {  	s11 =	rddreg [dreg:$0x7];
	[sflag:s24] =	ssyncadd.s32 $0xFFFFC000  }
0xc9: {  	[spmem:s11] =	stream.linear.scatter [tilespmem:s23], [sflag:$0x3], $0x4000, $0x38;
	[tilespmem:$0x1CC00] =	vst v63  }
0xca: {  	_ =	swait.ge [sflag:s24], $0x4000  }
0xcb: {  	[sflag:s24] =	ssyncset.done $0x0  }
0xcc: {  	s22 =	rddreg [dreg:$0x8];
	[sflag:s24] =	ssyncadd.s32 $0xFFFFC000  }
0xcd: {  	[spmem:s22] =	stream.linear.scatter [tilespmem:s23], [sflag:$0x3], $0x3C00, $0x38;
	[tilespmem:$0x1CC00] =	vst v63  }
0xce: {  	_ =	swait.ge [sflag:s24], $0x3C00  }
0xcf: {  	s6 =	simm.s32 $0x0;
	[sflag:s24] =	ssyncset.done $0x0  }
0xd0: {  	s10 =	simm.s32 $0x200;
	s3 =	simm.s32 $0x100;
	[sflag:s24] =	ssyncadd.s32 $0xFFFFC400  }
.LBB2_8:
0xd1: {  	p0 =	sne.s32 s10, $0xFE00;
	[tilespmem:s6+$0x1070] =	vst v1  }
0xd2: {  	[tilespmem:s6+$0x1000] =	vst v1  }
0xd3: {  	[tilespmem:s6+$0x1010] =	vst v1  }
.Ltmp4:
0xd4: {  	[tilespmem:s6+$0x1020] =	vst v1;
	(pc) =	sbr.rel @p0 .LBB2_8-.Ltmp4, $4  }
0xd5: {  	[tilespmem:s6+$0x1030] =	vst v1  }
0xd6: {  	[tilespmem:s6+$0x1040] =	vst v1  }
0xd7: {  	[tilespmem:s6+$0x1050] =	vst v1  }
0xd8: {  	[tilespmem:s6+$0x1060] =	vst v1;
	s6 =	sshra.s32 s10, $0x2;
	s10 =	sadd.s32 $0x200, s10  }
0xd9: {  	[tilespmem:s6+$0x1070] =	vst v1  }
0xda: {  	[tilespmem:s6+$0x1000] =	vst v1  }
0xdb: {  	[tilespmem:s6+$0x1010] =	vst v1  }
0xdc: {  	[tilespmem:s6+$0x1020] =	vst v1  }
0xdd: {  	[tilespmem:s6+$0x1030] =	vst v1  }
0xde: {  	[tilespmem:s6+$0x1040] =	vst v1  }
0xdf: {  	[tilespmem:s6+$0x1050] =	vst v1  }
0xe0: {  	[tilespmem:s6+$0x1060] =	vst v1  }
0xe1: {  	[bflag:$0x0] =	sbarrier.arrive $0xFFFF  }
0xe2: {  	s14 =	rddreg [dreg:$0x11]  }
0xe3: {  	[tilespmem:s4], [sflag:$0x3] =	stream.linear.gather [hbm4b:s14+s4], $0x800, $0x38;
	[tilespmem:$0x1CC00] =	vst v63  }
0xe4: {  	_ =	swait.ge [sflag:s24], $0x800  }
0xe5: {  	[sflag:s24] =	ssyncset.done $0x0  }
0xe6: {  	[sflag:s24] =	ssyncadd.s32 $0xFFFFF800  }
0xe7: {  	[spmem:s2] =	stream.indirect.scatter.add.f32 [tilespmem:s23], [sflag:$0x1], $0x80, s4, s26, $0xb8;
	[tilespmem:$0x1CC00] =	vst v63  }
0xe8: {  	_ = 	snop  }
0xe9: {  	[spmem:s2] =	stream.indirect.scatter.add.f32 [tilespmem:s23], [sflag:$0x1], $0x80, s26, s26, $0xb8;
	[tilespmem:$0x1CC00] =	vst v63  }
0xea: {  	_ = 	snop  }
0xeb: {  	[spmem:s2] =	stream.indirect.scatter.add.f32 [tilespmem:s23], [sflag:$0x1], $0x80, s3, s26, $0xb8;
	[tilespmem:$0x1CC00] =	vst v63  }
0xec: {  	s10 =	simm.s32 $0x180  }
0xed: {  	[spmem:s2] =	stream.indirect.scatter.add.f32 [tilespmem:s23], [sflag:$0x1], $0x80, s10, s26, $0xb8;
	[tilespmem:$0x1CC00] =	vst v63  }
0xee: {  	s0 =	simm.s32 $0x200  }
0xef: {  	[spmem:s2] =	stream.indirect.scatter.add.f32 [tilespmem:s23], [sflag:$0x1], $0x80, s0, s26, $0xb8;
	[tilespmem:$0x1CC00] =	vst v63  }
0xf0: {  	s22 =	simm.s32 $0x280  }
0xf1: {  	[spmem:s2] =	stream.indirect.scatter.add.f32 [tilespmem:s23], [sflag:$0x1], $0x80, s22, s26, $0xb8;
	[tilespmem:$0x1CC00] =	vst v63  }
0xf2: {  	_ = 	snop  }
0xf3: {  	[spmem:s2] =	stream.indirect.scatter.add.f32 [tilespmem:s23], [sflag:$0x1], $0x80, s12, s26, $0xb8;
	[tilespmem:$0x1CC00] =	vst v63  }
0xf4: {  	_ = 	snop  }
0xf5: {  	[spmem:s2] =	stream.indirect.scatter.add.f32 [tilespmem:s23], [sflag:$0x1], $0x80, s13, s26, $0xb8;
	[tilespmem:$0x1CC00] =	vst v63  }
0xf6: {  	_ = 	snop  }
0xf7: {  	[spmem:s2] =	stream.indirect.scatter.add.f32 [tilespmem:s23], [sflag:$0x1], $0x80, s15, s26, $0xb8;
	[tilespmem:$0x1CC00] =	vst v63  }
0xf8: {  	_ = 	snop  }
0xf9: {  	[spmem:s2] =	stream.indirect.scatter.add.f32 [tilespmem:s23], [sflag:$0x1], $0x80, s16, s26, $0xb8;
	[tilespmem:$0x1CC00] =	vst v63  }
0xfa: {  	_ = 	snop  }
0xfb: {  	[spmem:s2] =	stream.indirect.scatter.add.f32 [tilespmem:s23], [sflag:$0x1], $0x80, s18, s26, $0xb8;
	[tilespmem:$0x1CC00] =	vst v63  }
0xfc: {  	_ = 	snop  }
0xfd: {  	[spmem:s2] =	stream.indirect.scatter.add.f32 [tilespmem:s23], [sflag:$0x1], $0x80, s25, s26, $0xb8;
	[tilespmem:$0x1CC00] =	vst v63  }
0xfe: {  	_ = 	snop  }
0xff: {  	[spmem:s2] =	stream.indirect.scatter.add.f32 [tilespmem:s23], [sflag:$0x1], $0x80, s19, s26, $0xb8;
	[tilespmem:$0x1CC00] =	vst v63  }
0x100: {  	_ = 	snop  }
0x101: {  	[spmem:s2] =	stream.indirect.scatter.add.f32 [tilespmem:s23], [sflag:$0x1], $0x80, s7, s26, $0xb8;
	[tilespmem:$0x1CC00] =	vst v63  }
0x102: {  	_ = 	snop  }
0x103: {  	[spmem:s2] =	stream.indirect.scatter.add.f32 [tilespmem:s23], [sflag:$0x1], $0x80, s8, s26, $0xb8;
	[tilespmem:$0x1CC00] =	vst v63  }
0x104: {  	_ = 	snop  }
0x105: {  	[spmem:s2] =	stream.indirect.scatter.add.f32 [tilespmem:s23], [sflag:$0x1], $0x80, s9, s26, $0xb8;
	[tilespmem:$0x1CC00] =	vst v63  }
0x106: {  	_ =	swait.ge [sflag:s28], $0x4000  }
0x107: {  	[sflag:s28] =	ssyncset.done $0x0  }
0x108: {  	[sflag:s28] =	ssyncadd.s32 $0xFFFFC000  }
0x109: {  	_ =	swait.ge [sflag:s28], $0x4000  }
0x10a: {  	[sflag:s28] =	ssyncset.done $0x0  }
0x10b: {  	[sflag:s28] =	ssyncadd.s32 $0xFFFFC000  }
0x10c: {  	_ =	swait.ge [sflag:s28], $0x4000  }
0x10d: {  	[sflag:s28] =	ssyncset.done $0x0  }
0x10e: {  	[sflag:s28] =	ssyncadd.s32 $0xFFFFC000  }
0x10f: {  	_ =	swait.ge [sflag:s28], $0x4000  }
0x110: {  	[sflag:s28] =	ssyncset.done $0x0  }
0x111: {  	[sflag:s28] =	ssyncadd.s32 $0xFFFFC000  }
0x112: {  	_ =	swait.ge [sflag:s28], $0x4000  }
0x113: {  	[sflag:s28] =	ssyncset.done $0x0  }
0x114: {  	[sflag:s28] =	ssyncadd.s32 $0xFFFFC000  }
0x115: {  	_ =	swait.ge [sflag:s28], $0x4000  }
0x116: {  	[sflag:s28] =	ssyncset.done $0x0  }
0x117: {  	[sflag:s28] =	ssyncadd.s32 $0xFFFFC000  }
0x118: {  	_ =	swait.ge [sflag:s28], $0x4000  }
0x119: {  	[sflag:s28] =	ssyncset.done $0x0  }
0x11a: {  	[sflag:s28] =	ssyncadd.s32 $0xFFFFC000  }
0x11b: {  	_ =	swait.ge [sflag:s28], $0x4000  }
0x11c: {  	[sflag:s28] =	ssyncset.done $0x0  }
0x11d: {  	[sflag:s28] =	ssyncadd.s32 $0xFFFFC000  }
0x11e: {  	_ =	swait.ge [sflag:s28], $0x4000  }
0x11f: {  	[sflag:s28] =	ssyncset.done $0x0  }
0x120: {  	[sflag:s28] =	ssyncadd.s32 $0xFFFFC000  }
0x121: {  	_ =	swait.ge [sflag:s28], $0x4000  }
0x122: {  	[sflag:s28] =	ssyncset.done $0x0  }
0x123: {  	[sflag:s28] =	ssyncadd.s32 $0xFFFFC000  }
0x124: {  	_ =	swait.ge [sflag:s28], $0x4000  }
0x125: {  	[sflag:s28] =	ssyncset.done $0x0  }
0x126: {  	[sflag:s28] =	ssyncadd.s32 $0xFFFFC000  }
0x127: {  	_ =	swait.ge [sflag:s28], $0x4000  }
0x128: {  	[sflag:s28] =	ssyncset.done $0x0  }
0x129: {  	[sflag:s28] =	ssyncadd.s32 $0xFFFFC000  }
0x12a: {  	_ =	swait.ge [sflag:s28], $0x4000  }
0x12b: {  	[sflag:s28] =	ssyncset.done $0x0  }
0x12c: {  	[sflag:s28] =	ssyncadd.s32 $0xFFFFC000  }
0x12d: {  	_ =	swait.ge [sflag:s28], $0x4000  }
0x12e: {  	[sflag:s28] =	ssyncset.done $0x0  }
0x12f: {  	[sflag:s28] =	ssyncadd.s32 $0xFFFFC000  }
0x130: {  	_ =	swait.ge [sflag:s28], $0x4000  }
0x131: {  	s6 =	rddreg [dreg:$0xc]  }
0x132: {  	p0 =	sne.s32 s6, $0x1  }
.Ltmp5:
0x133: {  	_ = 	snop;
	(pc) =	sbr.rel @!p0 .LBB2_11-.Ltmp5, $4  }
0x134: {  	[sflag:s28] =	ssyncset.done $0x0  }
0x135: {  	[sflag:s28] =	ssyncadd.s32 $0xFFFFC000  }
0x136: {  	_ =	swait.ge [sflag:s28], $0x4000  }
0x137: {  	s0 =	simm.s32 $0x200;
	s6 =	sadd.s32 $0xFFFFFFFF, s6;
	[sflag:s28] =	ssyncset.done $0x0  }
.LBB2_10:
0x138: {  	p0 =	sne.s32 s6, $0x1;
	[sflag:s28] =	ssyncadd.s32 $0xFFFFC000;
	s14 =	sadd.s32 $0x100, s14  }
0x139: {  	[tilespmem:s4], [sflag:$0x3] =	stream.linear.gather [hbm4b:s14+s4], $0x800, $0x38;
	[tilespmem:$0x1CC00] =	vst v63  }
0x13a: {  	s6 =	sadd.s32 $0xFFFFFFFF, s6;
	_ =	swait.ge [sflag:s24], $0x800  }
0x13b: {  	[sflag:s24] =	ssyncset.done $0x0  }
0x13c: {  	[sflag:s24] =	ssyncadd.s32 $0xFFFFF800  }
0x13d: {  	[spmem:s2] =	stream.indirect.scatter.add.f32 [tilespmem:s23], [sflag:$0x1], $0x80, s4, s26, $0xb8;
	[tilespmem:$0x1CC00] =	vst v63  }
0x13e: {  	_ = 	snop  }
0x13f: {  	[spmem:s2] =	stream.indirect.scatter.add.f32 [tilespmem:s23], [sflag:$0x1], $0x80, s26, s26, $0xb8;
	[tilespmem:$0x1CC00] =	vst v63  }
0x140: {  	_ = 	snop  }
0x141: {  	[spmem:s2] =	stream.indirect.scatter.add.f32 [tilespmem:s23], [sflag:$0x1], $0x80, s3, s26, $0xb8;
	[tilespmem:$0x1CC00] =	vst v63  }
0x142: {  	_ = 	snop  }
0x143: {  	[spmem:s2] =	stream.indirect.scatter.add.f32 [tilespmem:s23], [sflag:$0x1], $0x80, s10, s26, $0xb8;
	[tilespmem:$0x1CC00] =	vst v63  }
0x144: {  	_ = 	snop  }
0x145: {  	[spmem:s2] =	stream.indirect.scatter.add.f32 [tilespmem:s23], [sflag:$0x1], $0x80, s0, s26, $0xb8;
	[tilespmem:$0x1CC00] =	vst v63  }
0x146: {  	_ = 	snop  }
0x147: {  	[spmem:s2] =	stream.indirect.scatter.add.f32 [tilespmem:s23], [sflag:$0x1], $0x80, s22, s26, $0xb8;
	[tilespmem:$0x1CC00] =	vst v63  }
0x148: {  	_ = 	snop  }
0x149: {  	[spmem:s2] =	stream.indirect.scatter.add.f32 [tilespmem:s23], [sflag:$0x1], $0x80, s12, s26, $0xb8;
	[tilespmem:$0x1CC00] =	vst v63  }
0x14a: {  	_ = 	snop  }
0x14b: {  	[spmem:s2] =	stream.indirect.scatter.add.f32 [tilespmem:s23], [sflag:$0x1], $0x80, s13, s26, $0xb8;
	[tilespmem:$0x1CC00] =	vst v63  }
0x14c: {  	_ = 	snop  }
0x14d: {  	[spmem:s2] =	stream.indirect.scatter.add.f32 [tilespmem:s23], [sflag:$0x1], $0x80, s15, s26, $0xb8;
	[tilespmem:$0x1CC00] =	vst v63  }
0x14e: {  	_ = 	snop  }
0x14f: {  	[spmem:s2] =	stream.indirect.scatter.add.f32 [tilespmem:s23], [sflag:$0x1], $0x80, s16, s26, $0xb8;
	[tilespmem:$0x1CC00] =	vst v63  }
0x150: {  	_ = 	snop  }
0x151: {  	[spmem:s2] =	stream.indirect.scatter.add.f32 [tilespmem:s23], [sflag:$0x1], $0x80, s18, s26, $0xb8;
	[tilespmem:$0x1CC00] =	vst v63  }
0x152: {  	_ = 	snop  }
0x153: {  	[spmem:s2] =	stream.indirect.scatter.add.f32 [tilespmem:s23], [sflag:$0x1], $0x80, s25, s26, $0xb8;
	[tilespmem:$0x1CC00] =	vst v63  }
0x154: {  	_ = 	snop  }
0x155: {  	[spmem:s2] =	stream.indirect.scatter.add.f32 [tilespmem:s23], [sflag:$0x1], $0x80, s19, s26, $0xb8;
	[tilespmem:$0x1CC00] =	vst v63  }
0x156: {  	_ = 	snop  }
0x157: {  	[spmem:s2] =	stream.indirect.scatter.add.f32 [tilespmem:s23], [sflag:$0x1], $0x80, s7, s26, $0xb8;
	[tilespmem:$0x1CC00] =	vst v63  }
0x158: {  	_ = 	snop  }
0x159: {  	[spmem:s2] =	stream.indirect.scatter.add.f32 [tilespmem:s23], [sflag:$0x1], $0x80, s8, s26, $0xb8;
	[tilespmem:$0x1CC00] =	vst v63  }
0x15a: {  	_ = 	snop  }
0x15b: {  	[spmem:s2] =	stream.indirect.scatter.add.f32 [tilespmem:s23], [sflag:$0x1], $0x80, s9, s26, $0xb8;
	[tilespmem:$0x1CC00] =	vst v63  }
0x15c: {  	_ =	swait.ge [sflag:s28], $0x4000  }
0x15d: {  	[sflag:s28] =	ssyncset.done $0x0  }
0x15e: {  	[sflag:s28] =	ssyncadd.s32 $0xFFFFC000  }
0x15f: {  	_ =	swait.ge [sflag:s28], $0x4000  }
0x160: {  	[sflag:s28] =	ssyncset.done $0x0  }
0x161: {  	[sflag:s28] =	ssyncadd.s32 $0xFFFFC000  }
0x162: {  	_ =	swait.ge [sflag:s28], $0x4000  }
0x163: {  	[sflag:s28] =	ssyncset.done $0x0  }
0x164: {  	[sflag:s28] =	ssyncadd.s32 $0xFFFFC000  }
0x165: {  	_ =	swait.ge [sflag:s28], $0x4000  }
0x166: {  	[sflag:s28] =	ssyncset.done $0x0  }
0x167: {  	[sflag:s28] =	ssyncadd.s32 $0xFFFFC000  }
0x168: {  	_ =	swait.ge [sflag:s28], $0x4000  }
0x169: {  	[sflag:s28] =	ssyncset.done $0x0  }
0x16a: {  	[sflag:s28] =	ssyncadd.s32 $0xFFFFC000  }
0x16b: {  	_ =	swait.ge [sflag:s28], $0x4000  }
0x16c: {  	[sflag:s28] =	ssyncset.done $0x0  }
0x16d: {  	[sflag:s28] =	ssyncadd.s32 $0xFFFFC000  }
0x16e: {  	_ =	swait.ge [sflag:s28], $0x4000  }
0x16f: {  	[sflag:s28] =	ssyncset.done $0x0  }
0x170: {  	[sflag:s28] =	ssyncadd.s32 $0xFFFFC000  }
0x171: {  	_ =	swait.ge [sflag:s28], $0x4000  }
0x172: {  	[sflag:s28] =	ssyncset.done $0x0  }
0x173: {  	[sflag:s28] =	ssyncadd.s32 $0xFFFFC000  }
0x174: {  	_ =	swait.ge [sflag:s28], $0x4000  }
0x175: {  	[sflag:s28] =	ssyncset.done $0x0  }
0x176: {  	[sflag:s28] =	ssyncadd.s32 $0xFFFFC000  }
0x177: {  	_ =	swait.ge [sflag:s28], $0x4000  }
0x178: {  	[sflag:s28] =	ssyncset.done $0x0  }
0x179: {  	[sflag:s28] =	ssyncadd.s32 $0xFFFFC000  }
0x17a: {  	_ =	swait.ge [sflag:s28], $0x4000  }
0x17b: {  	[sflag:s28] =	ssyncset.done $0x0  }
0x17c: {  	[sflag:s28] =	ssyncadd.s32 $0xFFFFC000  }
0x17d: {  	_ =	swait.ge [sflag:s28], $0x4000  }
0x17e: {  	[sflag:s28] =	ssyncset.done $0x0  }
0x17f: {  	[sflag:s28] =	ssyncadd.s32 $0xFFFFC000  }
0x180: {  	_ =	swait.ge [sflag:s28], $0x4000  }
0x181: {  	[sflag:s28] =	ssyncset.done $0x0  }
0x182: {  	[sflag:s28] =	ssyncadd.s32 $0xFFFFC000  }
0x183: {  	_ =	swait.ge [sflag:s28], $0x4000  }
0x184: {  	[sflag:s28] =	ssyncset.done $0x0  }
0x185: {  	[sflag:s28] =	ssyncadd.s32 $0xFFFFC000  }
.Ltmp6:
0x186: {  	_ =	swait.ge [sflag:s28], $0x4000;
	(pc) =	sbr.rel @p0 .LBB2_10-.Ltmp6, $4  }
0x187: {  	[sflag:s28] =	ssyncset.done $0x0  }
0x188: {  	[sflag:s28] =	ssyncadd.s32 $0xFFFFC000  }
0x189: {  	_ =	swait.ge [sflag:s28], $0x4000  }
0x18a: {  	[sflag:s28] =	ssyncset.done $0x0  }
.LBB2_11:
0x18b: {  	[sflag:s28] =	ssyncadd.s32 $0xFFFFC000  }
0x18c: {  	[bflag:$0x0] =	sbarrier.arrive $0xFFFF  }
0x18d: {  	s0 =	rddreg [dreg:$0xd]  }
0x18e: {  	s3 =	rddreg [dreg:$0x13]  }
0x18f: {  	s6 =	rddreg [dreg:$0x14]  }
0x190: {  	[hbm:s0], [sflag:s3] =	dma.local [spmem:s6], $0x2780  }
0x191: {  	_ =	swait.ge [sflag:s24], $0x2780  }
0x192: {  	s14 =	rddreg [dreg:$0x12]  }
0x193: {  	s22 =	rddreg [dreg:$0xe];
	s3 =	sadd.s32 $0x1, s14  }
0x194: {  	p0 =	sne.s32 s3, s22  }
.Ltmp7:
0x195: {  	_ = 	snop;
	(pc) =	sbr.rel @p0 .LBB2_1-.Ltmp7, $3  }
0x196: {  	_ =	sdelay $0x1  }
0x197: {  	[sflag:s24] =	ssyncset.done $0x0  }
0x198: {  	[sflag:s24] =	ssyncadd.s32 $0xFFFFD880  }
0x199: {  	_ =	sfence.sel $0x180000  }
0x19a: {  	[bflag:$0x0] =	sbarrier.arrive $0xFFFF  }
0x19b: {  	_ =	strace $0x90000047  }
0x19c: {  	s0 =	stileid.u32;
	[bflag:$0x2] =	sbarrier.arrive $0xFFFF  }
0x19d: {  	p0 =	sne.s32 s0, $0x0;
	s0 =	rddreg [dreg:$0x3]  }
0x19e: {  	s0 =	sadd.s32 @!p0 $0x100000, s0  }
0x19f: {  	[sflag:s0] =	ssyncadd.tile.s32 @!p0 $0x1;
	_ =	shalt  }
.Lfunc_end2:
_tile_overlayer_lowered:
.L_overlay_start_2:
0x1a0: {  	(tag) =	ssettag $0x2  }
0x1a1: {  	s0 =	rddreg [dreg:$0x0];
	s2 =	stileid.u32  }
0x1a2: {  	s1 =	rddreg [dreg:$0x1];
	p0 =	sne.s32 s2, $0x0  }
0x1a3: {  	s3 =	rddreg [dreg:$0x2];
	[bflag:$0x3] =	sbarrier.arrive $0xFFFF;
	s2 =	simm.s32 @!p0 $0x1C03  }
0x1a4: {  	[timem:s3], [sflag:s2] =	dma.local @!p0 [hbm:s0], s1  }
0x1a5: {  	s0 =	simm.s32 @!p0 $0x3  }
0x1a6: {  	_ =	swait.ge @!p0 [sflag:s0], s1  }
0x1a7: {  	s1 =	ssub.s32 @!p0 $0x0, s1;
	[sflag:s0] =	ssyncset.done @!p0 $0x0  }
0x1a8: {  	[sflag:s0] =	ssyncadd.s32 @!p0 s1  }
0x1a9: {  	[bflag:$0x3] =	sbarrier.arrive $0xFFFF  }
0x1aa: {  	_ =	shalt  }

</sc_bundles>
